<compile_context>
chip_gen: v7x
topology: tpu7x:2x2x1
jax: 0.10.2.dev20260603
libtpu: 0.0.44.dev20260713+nightly
codegen_flags: <defaults>
</compile_context>

<pallas_src>
import functools

import jax
import jax.numpy as jnp
from jax import lax
from jax.experimental import pallas as pl
from jax.experimental.pallas import tpu as pltpu
from jax.experimental.pallas import tpu_sc as plsc

B = 16384
HALF = 32
DIM = 64
FEAT = 4 * HALF
NREL = 1000

NC = 2
NS = 16
NW = NC * NS
BPW = B // NW


@functools.lru_cache(maxsize=1)
def _build_gather4():
    mesh = plsc.VectorSubcoreMesh(core_axis_name="c", subcore_axis_name="s")

    @functools.partial(
        pl.kernel,
        out_type=jax.ShapeDtypeStruct((B, FEAT), jnp.float32),
        mesh=mesh,
        scratch_types=[
            pltpu.VMEM((BPW,), jnp.int32),
            pltpu.VMEM((BPW,), jnp.int32),
            pltpu.VMEM((BPW, FEAT), jnp.float32),
            pltpu.SemaphoreType.DMA,
        ],
    )
    def _gather4(re_hbm, im_hbm, src_hbm, tgt_hbm, feats_hbm,
                 idx_s, idx_t, buf, sem):
        wid = lax.axis_index("s") * NC + lax.axis_index("c")
        base = wid * BPW
        pltpu.sync_copy(src_hbm.at[pl.ds(base, BPW)], idx_s)
        pltpu.sync_copy(tgt_hbm.at[pl.ds(base, BPW)], idx_t)

        def body(g, carry):
            vs = idx_s[pl.ds(g * 16, 16)]
            vt = idx_t[pl.ds(g * 16, 16)]
            for k in range(16):
                j = g * 16 + k
                s = vs[k]
                t = vt[k]
                pltpu.async_copy(re_hbm.at[s], buf.at[j, pl.ds(0, HALF)], sem)
                pltpu.async_copy(im_hbm.at[s], buf.at[j, pl.ds(HALF, HALF)],
                                 sem)
                pltpu.async_copy(re_hbm.at[t],
                                 buf.at[j, pl.ds(2 * HALF, HALF)], sem)
                pltpu.async_copy(im_hbm.at[t],
                                 buf.at[j, pl.ds(3 * HALF, HALF)], sem)
            return carry

        lax.fori_loop(0, BPW // 16, body, 0)
        pltpu.make_async_copy(feats_hbm.at[pl.ds(base, BPW)], buf, sem).wait()
        pltpu.sync_copy(buf, feats_hbm.at[pl.ds(base, BPW)])

    return _gather4


_RT = 2048


def _erf(x):
    a1, a2, a3 = 0.254829592, -0.284496736, 1.421413741
    a4, a5, p = -1.453152027, 1.061405429, 0.3275911
    s = jnp.sign(x)
    ax = jnp.abs(x)
    t = 1.0 / (1.0 + p * ax)
    poly = t * (a1 + t * (a2 + t * (a3 + t * (a4 + t * a5))))
    return s * (1.0 - poly * jnp.exp(-ax * ax))


def _mlp_body(feats, w1, b1, w2, b2, out):
    h = jnp.dot(feats[...], w1[...], preferred_element_type=jnp.float32)
    h += b1[...]
    h = 0.5 * h * (1.0 + _erf(h * 0.7071067811865476))
    out[...] = jnp.dot(h, w2[...], preferred_element_type=jnp.float32) + b2[...]


def _mlp(feats, W1, b1, W2, b2):
    grid = (B // _RT,)
    full = lambda shape: pl.BlockSpec(shape, lambda i: tuple(0 for _ in shape))
    return pl.pallas_call(
        _mlp_body,
        grid=grid,
        in_specs=[
            pl.BlockSpec((_RT, FEAT), lambda i: (i, 0)),
            full((FEAT, DIM)),
            full((DIM,)),
            full((DIM, NREL)),
            full((NREL,)),
        ],
        out_specs=pl.BlockSpec((_RT, NREL), lambda i: (i, 0)),
        out_shape=jax.ShapeDtypeStruct((B, NREL), jnp.float32),
        compiler_params=pltpu.CompilerParams(
            dimension_semantics=("arbitrary",),
        ),
    )(feats, W1, b1, W2, b2)


def kernel(src, tgt, entity_re, entity_im, W1, b1, W2, b2):
    feats = _build_gather4()(entity_re, entity_im,
                             src.astype(jnp.int32), tgt.astype(jnp.int32))
    return _mlp(feats, W1, b1, W2, b2)

# --- scband reference (transcript-rebuilt; emitter-appended) ---
"""Pipeline reference for scband-rotat-e-45621142618350 (READ-ONLY COPY).

The authoritative reference and input builder live on the scoring server;
editing this copy changes nothing except your own understanding.
"""

import jax, jax.numpy as jnp
import numpy as np

NUM_ENTITIES = 1000000
NUM_RELATIONS = 1000
DIM = 64
HALF = DIM // 2
B = 16384


def _xavier_uniform(key, shape):
    bound = float(np.sqrt(6.0 / (shape[0] + shape[1])))
    return jax.random.uniform(key, shape, jnp.float32, -bound, bound)


def setup_inputs(seed: int = 0) -> dict:
    key = jax.random.key(seed)
    ks = jax.random.split(key, 8)
    src = jax.random.randint(ks[0], (B,), 0, NUM_ENTITIES, dtype=jnp.int64 if jax.config.jax_enable_x64 else jnp.int32)
    tgt = jax.random.randint(ks[1], (B,), 0, NUM_ENTITIES, dtype=jnp.int64 if jax.config.jax_enable_x64 else jnp.int32)
    entity_re = _xavier_uniform(ks[2], (NUM_ENTITIES, HALF))
    entity_im = _xavier_uniform(ks[3], (NUM_ENTITIES, HALF))
    W1 = _xavier_uniform(ks[4], (HALF * 4, DIM))
    b1 = jnp.zeros((DIM,), jnp.float32)
    W2 = _xavier_uniform(ks[5], (DIM, NUM_RELATIONS))
    b2 = jnp.zeros((NUM_RELATIONS,), jnp.float32)
    return {"src": src, "tgt": tgt, "entity_re": entity_re, "entity_im": entity_im, "W1": W1, "b1": b1, "W2": W2, "b2": b2}


def reference(src, tgt, entity_re, entity_im, W1, b1, W2, b2):
    # embedding gathers (SparseCore-friendly)
    sre = jnp.take(entity_re, src, axis=0)
    sim = jnp.take(entity_im, src, axis=0)
    tre = jnp.take(entity_re, tgt, axis=0)
    tim = jnp.take(entity_im, tgt, axis=0)
    feats = jnp.concatenate([sre, sim, tre, tim], axis=-1)  # [B, 4*HALF]
    h = jax.nn.gelu(feats @ W1 + b1, approximate=False)  # torch nn.GELU default is exact erf
    out = h @ W2 + b2  # [B, NUM_RELATIONS]
    return out

if __name__ == "__main__":
    import jax
    _d = setup_inputs()
    print(jax.jit(kernel)(*tuple(_d.values())))

</pallas_src>

<mosaic_0001>
#map = affine_map<(d0, d1) -> (0, 0)>
#map1 = affine_map<(d0, d1) -> (0)>
module attributes {stable_mosaic.version = 14 : i64} {
  func.func @_gather4(%arg0: i32, %arg1: i32, %arg2: memref<1000000x32xf32, #tpu.memory_space<hbm>>, %arg3: memref<1000000x32xf32, #tpu.memory_space<hbm>>, %arg4: memref<16384xi32, #tpu.memory_space<hbm>>, %arg5: memref<16384xi32, #tpu.memory_space<hbm>>, %arg6: memref<16384x128xf32, #tpu.memory_space<hbm>>, %arg7: memref<512xi32, #tpu.memory_space<vmem>>, %arg8: memref<512xi32, #tpu.memory_space<vmem>>, %arg9: memref<512x128xf32, #tpu.memory_space<vmem>>, %arg10: memref<!tpu.dma_semaphore, #tpu.memory_space<semaphore_mem>>) attributes {dimension_semantics = [#tpu.dimension_semantics<core_parallel>, #tpu.dimension_semantics<subcore_parallel>], iteration_bounds = array<i64: 2, 16>, scalar_prefetch = 0 : i64, scratch_operands = 4 : i64, tpu.core_type = #tpu.core_type<sc_vector_subcore>, window_params = [{transform_indices = #map}, {transform_indices = #map}, {transform_indices = #map1}, {transform_indices = #map1}, {transform_indices = #map}]} {
    %mul3A = arith.constant 2 : i32
    %mul3A_0 = arith.muli %arg1, %mul3A : i32
    %add3A = arith.addi %mul3A_0, %arg0 : i32
    %mul3A_1 = arith.constant 512 : i32
    %mul3A_2 = arith.muli %add3A, %mul3A_1 : i32
    "tpu.region"() ({
      %run_scoped3A = tpu.sem_alloc : memref<!tpu.dma_semaphore, #tpu.memory_space<semaphore_mem>>
      %dma_start3A = tpu.memref_slice %arg4[%mul3A_2] : memref<16384xi32, #tpu.memory_space<hbm>> -> memref<512xi32, #tpu.memory_space<hbm>>
      %dma_start3A_11 = tpu.memref_slice %arg4[%mul3A_2] : memref<16384xi32, #tpu.memory_space<hbm>> -> memref<512xi32, #tpu.memory_space<hbm>>
      tpu.enqueue_dma source(%dma_start3A_11 : memref<512xi32, #tpu.memory_space<hbm>>) target(%arg7 : memref<512xi32, #tpu.memory_space<vmem>>) target_semaphore(%run_scoped3A : memref<!tpu.dma_semaphore, #tpu.memory_space<semaphore_mem>>)
      %dma_wait3A_12 = tpu.memref_slice %arg4[%mul3A_2] : memref<16384xi32, #tpu.memory_space<hbm>> -> memref<512xi32, #tpu.memory_space<hbm>>
      %dma_wait3A_13 = tpu.memref_slice %arg4[%mul3A_2] : memref<16384xi32, #tpu.memory_space<hbm>> -> memref<512xi32, #tpu.memory_space<hbm>>
      tpu.wait_dma2 semaphore(%run_scoped3A : memref<!tpu.dma_semaphore, #tpu.memory_space<semaphore_mem>>) src(%dma_wait3A_13 : memref<512xi32, #tpu.memory_space<hbm>>) dst(%arg7 : memref<512xi32, #tpu.memory_space<vmem>>)
      tpu.yield
    }) : () -> ()
    "tpu.region"() ({
      %run_scoped3A = tpu.sem_alloc : memref<!tpu.dma_semaphore, #tpu.memory_space<semaphore_mem>>
      %dma_start3A = tpu.memref_slice %arg5[%mul3A_2] : memref<16384xi32, #tpu.memory_space<hbm>> -> memref<512xi32, #tpu.memory_space<hbm>>
      %dma_start3A_11 = tpu.memref_slice %arg5[%mul3A_2] : memref<16384xi32, #tpu.memory_space<hbm>> -> memref<512xi32, #tpu.memory_space<hbm>>
      tpu.enqueue_dma source(%dma_start3A_11 : memref<512xi32, #tpu.memory_space<hbm>>) target(%arg8 : memref<512xi32, #tpu.memory_space<vmem>>) target_semaphore(%run_scoped3A : memref<!tpu.dma_semaphore, #tpu.memory_space<semaphore_mem>>)
      %dma_wait3A_12 = tpu.memref_slice %arg5[%mul3A_2] : memref<16384xi32, #tpu.memory_space<hbm>> -> memref<512xi32, #tpu.memory_space<hbm>>
      %dma_wait3A_13 = tpu.memref_slice %arg5[%mul3A_2] : memref<16384xi32, #tpu.memory_space<hbm>> -> memref<512xi32, #tpu.memory_space<hbm>>
      tpu.wait_dma2 semaphore(%run_scoped3A : memref<!tpu.dma_semaphore, #tpu.memory_space<semaphore_mem>>) src(%dma_wait3A_13 : memref<512xi32, #tpu.memory_space<hbm>>) dst(%arg8 : memref<512xi32, #tpu.memory_space<vmem>>)
      tpu.yield
    }) : () -> ()
    %scan3A = arith.constant 0 : i32
    %scan3A_3 = arith.constant 0 : i32
    %scan3A_4 = arith.constant 32 : i32
    %scan3A_5 = arith.addi %scan3A_3, %scan3A_4 : i32
    %scan3A_6 = arith.constant 1 : i32
    scf.for %scan3A_11 = %scan3A_3 to %scan3A_5 step %scan3A_6  : i32 {
      %mul3A_12 = arith.constant 16 : i32
      %mul3A_13 = arith.muli %scan3A_11, %mul3A_12 : i32
      %get3A = arith.index_cast %mul3A_13 : i32 to index
      %get3A_14 = tpu.vector_load %arg7[%get3A] {strides = array<i32>} : memref<512xi32, #tpu.memory_space<vmem>>, vector<16xi32>,
      %get3A_15 = vector.shape_cast %get3A_14 : vector<16xi32> to vector<16xi32>
      %mul3A_16 = arith.constant 16 : i32
      %mul3A_17 = arith.muli %scan3A_11, %mul3A_16 : i32
      %get3A_18 = arith.index_cast %mul3A_17 : i32 to index
      %get3A_19 = tpu.vector_load %arg8[%get3A_18] {strides = array<i32>} : memref<512xi32, #tpu.memory_space<vmem>>, vector<16xi32>,
      %get3A_20 = vector.shape_cast %get3A_19 : vector<16xi32> to vector<16xi32>
      %mul3A_21 = arith.constant 16 : i32
      %mul3A_22 = arith.muli %scan3A_11, %mul3A_21 : i32
      %add3A_23 = arith.constant 0 : i32
      %add3A_24 = arith.addi %mul3A_22, %add3A_23 : i32
      %slice3A = vector.extract_strided_slice %get3A_15 {offsets = [0], sizes = [1], strides = [1]} : vector<16xi32> to vector<1xi32>
      %squeeze3A = vector.extract %slice3A[0] : i32 from vector<1xi32>
      %slice3A_25 = vector.extract_strided_slice %get3A_20 {offsets = [0], sizes = [1], strides = [1]} : vector<16xi32> to vector<1xi32>
      %squeeze3A_26 = vector.extract %slice3A_25[0] : i32 from vector<1xi32>
      %dma_start3A = arith.constant 0 : i32
      %dma_start3A_27 = tpu.memref_slice %arg9[%add3A_24, %dma_start3A] : memref<512x128xf32, #tpu.memory_space<vmem>> -> memref<1x32xf32, #tpu.memory_space<vmem>>
      %dma_start3A_28 = tpu.memref_squeeze %dma_start3A_27 : memref<1x32xf32, #tpu.memory_space<vmem>> -> memref<32xf32, #tpu.memory_space<vmem>>
      %dma_start3A_29 = arith.constant 0 : i32
      %dma_start3A_30 = tpu.memref_slice %arg2[%squeeze3A, %dma_start3A_29] : memref<1000000x32xf32, #tpu.memory_space<hbm>> -> memref<1x32xf32, #tpu.memory_space<hbm>>
      %dma_start3A_31 = tpu.memref_squeeze %dma_start3A_30 : memref<1x32xf32, #tpu.memory_space<hbm>> -> memref<32xf32, #tpu.memory_space<hbm>>
      %dma_start3A_32 = arith.constant 0 : i32
      %dma_start3A_33 = tpu.memref_slice %arg9[%add3A_24, %dma_start3A_32] : memref<512x128xf32, #tpu.memory_space<vmem>> -> memref<1x32xf32, #tpu.memory_space<vmem>>
      %dma_start3A_34 = tpu.memref_squeeze %dma_start3A_33 : memref<1x32xf32, #tpu.memory_space<vmem>> -> memref<32xf32, #tpu.memory_space<vmem>>
      %dma_start3A_35 = arith.constant 0 : i32
      %dma_start3A_36 = tpu.memref_slice %arg2[%squeeze3A, %dma_start3A_35] : memref<1000000x32xf32, #tpu.memory_space<hbm>> -> memref<1x32xf32, #tpu.memory_space<hbm>>
      %dma_start3A_37 = tpu.memref_squeeze %dma_start3A_36 : memref<1x32xf32, #tpu.memory_space<hbm>> -> memref<32xf32, #tpu.memory_space<hbm>>
      tpu.enqueue_dma source(%dma_start3A_37 : memref<32xf32, #tpu.memory_space<hbm>>) target(%dma_start3A_34 : memref<32xf32, #tpu.memory_space<vmem>>) target_semaphore(%arg10 : memref<!tpu.dma_semaphore, #tpu.memory_space<semaphore_mem>>)
      %dma_start3A_38 = arith.constant 32 : i32
      %dma_start3A_39 = tpu.memref_slice %arg9[%add3A_24, %dma_start3A_38] : memref<512x128xf32, #tpu.memory_space<vmem>> -> memref<1x32xf32, #tpu.memory_space<vmem>>
      %dma_start3A_40 = tpu.memref_squeeze %dma_start3A_39 : memref<1x32xf32, #tpu.memory_space<vmem>> -> memref<32xf32, #tpu.memory_space<vmem>>
      %dma_start3A_41 = arith.constant 0 : i32
      %dma_start3A_42 = tpu.memref_slice %arg3[%squeeze3A, %dma_start3A_41] : memref<1000000x32xf32, #tpu.memory_space<hbm>> -> memref<1x32xf32, #tpu.memory_space<hbm>>
      %dma_start3A_43 = tpu.memref_squeeze %dma_start3A_42 : memref<1x32xf32, #tpu.memory_space<hbm>> -> memref<32xf32, #tpu.memory_space<hbm>>
      %dma_start3A_44 = arith.constant 32 : i32
      %dma_start3A_45 = tpu.memref_slice %arg9[%add3A_24, %dma_start3A_44] : memref<512x128xf32, #tpu.memory_space<vmem>> -> memref<1x32xf32, #tpu.memory_space<vmem>>
      %dma_start3A_46 = tpu.memref_squeeze %dma_start3A_45 : memref<1x32xf32, #tpu.memory_space<vmem>> -> memref<32xf32, #tpu.memory_space<vmem>>
      %dma_start3A_47 = arith.constant 0 : i32
      %dma_start3A_48 = tpu.memref_slice %arg3[%squeeze3A, %dma_start3A_47] : memref<1000000x32xf32, #tpu.memory_space<hbm>> -> memref<1x32xf32, #tpu.memory_space<hbm>>
      %dma_start3A_49 = tpu.memref_squeeze %dma_start3A_48 : memref<1x32xf32, #tpu.memory_space<hbm>> -> memref<32xf32, #tpu.memory_space<hbm>>
      tpu.enqueue_dma source(%dma_start3A_49 : memref<32xf32, #tpu.memory_space<hbm>>) target(%dma_start3A_46 : memref<32xf32, #tpu.memory_space<vmem>>) target_semaphore(%arg10 : memref<!tpu.dma_semaphore, #tpu.memory_space<semaphore_mem>>)
      %dma_start3A_50 = arith.constant 64 : i32
      %dma_start3A_51 = tpu.memref_slice %arg9[%add3A_24, %dma_start3A_50] : memref<512x128xf32, #tpu.memory_space<vmem>> -> memref<1x32xf32, #tpu.memory_space<vmem>>
      %dma_start3A_52 = tpu.memref_squeeze %dma_start3A_51 : memref<1x32xf32, #tpu.memory_space<vmem>> -> memref<32xf32, #tpu.memory_space<vmem>>
      %dma_start3A_53 = arith.constant 0 : i32
      %dma_start3A_54 = tpu.memref_slice %arg2[%squeeze3A_26, %dma_start3A_53] : memref<1000000x32xf32, #tpu.memory_space<hbm>> -> memref<1x32xf32, #tpu.memory_space<hbm>>
      %dma_start3A_55 = tpu.memref_squeeze %dma_start3A_54 : memref<1x32xf32, #tpu.memory_space<hbm>> -> memref<32xf32, #tpu.memory_space<hbm>>
      %dma_start3A_56 = arith.constant 64 : i32
      %dma_start3A_57 = tpu.memref_slice %arg9[%add3A_24, %dma_start3A_56] : memref<512x128xf32, #tpu.memory_space<vmem>> -> memref<1x32xf32, #tpu.memory_space<vmem>>
      %dma_start3A_58 = tpu.memref_squeeze %dma_start3A_57 : memref<1x32xf32, #tpu.memory_space<vmem>> -> memref<32xf32, #tpu.memory_space<vmem>>
      %dma_start3A_59 = arith.constant 0 : i32
      %dma_start3A_60 = tpu.memref_slice %arg2[%squeeze3A_26, %dma_start3A_59] : memref<1000000x32xf32, #tpu.memory_space<hbm>> -> memref<1x32xf32, #tpu.memory_space<hbm>>
      %dma_start3A_61 = tpu.memref_squeeze %dma_start3A_60 : memref<1x32xf32, #tpu.memory_space<hbm>> -> memref<32xf32, #tpu.memory_space<hbm>>
      tpu.enqueue_dma source(%dma_start3A_61 : memref<32xf32, #tpu.memory_space<hbm>>) target(%dma_start3A_58 : memref<32xf32, #tpu.memory_space<vmem>>) target_semaphore(%arg10 : memref<!tpu.dma_semaphore, #tpu.memory_space<semaphore_mem>>)
      %dma_start3A_62 = arith.constant 96 : i32
      %dma_start3A_63 = tpu.memref_slice %arg9[%add3A_24, %dma_start3A_62] : memref<512x128xf32, #tpu.memory_space<vmem>> -> memref<1x32xf32, #tpu.memory_space<vmem>>
      %dma_start3A_64 = tpu.memref_squeeze %dma_start3A_63 : memref<1x32xf32, #tpu.memory_space<vmem>> -> memref<32xf32, #tpu.memory_space<vmem>>
      %dma_start3A_65 = arith.constant 0 : i32
      %dma_start3A_66 = tpu.memref_slice %arg3[%squeeze3A_26, %dma_start3A_65] : memref<1000000x32xf32, #tpu.memory_space<hbm>> -> memref<1x32xf32, #tpu.memory_space<hbm>>
      %dma_start3A_67 = tpu.memref_squeeze %dma_start3A_66 : memref<1x32xf32, #tpu.memory_space<hbm>> -> memref<32xf32, #tpu.memory_space<hbm>>
      %dma_start3A_68 = arith.constant 96 : i32
      %dma_start3A_69 = tpu.memref_slice %arg9[%add3A_24, %dma_start3A_68] : memref<512x128xf32, #tpu.memory_space<vmem>> -> memref<1x32xf32, #tpu.memory_space<vmem>>
      %dma_start3A_70 = tpu.memref_squeeze %dma_start3A_69 : memref<1x32xf32, #tpu.memory_space<vmem>> -> memref<32xf32, #tpu.memory_space<vmem>>
      %dma_start3A_71 = arith.constant 0 : i32
      %dma_start3A_72 = tpu.memref_slice %arg3[%squeeze3A_26, %dma_start3A_71] : memref<1000000x32xf32, #tpu.memory_space<hbm>> -> memref<1x32xf32, #tpu.memory_space<hbm>>
      %dma_start3A_73 = tpu.memref_squeeze %dma_start3A_72 : memref<1x32xf32, #tpu.memory_space<hbm>> -> memref<32xf32, #tpu.memory_space<hbm>>
      tpu.enqueue_dma source(%dma_start3A_73 : memref<32xf32, #tpu.memory_space<hbm>>) target(%dma_start3A_70 : memref<32xf32, #tpu.memory_space<vmem>>) target_semaphore(%arg10 : memref<!tpu.dma_semaphore, #tpu.memory_space<semaphore_mem>>)
      %mul3A_74 = arith.constant 16 : i32
      %mul3A_75 = arith.muli %scan3A_11, %mul3A_74 : i32
      %add3A_76 = arith.constant 1 : i32
      %add3A_77 = arith.addi %mul3A_75, %add3A_76 : i32
      %slice3A_78 = vector.extract_strided_slice %get3A_15 {offsets = [1], sizes = [1], strides = [1]} : vector<16xi32> to vector<1xi32>
      %squeeze3A_79 = vector.extract %slice3A_78[0] : i32 from vector<1xi32>
      %slice3A_80 = vector.extract_strided_slice %get3A_20 {offsets = [1], sizes = [1], strides = [1]} : vector<16xi32> to vector<1xi32>
      %squeeze3A_81 = vector.extract %slice3A_80[0] : i32 from vector<1xi32>
      %dma_start3A_82 = arith.constant 0 : i32
      %dma_start3A_83 = tpu.memref_slice %arg9[%add3A_77, %dma_start3A_82] : memref<512x128xf32, #tpu.memory_space<vmem>> -> memref<1x32xf32, #tpu.memory_space<vmem>>
      %dma_start3A_84 = tpu.memref_squeeze %dma_start3A_83 : memref<1x32xf32, #tpu.memory_space<vmem>> -> memref<32xf32, #tpu.memory_space<vmem>>
      %dma_start3A_85 = arith.constant 0 : i32
      %dma_start3A_86 = tpu.memref_slice %arg2[%squeeze3A_79, %dma_start3A_85] : memref<1000000x32xf32, #tpu.memory_space<hbm>> -> memref<1x32xf32, #tpu.memory_space<hbm>>
      %dma_start3A_87 = tpu.memref_squeeze %dma_start3A_86 : memref<1x32xf32, #tpu.memory_space<hbm>> -> memref<32xf32, #tpu.memory_space<hbm>>
      %dma_start3A_88 = arith.constant 0 : i32
      %dma_start3A_89 = tpu.memref_slice %arg9[%add3A_77, %dma_start3A_88] : memref<512x128xf32, #tpu.memory_space<vmem>> -> memref<1x32xf32, #tpu.memory_space<vmem>>
      %dma_start3A_90 = tpu.memref_squeeze %dma_start3A_89 : memref<1x32xf32, #tpu.memory_space<vmem>> -> memref<32xf32, #tpu.memory_space<vmem>>
      %dma_start3A_91 = arith.constant 0 : i32
      %dma_start3A_92 = tpu.memref_slice %arg2[%squeeze3A_79, %dma_start3A_91] : memref<1000000x32xf32, #tpu.memory_space<hbm>> -> memref<1x32xf32, #tpu.memory_space<hbm>>
      %dma_start3A_93 = tpu.memref_squeeze %dma_start3A_92 : memref<1x32xf32, #tpu.memory_space<hbm>> -> memref<32xf32, #tpu.memory_space<hbm>>
      tpu.enqueue_dma source(%dma_start3A_93 : memref<32xf32, #tpu.memory_space<hbm>>) target(%dma_start3A_90 : memref<32xf32, #tpu.memory_space<vmem>>) target_semaphore(%arg10 : memref<!tpu.dma_semaphore, #tpu.memory_space<semaphore_mem>>)
      %dma_start3A_94 = arith.constant 32 : i32
      %dma_start3A_95 = tpu.memref_slice %arg9[%add3A_77, %dma_start3A_94] : memref<512x128xf32, #tpu.memory_space<vmem>> -> memref<1x32xf32, #tpu.memory_space<vmem>>
      %dma_start3A_96 = tpu.memref_squeeze %dma_start3A_95 : memref<1x32xf32, #tpu.memory_space<vmem>> -> memref<32xf32, #tpu.memory_space<vmem>>
      %dma_start3A_97 = arith.constant 0 : i32
      %dma_start3A_98 = tpu.memref_slice %arg3[%squeeze3A_79, %dma_start3A_97] : memref<1000000x32xf32, #tpu.memory_space<hbm>> -> memref<1x32xf32, #tpu.memory_space<hbm>>
      %dma_start3A_99 = tpu.memref_squeeze %dma_start3A_98 : memref<1x32xf32, #tpu.memory_space<hbm>> -> memref<32xf32, #tpu.memory_space<hbm>>
      %dma_start3A_100 = arith.constant 32 : i32
      %dma_start3A_101 = tpu.memref_slice %arg9[%add3A_77, %dma_start3A_100] : memref<512x128xf32, #tpu.memory_space<vmem>> -> memref<1x32xf32, #tpu.memory_space<vmem>>
      %dma_start3A_102 = tpu.memref_squeeze %dma_start3A_101 : memref<1x32xf32, #tpu.memory_space<vmem>> -> memref<32xf32, #tpu.memory_space<vmem>>
      %dma_start3A_103 = arith.constant 0 : i32
      %dma_start3A_104 = tpu.memref_slice %arg3[%squeeze3A_79, %dma_start3A_103] : memref<1000000x32xf32, #tpu.memory_space<hbm>> -> memref<1x32xf32, #tpu.memory_space<hbm>>
      %dma_start3A_105 = tpu.memref_squeeze %dma_start3A_104 : memref<1x32xf32, #tpu.memory_space<hbm>> -> memref<32xf32, #tpu.memory_space<hbm>>
      tpu.enqueue_dma source(%dma_start3A_105 : memref<32xf32, #tpu.memory_space<hbm>>) target(%dma_start3A_102 : memref<32xf32, #tpu.memory_space<vmem>>) target_semaphore(%arg10 : memref<!tpu.dma_semaphore, #tpu.memory_space<semaphore_mem>>)
      %dma_start3A_106 = arith.constant 64 : i32
      %dma_start3A_107 = tpu.memref_slice %arg9[%add3A_77, %dma_start3A_106] : memref<512x128xf32, #tpu.memory_space<vmem>> -> memref<1x32xf32, #tpu.memory_space<vmem>>
      %dma_start3A_108 = tpu.memref_squeeze %dma_start3A_107 : memref<1x32xf32, #tpu.memory_space<vmem>> -> memref<32xf32, #tpu.memory_space<vmem>>
      %dma_start3A_109 = arith.constant 0 : i32
      %dma_start3A_110 = tpu.memref_slice %arg2[%squeeze3A_81, %dma_start3A_109] : memref<1000000x32xf32, #tpu.memory_space<hbm>> -> memref<1x32xf32, #tpu.memory_space<hbm>>
      %dma_start3A_111 = tpu.memref_squeeze %dma_start3A_110 : memref<1x32xf32, #tpu.memory_space<hbm>> -> memref<32xf32, #tpu.memory_space<hbm>>
      %dma_start3A_112 = arith.constant 64 : i32
      %dma_start3A_113 = tpu.memref_slice %arg9[%add3A_77, %dma_start3A_112] : memref<512x128xf32, #tpu.memory_space<vmem>> -> memref<1x32xf32, #tpu.memory_space<vmem>>
      %dma_start3A_114 = tpu.memref_squeeze %dma_start3A_113 : memref<1x32xf32, #tpu.memory_space<vmem>> -> memref<32xf32, #tpu.memory_space<vmem>>
      %dma_start3A_115 = arith.constant 0 : i32
      %dma_start3A_116 = tpu.memref_slice %arg2[%squeeze3A_81, %dma_start3A_115] : memref<1000000x32xf32, #tpu.memory_space<hbm>> -> memref<1x32xf32, #tpu.memory_space<hbm>>
      %dma_start3A_117 = tpu.memref_squeeze %dma_start3A_116 : memref<1x32xf32, #tpu.memory_space<hbm>> -> memref<32xf32, #tpu.memory_space<hbm>>
      tpu.enqueue_dma source(%dma_start3A_117 : memref<32xf32, #tpu.memory_space<hbm>>) target(%dma_start3A_114 : memref<32xf32, #tpu.memory_space<vmem>>) target_semaphore(%arg10 : memref<!tpu.dma_semaphore, #tpu.memory_space<semaphore_mem>>)
      %dma_start3A_118 = arith.constant 96 : i32
      %dma_start3A_119 = tpu.memref_slice %arg9[%add3A_77, %dma_start3A_118] : memref<512x128xf32, #tpu.memory_space<vmem>> -> memref<1x32xf32, #tpu.memory_space<vmem>>
      %dma_start3A_120 = tpu.memref_squeeze %dma_start3A_119 : memref<1x32xf32, #tpu.memory_space<vmem>> -> memref<32xf32, #tpu.memory_space<vmem>>
      %dma_start3A_121 = arith.constant 0 : i32
      %dma_start3A_122 = tpu.memref_slice %arg3[%squeeze3A_81, %dma_start3A_121] : memref<1000000x32xf32, #tpu.memory_space<hbm>> -> memref<1x32xf32, #tpu.memory_space<hbm>>
      %dma_start3A_123 = tpu.memref_squeeze %dma_start3A_122 : memref<1x32xf32, #tpu.memory_space<hbm>> -> memref<32xf32, #tpu.memory_space<hbm>>
      %dma_start3A_124 = arith.constant 96 : i32
      %dma_start3A_125 = tpu.memref_slice %arg9[%add3A_77, %dma_start3A_124] : memref<512x128xf32, #tpu.memory_space<vmem>> -> memref<1x32xf32, #tpu.memory_space<vmem>>
      %dma_start3A_126 = tpu.memref_squeeze %dma_start3A_125 : memref<1x32xf32, #tpu.memory_space<vmem>> -> memref<32xf32, #tpu.memory_space<vmem>>
      %dma_start3A_127 = arith.constant 0 : i32
      %dma_start3A_128 = tpu.memref_slice %arg3[%squeeze3A_81, %dma_start3A_127] : memref<1000000x32xf32, #tpu.memory_space<hbm>> -> memref<1x32xf32, #tpu.memory_space<hbm>>
      %dma_start3A_129 = tpu.memref_squeeze %dma_start3A_128 : memref<1x32xf32, #tpu.memory_space<hbm>> -> memref<32xf32, #tpu.memory_space<hbm>>
      tpu.enqueue_dma source(%dma_start3A_129 : memref<32xf32, #tpu.memory_space<hbm>>) target(%dma_start3A_126 : memref<32xf32, #tpu.memory_space<vmem>>) target_semaphore(%arg10 : memref<!tpu.dma_semaphore, #tpu.memory_space<semaphore_mem>>)
      %mul3A_130 = arith.constant 16 : i32
      %mul3A_131 = arith.muli %scan3A_11, %mul3A_130 : i32
      %add3A_132 = arith.constant 2 : i32
      %add3A_133 = arith.addi %mul3A_131, %add3A_132 : i32
      %slice3A_134 = vector.extract_strided_slice %get3A_15 {offsets = [2], sizes = [1], strides = [1]} : vector<16xi32> to vector<1xi32>
      %squeeze3A_135 = vector.extract %slice3A_134[0] : i32 from vector<1xi32>
      %slice3A_136 = vector.extract_strided_slice %get3A_20 {offsets = [2], sizes = [1], strides = [1]} : vector<16xi32> to vector<1xi32>
      %squeeze3A_137 = vector.extract %slice3A_136[0] : i32 from vector<1xi32>
      %dma_start3A_138 = arith.constant 0 : i32
      %dma_start3A_139 = tpu.memref_slice %arg9[%add3A_133, %dma_start3A_138] : memref<512x128xf32, #tpu.memory_space<vmem>> -> memref<1x32xf32, #tpu.memory_space<vmem>>
      %dma_start3A_140 = tpu.memref_squeeze %dma_start3A_139 : memref<1x32xf32, #tpu.memory_space<vmem>> -> memref<32xf32, #tpu.memory_space<vmem>>
      %dma_start3A_141 = arith.constant 0 : i32
      %dma_start3A_142 = tpu.memref_slice %arg2[%squeeze3A_135, %dma_start3A_141] : memref<1000000x32xf32, #tpu.memory_space<hbm>> -> memref<1x32xf32, #tpu.memory_space<hbm>>
      %dma_start3A_143 = tpu.memref_squeeze %dma_start3A_142 : memref<1x32xf32, #tpu.memory_space<hbm>> -> memref<32xf32, #tpu.memory_space<hbm>>
      %dma_start3A_144 = arith.constant 0 : i32
      %dma_start3A_145 = tpu.memref_slice %arg9[%add3A_133, %dma_start3A_144] : memref<512x128xf32, #tpu.memory_space<vmem>> -> memref<1x32xf32, #tpu.memory_space<vmem>>
      %dma_start3A_146 = tpu.memref_squeeze %dma_start3A_145 : memref<1x32xf32, #tpu.memory_space<vmem>> -> memref<32xf32, #tpu.memory_space<vmem>>
      %dma_start3A_147 = arith.constant 0 : i32
      %dma_start3A_148 = tpu.memref_slice %arg2[%squeeze3A_135, %dma_start3A_147] : memref<1000000x32xf32, #tpu.memory_space<hbm>> -> memref<1x32xf32, #tpu.memory_space<hbm>>
      %dma_start3A_149 = tpu.memref_squeeze %dma_start3A_148 : memref<1x32xf32, #tpu.memory_space<hbm>> -> memref<32xf32, #tpu.memory_space<hbm>>
      tpu.enqueue_dma source(%dma_start3A_149 : memref<32xf32, #tpu.memory_space<hbm>>) target(%dma_start3A_146 : memref<32xf32, #tpu.memory_space<vmem>>) target_semaphore(%arg10 : memref<!tpu.dma_semaphore, #tpu.memory_space<semaphore_mem>>)
      %dma_start3A_150 = arith.constant 32 : i32
      %dma_start3A_151 = tpu.memref_slice %arg9[%add3A_133, %dma_start3A_150] : memref<512x128xf32, #tpu.memory_space<vmem>> -> memref<1x32xf32, #tpu.memory_space<vmem>>
      %dma_start3A_152 = tpu.memref_squeeze %dma_start3A_151 : memref<1x32xf32, #tpu.memory_space<vmem>> -> memref<32xf32, #tpu.memory_space<vmem>>
      %dma_start3A_153 = arith.constant 0 : i32
      %dma_start3A_154 = tpu.memref_slice %arg3[%squeeze3A_135, %dma_start3A_153] : memref<1000000x32xf32, #tpu.memory_space<hbm>> -> memref<1x32xf32, #tpu.memory_space<hbm>>
      %dma_start3A_155 = tpu.memref_squeeze %dma_start3A_154 : memref<1x32xf32, #tpu.memory_space<hbm>> -> memref<32xf32, #tpu.memory_space<hbm>>
      %dma_start3A_156 = arith.constant 32 : i32
      %dma_start3A_157 = tpu.memref_slice %arg9[%add3A_133, %dma_start3A_156] : memref<512x128xf32, #tpu.memory_space<vmem>> -> memref<1x32xf32, #tpu.memory_space<vmem>>
      %dma_start3A_158 = tpu.memref_squeeze %dma_start3A_157 : memref<1x32xf32, #tpu.memory_space<vmem>> -> memref<32xf32, #tpu.memory_space<vmem>>
      %dma_start3A_159 = arith.constant 0 : i32
      %dma_start3A_160 = tpu.memref_slice %arg3[%squeeze3A_135, %dma_start3A_159] : memref<1000000x32xf32, #tpu.memory_space<hbm>> -> memref<1x32xf32, #tpu.memory_space<hbm>>
      %dma_start3A_161 = tpu.memref_squeeze %dma_start3A_160 : memref<1x32xf32, #tpu.memory_space<hbm>> -> memref<32xf32, #tpu.memory_space<hbm>>
      tpu.enqueue_dma source(%dma_start3A_161 : memref<32xf32, #tpu.memory_space<hbm>>) target(%dma_start3A_158 : memref<32xf32, #tpu.memory_space<vmem>>) target_semaphore(%arg10 : memref<!tpu.dma_semaphore, #tpu.memory_space<semaphore_mem>>)
      %dma_start3A_162 = arith.constant 64 : i32
      %dma_start3A_163 = tpu.memref_slice %arg9[%add3A_133, %dma_start3A_162] : memref<512x128xf32, #tpu.memory_space<vmem>> -> memref<1x32xf32, #tpu.memory_space<vmem>>
      %dma_start3A_164 = tpu.memref_squeeze %dma_start3A_163 : memref<1x32xf32, #tpu.memory_space<vmem>> -> memref<32xf32, #tpu.memory_space<vmem>>
      %dma_start3A_165 = arith.constant 0 : i32
      %dma_start3A_166 = tpu.memref_slice %arg2[%squeeze3A_137, %dma_start3A_165] : memref<1000000x32xf32, #tpu.memory_space<hbm>> -> memref<1x32xf32, #tpu.memory_space<hbm>>
      %dma_start3A_167 = tpu.memref_squeeze %dma_start3A_166 : memref<1x32xf32, #tpu.memory_space<hbm>> -> memref<32xf32, #tpu.memory_space<hbm>>
      %dma_start3A_168 = arith.constant 64 : i32
      %dma_start3A_169 = tpu.memref_slice %arg9[%add3A_133, %dma_start3A_168] : memref<512x128xf32, #tpu.memory_space<vmem>> -> memref<1x32xf32, #tpu.memory_space<vmem>>
      %dma_start3A_170 = tpu.memref_squeeze %dma_start3A_169 : memref<1x32xf32, #tpu.memory_space<vmem>> -> memref<32xf32, #tpu.memory_space<vmem>>
      %dma_start3A_171 = arith.constant 0 : i32
      %dma_start3A_172 = tpu.memref_slice %arg2[%squeeze3A_137, %dma_start3A_171] : memref<1000000x32xf32, #tpu.memory_space<hbm>> -> memref<1x32xf32, #tpu.memory_space<hbm>>
      %dma_start3A_173 = tpu.memref_squeeze %dma_start3A_172 : memref<1x32xf32, #tpu.memory_space<hbm>> -> memref<32xf32, #tpu.memory_space<hbm>>
      tpu.enqueue_dma source(%dma_start3A_173 : memref<32xf32, #tpu.memory_space<hbm>>) target(%dma_start3A_170 : memref<32xf32, #tpu.memory_space<vmem>>) target_semaphore(%arg10 : memref<!tpu.dma_semaphore, #tpu.memory_space<semaphore_mem>>)
      %dma_start3A_174 = arith.constant 96 : i32
      %dma_start3A_175 = tpu.memref_slice %arg9[%add3A_133, %dma_start3A_174] : memref<512x128xf32, #tpu.memory_space<vmem>> -> memref<1x32xf32, #tpu.memory_space<vmem>>
      %dma_start3A_176 = tpu.memref_squeeze %dma_start3A_175 : memref<1x32xf32, #tpu.memory_space<vmem>> -> memref<32xf32, #tpu.memory_space<vmem>>
      %dma_start3A_177 = arith.constant 0 : i32
      %dma_start3A_178 = tpu.memref_slice %arg3[%squeeze3A_137, %dma_start3A_177] : memref<1000000x32xf32, #tpu.memory_space<hbm>> -> memref<1x32xf32, #tpu.memory_space<hbm>>
      %dma_start3A_179 = tpu.memref_squeeze %dma_start3A_178 : memref<1x32xf32, #tpu.memory_space<hbm>> -> memref<32xf32, #tpu.memory_space<hbm>>
      %dma_start3A_180 = arith.constant 96 : i32
      %dma_start3A_181 = tpu.memref_slice %arg9[%add3A_133, %dma_start3A_180] : memref<512x128xf32, #tpu.memory_space<vmem>> -> memref<1x32xf32, #tpu.memory_space<vmem>>
      %dma_start3A_182 = tpu.memref_squeeze %dma_start3A_181 : memref<1x32xf32, #tpu.memory_space<vmem>> -> memref<32xf32, #tpu.memory_space<vmem>>
      %dma_start3A_183 = arith.constant 0 : i32
      %dma_start3A_184 = tpu.memref_slice %arg3[%squeeze3A_137, %dma_start3A_183] : memref<1000000x32xf32, #tpu.memory_space<hbm>> -> memref<1x32xf32, #tpu.memory_space<hbm>>
      %dma_start3A_185 = tpu.memref_squeeze %dma_start3A_184 : memref<1x32xf32, #tpu.memory_space<hbm>> -> memref<32xf32, #tpu.memory_space<hbm>>
      tpu.enqueue_dma source(%dma_start3A_185 : memref<32xf32, #tpu.memory_space<hbm>>) target(%dma_start3A_182 : memref<32xf32, #tpu.memory_space<vmem>>) target_semaphore(%arg10 : memref<!tpu.dma_semaphore, #tpu.memory_space<semaphore_mem>>)
      %mul3A_186 = arith.constant 16 : i32
      %mul3A_187 = arith.muli %scan3A_11, %mul3A_186 : i32
      %add3A_188 = arith.constant 3 : i32
      %add3A_189 = arith.addi %mul3A_187, %add3A_188 : i32
      %slice3A_190 = vector.extract_strided_slice %get3A_15 {offsets = [3], sizes = [1], strides = [1]} : vector<16xi32> to vector<1xi32>
      %squeeze3A_191 = vector.extract %slice3A_190[0] : i32 from vector<1xi32>
      %slice3A_192 = vector.extract_strided_slice %get3A_20 {offsets = [3], sizes = [1], strides = [1]} : vector<16xi32> to vector<1xi32>
      %squeeze3A_193 = vector.extract %slice3A_192[0] : i32 from vector<1xi32>
      %dma_start3A_194 = arith.constant 0 : i32
      %dma_start3A_195 = tpu.memref_slice %arg9[%add3A_189, %dma_start3A_194] : memref<512x128xf32, #tpu.memory_space<vmem>> -> memref<1x32xf32, #tpu.memory_space<vmem>>
      %dma_start3A_196 = tpu.memref_squeeze %dma_start3A_195 : memref<1x32xf32, #tpu.memory_space<vmem>> -> memref<32xf32, #tpu.memory_space<vmem>>
      %dma_start3A_197 = arith.constant 0 : i32
      %dma_start3A_198 = tpu.memref_slice %arg2[%squeeze3A_191, %dma_start3A_197] : memref<1000000x32xf32, #tpu.memory_space<hbm>> -> memref<1x32xf32, #tpu.memory_space<hbm>>
      %dma_start3A_199 = tpu.memref_squeeze %dma_start3A_198 : memref<1x32xf32, #tpu.memory_space<hbm>> -> memref<32xf32, #tpu.memory_space<hbm>>
      %dma_start3A_200 = arith.constant 0 : i32
      %dma_start3A_201 = tpu.memref_slice %arg9[%add3A_189, %dma_start3A_200] : memref<512x128xf32, #tpu.memory_space<vmem>> -> memref<1x32xf32, #tpu.memory_space<vmem>>
      %dma_start3A_202 = tpu.memref_squeeze %dma_start3A_201 : memref<1x32xf32, #tpu.memory_space<vmem>> -> memref<32xf32, #tpu.memory_space<vmem>>
      %dma_start3A_203 = arith.constant 0 : i32
      %dma_start3A_204 = tpu.memref_slice %arg2[%squeeze3A_191, %dma_start3A_203] : memref<1000000x32xf32, #tpu.memory_space<hbm>> -> memref<1x32xf32, #tpu.memory_space<hbm>>
      %dma_start3A_205 = tpu.memref_squeeze %dma_start3A_204 : memref<1x32xf32, #tpu.memory_space<hbm>> -> memref<32xf32, #tpu.memory_space<hbm>>
      tpu.enqueue_dma source(%dma_start3A_205 : memref<32xf32, #tpu.memory_space<hbm>>) target(%dma_start3A_202 : memref<32xf32, #tpu.memory_space<vmem>>) target_semaphore(%arg10 : memref<!tpu.dma_semaphore, #tpu.memory_space<semaphore_mem>>)
      %dma_start3A_206 = arith.constant 32 : i32
      %dma_start3A_207 = tpu.memref_slice %arg9[%add3A_189, %dma_start3A_206] : memref<512x128xf32, #tpu.memory_space<vmem>> -> memref<1x32xf32, #tpu.memory_space<vmem>>
      %dma_start3A_208 = tpu.memref_squeeze %dma_start3A_207 : memref<1x32xf32, #tpu.memory_space<vmem>> -> memref<32xf32, #tpu.memory_space<vmem>>
      %dma_start3A_209 = arith.constant 0 : i32
      %dma_start3A_210 = tpu.memref_slice %arg3[%squeeze3A_191, %dma_start3A_209] : memref<1000000x32xf32, #tpu.memory_space<hbm>> -> memref<1x32xf32, #tpu.memory_space<hbm>>
      %dma_start3A_211 = tpu.memref_squeeze %dma_start3A_210 : memref<1x32xf32, #tpu.memory_space<hbm>> -> memref<32xf32, #tpu.memory_space<hbm>>
      %dma_start3A_212 = arith.constant 32 : i32
      %dma_start3A_213 = tpu.memref_slice %arg9[%add3A_189, %dma_start3A_212] : memref<512x128xf32, #tpu.memory_space<vmem>> -> memref<1x32xf32, #tpu.memory_space<vmem>>
      %dma_start3A_214 = tpu.memref_squeeze %dma_start3A_213 : memref<1x32xf32, #tpu.memory_space<vmem>> -> memref<32xf32, #tpu.memory_space<vmem>>
      %dma_start3A_215 = arith.constant 0 : i32
      %dma_start3A_216 = tpu.memref_slice %arg3[%squeeze3A_191, %dma_start3A_215] : memref<1000000x32xf32, #tpu.memory_space<hbm>> -> memref<1x32xf32, #tpu.memory_space<hbm>>
      %dma_start3A_217 = tpu.memref_squeeze %dma_start3A_216 : memref<1x32xf32, #tpu.memory_space<hbm>> -> memref<32xf32, #tpu.memory_space<hbm>>
      tpu.enqueue_dma source(%dma_start3A_217 : memref<32xf32, #tpu.memory_space<hbm>>) target(%dma_start3A_214 : memref<32xf32, #tpu.memory_space<vmem>>) target_semaphore(%arg10 : memref<!tpu.dma_semaphore, #tpu.memory_space<semaphore_mem>>)
      %dma_start3A_218 = arith.constant 64 : i32
      %dma_start3A_219 = tpu.memref_slice %arg9[%add3A_189, %dma_start3A_218] : memref<512x128xf32, #tpu.memory_space<vmem>> -> memref<1x32xf32, #tpu.memory_space<vmem>>
      %dma_start3A_220 = tpu.memref_squeeze %dma_start3A_219 : memref<1x32xf32, #tpu.memory_space<vmem>> -> memref<32xf32, #tpu.memory_space<vmem>>
      %dma_start3A_221 = arith.constant 0 : i32
      %dma_start3A_222 = tpu.memref_slice %arg2[%squeeze3A_193, %dma_start3A_221] : memref<1000000x32xf32, #tpu.memory_space<hbm>> -> memref<1x32xf32, #tpu.memory_space<hbm>>
      %dma_start3A_223 = tpu.memref_squeeze %dma_start3A_222 : memref<1x32xf32, #tpu.memory_space<hbm>> -> memref<32xf32, #tpu.memory_space<hbm>>
      %dma_start3A_224 = arith.constant 64 : i32
      %dma_start3A_225 = tpu.memref_slice %arg9[%add3A_189, %dma_start3A_224] : memref<512x128xf32, #tpu.memory_space<vmem>> -> memref<1x32xf32, #tpu.memory_space<vmem>>
      %dma_start3A_226 = tpu.memref_squeeze %dma_start3A_225 : memref<1x32xf32, #tpu.memory_space<vmem>> -> memref<32xf32, #tpu.memory_space<vmem>>
      %dma_start3A_227 = arith.constant 0 : i32
      %dma_start3A_228 = tpu.memref_slice %arg2[%squeeze3A_193, %dma_start3A_227] : memref<1000000x32xf32, #tpu.memory_space<hbm>> -> memref<1x32xf32, #tpu.memory_space<hbm>>
      %dma_start3A_229 = tpu.memref_squeeze %dma_start3A_228 : memref<1x32xf32, #tpu.memory_space<hbm>> -> memref<32xf32, #tpu.memory_space<hbm>>
      tpu.enqueue_dma source(%dma_start3A_229 : memref<32xf32, #tpu.memory_space<hbm>>) target(%dma_start3A_226 : memref<32xf32, #tpu.memory_space<vmem>>) target_semaphore(%arg10 : memref<!tpu.dma_semaphore, #tpu.memory_space<semaphore_mem>>)
      %dma_start3A_230 = arith.constant 96 : i32
      %dma_start3A_231 = tpu.memref_slice %arg9[%add3A_189, %dma_start3A_230] : memref<512x128xf32, #tpu.memory_space<vmem>> -> memref<1x32xf32, #tpu.memory_space<vmem>>
      %dma_start3A_232 = tpu.memref_squeeze %dma_start3A_231 : memref<1x32xf32, #tpu.memory_space<vmem>> -> memref<32xf32, #tpu.memory_space<vmem>>
      %dma_start3A_233 = arith.constant 0 : i32
      %dma_start3A_234 = tpu.memref_slice %arg3[%squeeze3A_193, %dma_start3A_233] : memref<1000000x32xf32, #tpu.memory_space<hbm>> -> memref<1x32xf32, #tpu.memory_space<hbm>>
      %dma_start3A_235 = tpu.memref_squeeze %dma_start3A_234 : memref<1x32xf32, #tpu.memory_space<hbm>> -> memref<32xf32, #tpu.memory_space<hbm>>
      %dma_start3A_236 = arith.constant 96 : i32
      %dma_start3A_237 = tpu.memref_slice %arg9[%add3A_189, %dma_start3A_236] : memref<512x128xf32, #tpu.memory_space<vmem>> -> memref<1x32xf32, #tpu.memory_space<vmem>>
      %dma_start3A_238 = tpu.memref_squeeze %dma_start3A_237 : memref<1x32xf32, #tpu.memory_space<vmem>> -> memref<32xf32, #tpu.memory_space<vmem>>
      %dma_start3A_239 = arith.constant 0 : i32
      %dma_start3A_240 = tpu.memref_slice %arg3[%squeeze3A_193, %dma_start3A_239] : memref<1000000x32xf32, #tpu.memory_space<hbm>> -> memref<1x32xf32, #tpu.memory_space<hbm>>
      %dma_start3A_241 = tpu.memref_squeeze %dma_start3A_240 : memref<1x32xf32, #tpu.memory_space<hbm>> -> memref<32xf32, #tpu.memory_space<hbm>>
      tpu.enqueue_dma source(%dma_start3A_241 : memref<32xf32, #tpu.memory_space<hbm>>) target(%dma_start3A_238 : memref<32xf32, #tpu.memory_space<vmem>>) target_semaphore(%arg10 : memref<!tpu.dma_semaphore, #tpu.memory_space<semaphore_mem>>)
      %mul3A_242 = arith.constant 16 : i32
      %mul3A_243 = arith.muli %scan3A_11, %mul3A_242 : i32
      %add3A_244 = arith.constant 4 : i32
      %add3A_245 = arith.addi %mul3A_243, %add3A_244 : i32
      %slice3A_246 = vector.extract_strided_slice %get3A_15 {offsets = [4], sizes = [1], strides = [1]} : vector<16xi32> to vector<1xi32>
      %squeeze3A_247 = vector.extract %slice3A_246[0] : i32 from vector<1xi32>
      %slice3A_248 = vector.extract_strided_slice %get3A_20 {offsets = [4], sizes = [1], strides = [1]} : vector<16xi32> to vector<1xi32>
      %squeeze3A_249 = vector.extract %slice3A_248[0] : i32 from vector<1xi32>
      %dma_start3A_250 = arith.constant 0 : i32
      %dma_start3A_251 = tpu.memref_slice %arg9[%add3A_245, %dma_start3A_250] : memref<512x128xf32, #tpu.memory_space<vmem>> -> memref<1x32xf32, #tpu.memory_space<vmem>>
      %dma_start3A_252 = tpu.memref_squeeze %dma_start3A_251 : memref<1x32xf32, #tpu.memory_space<vmem>> -> memref<32xf32, #tpu.memory_space<vmem>>
      %dma_start3A_253 = arith.constant 0 : i32
      %dma_start3A_254 = tpu.memref_slice %arg2[%squeeze3A_247, %dma_start3A_253] : memref<1000000x32xf32, #tpu.memory_space<hbm>> -> memref<1x32xf32, #tpu.memory_space<hbm>>
      %dma_start3A_255 = tpu.memref_squeeze %dma_start3A_254 : memref<1x32xf32, #tpu.memory_space<hbm>> -> memref<32xf32, #tpu.memory_space<hbm>>
      %dma_start3A_256 = arith.constant 0 : i32
      %dma_start3A_257 = tpu.memref_slice %arg9[%add3A_245, %dma_start3A_256] : memref<512x128xf32, #tpu.memory_space<vmem>> -> memref<1x32xf32, #tpu.memory_space<vmem>>
      %dma_start3A_258 = tpu.memref_squeeze %dma_start3A_257 : memref<1x32xf32, #tpu.memory_space<vmem>> -> memref<32xf32, #tpu.memory_space<vmem>>
      %dma_start3A_259 = arith.constant 0 : i32
      %dma_start3A_260 = tpu.memref_slice %arg2[%squeeze3A_247, %dma_start3A_259] : memref<1000000x32xf32, #tpu.memory_space<hbm>> -> memref<1x32xf32, #tpu.memory_space<hbm>>
      %dma_start3A_261 = tpu.memref_squeeze %dma_start3A_260 : memref<1x32xf32, #tpu.memory_space<hbm>> -> memref<32xf32, #tpu.memory_space<hbm>>
      tpu.enqueue_dma source(%dma_start3A_261 : memref<32xf32, #tpu.memory_space<hbm>>) target(%dma_start3A_258 : memref<32xf32, #tpu.memory_space<vmem>>) target_semaphore(%arg10 : memref<!tpu.dma_semaphore, #tpu.memory_space<semaphore_mem>>)
      %dma_start3A_262 = arith.constant 32 : i32
      %dma_start3A_263 = tpu.memref_slice %arg9[%add3A_245, %dma_start3A_262] : memref<512x128xf32, #tpu.memory_space<vmem>> -> memref<1x32xf32, #tpu.memory_space<vmem>>
      %dma_start3A_264 = tpu.memref_squeeze %dma_start3A_263 : memref<1x32xf32, #tpu.memory_space<vmem>> -> memref<32xf32, #tpu.memory_space<vmem>>
      %dma_start3A_265 = arith.constant 0 : i32
      %dma_start3A_266 = tpu.memref_slice %arg3[%squeeze3A_247, %dma_start3A_265] : memref<1000000x32xf32, #tpu.memory_space<hbm>> -> memref<1x32xf32, #tpu.memory_space<hbm>>
      %dma_start3A_267 = tpu.memref_squeeze %dma_start3A_266 : memref<1x32xf32, #tpu.memory_space<hbm>> -> memref<32xf32, #tpu.memory_space<hbm>>
      %dma_start3A_268 = arith.constant 32 : i32
      %dma_start3A_269 = tpu.memref_slice %arg9[%add3A_245, %dma_start3A_268] : memref<512x128xf32, #tpu.memory_space<vmem>> -> memref<1x32xf32, #tpu.memory_space<vmem>>
      %dma_start3A_270 = tpu.memref_squeeze %dma_start3A_269 : memref<1x32xf32, #tpu.memory_space<vmem>> -> memref<32xf32, #tpu.memory_space<vmem>>
      %dma_start3A_271 = arith.constant 0 : i32
      %dma_start3A_272 = tpu.memref_slice %arg3[%squeeze3A_247, %dma_start3A_271] : memref<1000000x32xf32, #tpu.memory_space<hbm>> -> memref<1x32xf32, #tpu.memory_space<hbm>>
      %dma_start3A_273 = tpu.memref_squeeze %dma_start3A_272 : memref<1x32xf32, #tpu.memory_space<hbm>> -> memref<32xf32, #tpu.memory_space<hbm>>
      tpu.enqueue_dma source(%dma_start3A_273 : memref<32xf32, #tpu.memory_space<hbm>>) target(%dma_start3A_270 : memref<32xf32, #tpu.memory_space<vmem>>) target_semaphore(%arg10 : memref<!tpu.dma_semaphore, #tpu.memory_space<semaphore_mem>>)
      %dma_start3A_274 = arith.constant 64 : i32
      %dma_start3A_275 = tpu.memref_slice %arg9[%add3A_245, %dma_start3A_274] : memref<512x128xf32, #tpu.memory_space<vmem>> -> memref<1x32xf32, #tpu.memory_space<vmem>>
      %dma_start3A_276 = tpu.memref_squeeze %dma_start3A_275 : memref<1x32xf32, #tpu.memory_space<vmem>> -> memref<32xf32, #tpu.memory_space<vmem>>
      %dma_start3A_277 = arith.constant 0 : i32
      %dma_start3A_278 = tpu.memref_slice %arg2[%squeeze3A_249, %dma_start3A_277] : memref<1000000x32xf32, #tpu.memory_space<hbm>> -> memref<1x32xf32, #tpu.memory_space<hbm>>
      %dma_start3A_279 = tpu.memref_squeeze %dma_start3A_278 : memref<1x32xf32, #tpu.memory_space<hbm>> -> memref<32xf32, #tpu.memory_space<hbm>>
      %dma_start3A_280 = arith.constant 64 : i32
      %dma_start3A_281 = tpu.memref_slice %arg9[%add3A_245, %dma_start3A_280] : memref<512x128xf32, #tpu.memory_space<vmem>> -> memref<1x32xf32, #tpu.memory_space<vmem>>
      %dma_start3A_282 = tpu.memref_squeeze %dma_start3A_281 : memref<1x32xf32, #tpu.memory_space<vmem>> -> memref<32xf32, #tpu.memory_space<vmem>>
      %dma_start3A_283 = arith.constant 0 : i32
      %dma_start3A_284 = tpu.memref_slice %arg2[%squeeze3A_249, %dma_start3A_283] : memref<1000000x32xf32, #tpu.memory_space<hbm>> -> memref<1x32xf32, #tpu.memory_space<hbm>>
      %dma_start3A_285 = tpu.memref_squeeze %dma_start3A_284 : memref<1x32xf32, #tpu.memory_space<hbm>> -> memref<32xf32, #tpu.memory_space<hbm>>
      tpu.enqueue_dma source(%dma_start3A_285 : memref<32xf32, #tpu.memory_space<hbm>>) target(%dma_start3A_282 : memref<32xf32, #tpu.memory_space<vmem>>) target_semaphore(%arg10 : memref<!tpu.dma_semaphore, #tpu.memory_space<semaphore_mem>>)
      %dma_start3A_286 = arith.constant 96 : i32
      %dma_start3A_287 = tpu.memref_slice %arg9[%add3A_245, %dma_start3A_286] : memref<512x128xf32, #tpu.memory_space<vmem>> -> memref<1x32xf32, #tpu.memory_space<vmem>>
      %dma_start3A_288 = tpu.memref_squeeze %dma_start3A_287 : memref<1x32xf32, #tpu.memory_space<vmem>> -> memref<32xf32, #tpu.memory_space<vmem>>
      %dma_start3A_289 = arith.constant 0 : i32
      %dma_start3A_290 = tpu.memref_slice %arg3[%squeeze3A_249, %dma_start3A_289] : memref<1000000x32xf32, #tpu.memory_space<hbm>> -> memref<1x32xf32, #tpu.memory_space<hbm>>
      %dma_start3A_291 = tpu.memref_squeeze %dma_start3A_290 : memref<1x32xf32, #tpu.memory_space<hbm>> -> memref<32xf32, #tpu.memory_space<hbm>>
      %dma_start3A_292 = arith.constant 96 : i32
      %dma_start3A_293 = tpu.memref_slice %arg9[%add3A_245, %dma_start3A_292] : memref<512x128xf32, #tpu.memory_space<vmem>> -> memref<1x32xf32, #tpu.memory_space<vmem>>
      %dma_start3A_294 = tpu.memref_squeeze %dma_start3A_293 : memref<1x32xf32, #tpu.memory_space<vmem>> -> memref<32xf32, #tpu.memory_space<vmem>>
      %dma_start3A_295 = arith.constant 0 : i32
      %dma_start3A_296 = tpu.memref_slice %arg3[%squeeze3A_249, %dma_start3A_295] : memref<1000000x32xf32, #tpu.memory_space<hbm>> -> memref<1x32xf32, #tpu.memory_space<hbm>>
      %dma_start3A_297 = tpu.memref_squeeze %dma_start3A_296 : memref<1x32xf32, #tpu.memory_space<hbm>> -> memref<32xf32, #tpu.memory_space<hbm>>
      tpu.enqueue_dma source(%dma_start3A_297 : memref<32xf32, #tpu.memory_space<hbm>>) target(%dma_start3A_294 : memref<32xf32, #tpu.memory_space<vmem>>) target_semaphore(%arg10 : memref<!tpu.dma_semaphore, #tpu.memory_space<semaphore_mem>>)
      %mul3A_298 = arith.constant 16 : i32
      %mul3A_299 = arith.muli %scan3A_11, %mul3A_298 : i32
      %add3A_300 = arith.constant 5 : i32
      %add3A_301 = arith.addi %mul3A_299, %add3A_300 : i32
      %slice3A_302 = vector.extract_strided_slice %get3A_15 {offsets = [5], sizes = [1], strides = [1]} : vector<16xi32> to vector<1xi32>
      %squeeze3A_303 = vector.extract %slice3A_302[0] : i32 from vector<1xi32>
      %slice3A_304 = vector.extract_strided_slice %get3A_20 {offsets = [5], sizes = [1], strides = [1]} : vector<16xi32> to vector<1xi32>
      %squeeze3A_305 = vector.extract %slice3A_304[0] : i32 from vector<1xi32>
      %dma_start3A_306 = arith.constant 0 : i32
      %dma_start3A_307 = tpu.memref_slice %arg9[%add3A_301, %dma_start3A_306] : memref<512x128xf32, #tpu.memory_space<vmem>> -> memref<1x32xf32, #tpu.memory_space<vmem>>
      %dma_start3A_308 = tpu.memref_squeeze %dma_start3A_307 : memref<1x32xf32, #tpu.memory_space<vmem>> -> memref<32xf32, #tpu.memory_space<vmem>>
      %dma_start3A_309 = arith.constant 0 : i32
      %dma_start3A_310 = tpu.memref_slice %arg2[%squeeze3A_303, %dma_start3A_309] : memref<1000000x32xf32, #tpu.memory_space<hbm>> -> memref<1x32xf32, #tpu.memory_space<hbm>>
      %dma_start3A_311 = tpu.memref_squeeze %dma_start3A_310 : memref<1x32xf32, #tpu.memory_space<hbm>> -> memref<32xf32, #tpu.memory_space<hbm>>
      %dma_start3A_312 = arith.constant 0 : i32
      %dma_start3A_313 = tpu.memref_slice %arg9[%add3A_301, %dma_start3A_312] : memref<512x128xf32, #tpu.memory_space<vmem>> -> memref<1x32xf32, #tpu.memory_space<vmem>>
      %dma_start3A_314 = tpu.memref_squeeze %dma_start3A_313 : memref<1x32xf32, #tpu.memory_space<vmem>> -> memref<32xf32, #tpu.memory_space<vmem>>
      %dma_start3A_315 = arith.constant 0 : i32
      %dma_start3A_316 = tpu.memref_slice %arg2[%squeeze3A_303, %dma_start3A_315] : memref<1000000x32xf32, #tpu.memory_space<hbm>> -> memref<1x32xf32, #tpu.memory_space<hbm>>
      %dma_start3A_317 = tpu.memref_squeeze %dma_start3A_316 : memref<1x32xf32, #tpu.memory_space<hbm>> -> memref<32xf32, #tpu.memory_space<hbm>>
      tpu.enqueue_dma source(%dma_start3A_317 : memref<32xf32, #tpu.memory_space<hbm>>) target(%dma_start3A_314 : memref<32xf32, #tpu.memory_space<vmem>>) target_semaphore(%arg10 : memref<!tpu.dma_semaphore, #tpu.memory_space<semaphore_mem>>)
      %dma_start3A_318 = arith.constant 32 : i32
      %dma_start3A_319 = tpu.memref_slice %arg9[%add3A_301, %dma_start3A_318] : memref<512x128xf32, #tpu.memory_space<vmem>> -> memref<1x32xf32, #tpu.memory_space<vmem>>
      %dma_start3A_320 = tpu.memref_squeeze %dma_start3A_319 : memref<1x32xf32, #tpu.memory_space<vmem>> -> memref<32xf32, #tpu.memory_space<vmem>>
      %dma_start3A_321 = arith.constant 0 : i32
      %dma_start3A_322 = tpu.memref_slice %arg3[%squeeze3A_303, %dma_start3A_321] : memref<1000000x32xf32, #tpu.memory_space<hbm>> -> memref<1x32xf32, #tpu.memory_space<hbm>>
      %dma_start3A_323 = tpu.memref_squeeze %dma_start3A_322 : memref<1x32xf32, #tpu.memory_space<hbm>> -> memref<32xf32, #tpu.memory_space<hbm>>
      %dma_start3A_324 = arith.constant 32 : i32
      %dma_start3A_325 = tpu.memref_slice %arg9[%add3A_301, %dma_start3A_324] : memref<512x128xf32, #tpu.memory_space<vmem>> -> memref<1x32xf32, #tpu.memory_space<vmem>>
      %dma_start3A_326 = tpu.memref_squeeze %dma_start3A_325 : memref<1x32xf32, #tpu.memory_space<vmem>> -> memref<32xf32, #tpu.memory_space<vmem>>
      %dma_start3A_327 = arith.constant 0 : i32
      %dma_start3A_328 = tpu.memref_slice %arg3[%squeeze3A_303, %dma_start3A_327] : memref<1000000x32xf32, #tpu.memory_space<hbm>> -> memref<1x32xf32, #tpu.memory_space<hbm>>
      %dma_start3A_329 = tpu.memref_squeeze %dma_start3A_328 : memref<1x32xf32, #tpu.memory_space<hbm>> -> memref<32xf32, #tpu.memory_space<hbm>>
      tpu.enqueue_dma source(%dma_start3A_329 : memref<32xf32, #tpu.memory_space<hbm>>) target(%dma_start3A_326 : memref<32xf32, #tpu.memory_space<vmem>>) target_semaphore(%arg10 : memref<!tpu.dma_semaphore, #tpu.memory_space<semaphore_mem>>)
      %dma_start3A_330 = arith.constant 64 : i32
      %dma_start3A_331 = tpu.memref_slice %arg9[%add3A_301, %dma_start3A_330] : memref<512x128xf32, #tpu.memory_space<vmem>> -> memref<1x32xf32, #tpu.memory_space<vmem>>
      %dma_start3A_332 = tpu.memref_squeeze %dma_start3A_331 : memref<1x32xf32, #tpu.memory_space<vmem>> -> memref<32xf32, #tpu.memory_space<vmem>>
      %dma_start3A_333 = arith.constant 0 : i32
      %dma_start3A_334 = tpu.memref_slice %arg2[%squeeze3A_305, %dma_start3A_333] : memref<1000000x32xf32, #tpu.memory_space<hbm>> -> memref<1x32xf32, #tpu.memory_space<hbm>>
      %dma_start3A_335 = tpu.memref_squeeze %dma_start3A_334 : memref<1x32xf32, #tpu.memory_space<hbm>> -> memref<32xf32, #tpu.memory_space<hbm>>
      %dma_start3A_336 = arith.constant 64 : i32
      %dma_start3A_337 = tpu.memref_slice %arg9[%add3A_301, %dma_start3A_336] : memref<512x128xf32, #tpu.memory_space<vmem>> -> memref<1x32xf32, #tpu.memory_space<vmem>>
      %dma_start3A_338 = tpu.memref_squeeze %dma_start3A_337 : memref<1x32xf32, #tpu.memory_space<vmem>> -> memref<32xf32, #tpu.memory_space<vmem>>
      %dma_start3A_339 = arith.constant 0 : i32
      %dma_start3A_340 = tpu.memref_slice %arg2[%squeeze3A_305, %dma_start3A_339] : memref<1000000x32xf32, #tpu.memory_space<hbm>> -> memref<1x32xf32, #tpu.memory_space<hbm>>
      %dma_start3A_341 = tpu.memref_squeeze %dma_start3A_340 : memref<1x32xf32, #tpu.memory_space<hbm>> -> memref<32xf32, #tpu.memory_space<hbm>>
      tpu.enqueue_dma source(%dma_start3A_341 : memref<32xf32, #tpu.memory_space<hbm>>) target(%dma_start3A_338 : memref<32xf32, #tpu.memory_space<vmem>>) target_semaphore(%arg10 : memref<!tpu.dma_semaphore, #tpu.memory_space<semaphore_mem>>)
      %dma_start3A_342 = arith.constant 96 : i32
      %dma_start3A_343 = tpu.memref_slice %arg9[%add3A_301, %dma_start3A_342] : memref<512x128xf32, #tpu.memory_space<vmem>> -> memref<1x32xf32, #tpu.memory_space<vmem>>
      %dma_start3A_344 = tpu.memref_squeeze %dma_start3A_343 : memref<1x32xf32, #tpu.memory_space<vmem>> -> memref<32xf32, #tpu.memory_space<vmem>>
      %dma_start3A_345 = arith.constant 0 : i32
      %dma_start3A_346 = tpu.memref_slice %arg3[%squeeze3A_305, %dma_start3A_345] : memref<1000000x32xf32, #tpu.memory_space<hbm>> -> memref<1x32xf32, #tpu.memory_space<hbm>>
      %dma_start3A_347 = tpu.memref_squeeze %dma_start3A_346 : memref<1x32xf32, #tpu.memory_space<hbm>> -> memref<32xf32, #tpu.memory_space<hbm>>
      %dma_start3A_348 = arith.constant 96 : i32
      %dma_start3A_349 = tpu.memref_slice %arg9[%add3A_301, %dma_start3A_348] : memref<512x128xf32, #tpu.memory_space<vmem>> -> memref<1x32xf32, #tpu.memory_space<vmem>>
      %dma_start3A_350 = tpu.memref_squeeze %dma_start3A_349 : memref<1x32xf32, #tpu.memory_space<vmem>> -> memref<32xf32, #tpu.memory_space<vmem>>
      %dma_start3A_351 = arith.constant 0 : i32
      %dma_start3A_352 = tpu.memref_slice %arg3[%squeeze3A_305, %dma_start3A_351] : memref<1000000x32xf32, #tpu.memory_space<hbm>> -> memref<1x32xf32, #tpu.memory_space<hbm>>
      %dma_start3A_353 = tpu.memref_squeeze %dma_start3A_352 : memref<1x32xf32, #tpu.memory_space<hbm>> -> memref<32xf32, #tpu.memory_space<hbm>>
      tpu.enqueue_dma source(%dma_start3A_353 : memref<32xf32, #tpu.memory_space<hbm>>) target(%dma_start3A_350 : memref<32xf32, #tpu.memory_space<vmem>>) target_semaphore(%arg10 : memref<!tpu.dma_semaphore, #tpu.memory_space<semaphore_mem>>)
      %mul3A_354 = arith.constant 16 : i32
      %mul3A_355 = arith.muli %scan3A_11, %mul3A_354 : i32
      %add3A_356 = arith.constant 6 : i32
      %add3A_357 = arith.addi %mul3A_355, %add3A_356 : i32
      %slice3A_358 = vector.extract_strided_slice %get3A_15 {offsets = [6], sizes = [1], strides = [1]} : vector<16xi32> to vector<1xi32>
      %squeeze3A_359 = vector.extract %slice3A_358[0] : i32 from vector<1xi32>
      %slice3A_360 = vector.extract_strided_slice %get3A_20 {offsets = [6], sizes = [1], strides = [1]} : vector<16xi32> to vector<1xi32>
      %squeeze3A_361 = vector.extract %slice3A_360[0] : i32 from vector<1xi32>
      %dma_start3A_362 = arith.constant 0 : i32
      %dma_start3A_363 = tpu.memref_slice %arg9[%add3A_357, %dma_start3A_362] : memref<512x128xf32, #tpu.memory_space<vmem>> -> memref<1x32xf32, #tpu.memory_space<vmem>>
      %dma_start3A_364 = tpu.memref_squeeze %dma_start3A_363 : memref<1x32xf32, #tpu.memory_space<vmem>> -> memref<32xf32, #tpu.memory_space<vmem>>
      %dma_start3A_365 = arith.constant 0 : i32
      %dma_start3A_366 = tpu.memref_slice %arg2[%squeeze3A_359, %dma_start3A_365] : memref<1000000x32xf32, #tpu.memory_space<hbm>> -> memref<1x32xf32, #tpu.memory_space<hbm>>
      %dma_start3A_367 = tpu.memref_squeeze %dma_start3A_366 : memref<1x32xf32, #tpu.memory_space<hbm>> -> memref<32xf32, #tpu.memory_space<hbm>>
      %dma_start3A_368 = arith.constant 0 : i32
      %dma_start3A_369 = tpu.memref_slice %arg9[%add3A_357, %dma_start3A_368] : memref<512x128xf32, #tpu.memory_space<vmem>> -> memref<1x32xf32, #tpu.memory_space<vmem>>
      %dma_start3A_370 = tpu.memref_squeeze %dma_start3A_369 : memref<1x32xf32, #tpu.memory_space<vmem>> -> memref<32xf32, #tpu.memory_space<vmem>>
      %dma_start3A_371 = arith.constant 0 : i32
      %dma_start3A_372 = tpu.memref_slice %arg2[%squeeze3A_359, %dma_start3A_371] : memref<1000000x32xf32, #tpu.memory_space<hbm>> -> memref<1x32xf32, #tpu.memory_space<hbm>>
      %dma_start3A_373 = tpu.memref_squeeze %dma_start3A_372 : memref<1x32xf32, #tpu.memory_space<hbm>> -> memref<32xf32, #tpu.memory_space<hbm>>
      tpu.enqueue_dma source(%dma_start3A_373 : memref<32xf32, #tpu.memory_space<hbm>>) target(%dma_start3A_370 : memref<32xf32, #tpu.memory_space<vmem>>) target_semaphore(%arg10 : memref<!tpu.dma_semaphore, #tpu.memory_space<semaphore_mem>>)
      %dma_start3A_374 = arith.constant 32 : i32
      %dma_start3A_375 = tpu.memref_slice %arg9[%add3A_357, %dma_start3A_374] : memref<512x128xf32, #tpu.memory_space<vmem>> -> memref<1x32xf32, #tpu.memory_space<vmem>>
      %dma_start3A_376 = tpu.memref_squeeze %dma_start3A_375 : memref<1x32xf32, #tpu.memory_space<vmem>> -> memref<32xf32, #tpu.memory_space<vmem>>
      %dma_start3A_377 = arith.constant 0 : i32
      %dma_start3A_378 = tpu.memref_slice %arg3[%squeeze3A_359, %dma_start3A_377] : memref<1000000x32xf32, #tpu.memory_space<hbm>> -> memref<1x32xf32, #tpu.memory_space<hbm>>
      %dma_start3A_379 = tpu.memref_squeeze %dma_start3A_378 : memref<1x32xf32, #tpu.memory_space<hbm>> -> memref<32xf32, #tpu.memory_space<hbm>>
      %dma_start3A_380 = arith.constant 32 : i32
      %dma_start3A_381 = tpu.memref_slice %arg9[%add3A_357, %dma_start3A_380] : memref<512x128xf32, #tpu.memory_space<vmem>> -> memref<1x32xf32, #tpu.memory_space<vmem>>
      %dma_start3A_382 = tpu.memref_squeeze %dma_start3A_381 : memref<1x32xf32, #tpu.memory_space<vmem>> -> memref<32xf32, #tpu.memory_space<vmem>>
      %dma_start3A_383 = arith.constant 0 : i32
      %dma_start3A_384 = tpu.memref_slice %arg3[%squeeze3A_359, %dma_start3A_383] : memref<1000000x32xf32, #tpu.memory_space<hbm>> -> memref<1x32xf32, #tpu.memory_space<hbm>>
      %dma_start3A_385 = tpu.memref_squeeze %dma_start3A_384 : memref<1x32xf32, #tpu.memory_space<hbm>> -> memref<32xf32, #tpu.memory_space<hbm>>
      tpu.enqueue_dma source(%dma_start3A_385 : memref<32xf32, #tpu.memory_space<hbm>>) target(%dma_start3A_382 : memref<32xf32, #tpu.memory_space<vmem>>) target_semaphore(%arg10 : memref<!tpu.dma_semaphore, #tpu.memory_space<semaphore_mem>>)
      %dma_start3A_386 = arith.constant 64 : i32
      %dma_start3A_387 = tpu.memref_slice %arg9[%add3A_357, %dma_start3A_386] : memref<512x128xf32, #tpu.memory_space<vmem>> -> memref<1x32xf32, #tpu.memory_space<vmem>>
      %dma_start3A_388 = tpu.memref_squeeze %dma_start3A_387 : memref<1x32xf32, #tpu.memory_space<vmem>> -> memref<32xf32, #tpu.memory_space<vmem>>
      %dma_start3A_389 = arith.constant 0 : i32
      %dma_start3A_390 = tpu.memref_slice %arg2[%squeeze3A_361, %dma_start3A_389] : memref<1000000x32xf32, #tpu.memory_space<hbm>> -> memref<1x32xf32, #tpu.memory_space<hbm>>
      %dma_start3A_391 = tpu.memref_squeeze %dma_start3A_390 : memref<1x32xf32, #tpu.memory_space<hbm>> -> memref<32xf32, #tpu.memory_space<hbm>>
      %dma_start3A_392 = arith.constant 64 : i32
      %dma_start3A_393 = tpu.memref_slice %arg9[%add3A_357, %dma_start3A_392] : memref<512x128xf32, #tpu.memory_space<vmem>> -> memref<1x32xf32, #tpu.memory_space<vmem>>
      %dma_start3A_394 = tpu.memref_squeeze %dma_start3A_393 : memref<1x32xf32, #tpu.memory_space<vmem>> -> memref<32xf32, #tpu.memory_space<vmem>>
      %dma_start3A_395 = arith.constant 0 : i32
      %dma_start3A_396 = tpu.memref_slice %arg2[%squeeze3A_361, %dma_start3A_395] : memref<1000000x32xf32, #tpu.memory_space<hbm>> -> memref<1x32xf32, #tpu.memory_space<hbm>>
      %dma_start3A_397 = tpu.memref_squeeze %dma_start3A_396 : memref<1x32xf32, #tpu.memory_space<hbm>> -> memref<32xf32, #tpu.memory_space<hbm>>
      tpu.enqueue_dma source(%dma_start3A_397 : memref<32xf32, #tpu.memory_space<hbm>>) target(%dma_start3A_394 : memref<32xf32, #tpu.memory_space<vmem>>) target_semaphore(%arg10 : memref<!tpu.dma_semaphore, #tpu.memory_space<semaphore_mem>>)
      %dma_start3A_398 = arith.constant 96 : i32
      %dma_start3A_399 = tpu.memref_slice %arg9[%add3A_357, %dma_start3A_398] : memref<512x128xf32, #tpu.memory_space<vmem>> -> memref<1x32xf32, #tpu.memory_space<vmem>>
      %dma_start3A_400 = tpu.memref_squeeze %dma_start3A_399 : memref<1x32xf32, #tpu.memory_space<vmem>> -> memref<32xf32, #tpu.memory_space<vmem>>
      %dma_start3A_401 = arith.constant 0 : i32
      %dma_start3A_402 = tpu.memref_slice %arg3[%squeeze3A_361, %dma_start3A_401] : memref<1000000x32xf32, #tpu.memory_space<hbm>> -> memref<1x32xf32, #tpu.memory_space<hbm>>
      %dma_start3A_403 = tpu.memref_squeeze %dma_start3A_402 : memref<1x32xf32, #tpu.memory_space<hbm>> -> memref<32xf32, #tpu.memory_space<hbm>>
      %dma_start3A_404 = arith.constant 96 : i32
      %dma_start3A_405 = tpu.memref_slice %arg9[%add3A_357, %dma_start3A_404] : memref<512x128xf32, #tpu.memory_space<vmem>> -> memref<1x32xf32, #tpu.memory_space<vmem>>
      %dma_start3A_406 = tpu.memref_squeeze %dma_start3A_405 : memref<1x32xf32, #tpu.memory_space<vmem>> -> memref<32xf32, #tpu.memory_space<vmem>>
      %dma_start3A_407 = arith.constant 0 : i32
      %dma_start3A_408 = tpu.memref_slice %arg3[%squeeze3A_361, %dma_start3A_407] : memref<1000000x32xf32, #tpu.memory_space<hbm>> -> memref<1x32xf32, #tpu.memory_space<hbm>>
      %dma_start3A_409 = tpu.memref_squeeze %dma_start3A_408 : memref<1x32xf32, #tpu.memory_space<hbm>> -> memref<32xf32, #tpu.memory_space<hbm>>
      tpu.enqueue_dma source(%dma_start3A_409 : memref<32xf32, #tpu.memory_space<hbm>>) target(%dma_start3A_406 : memref<32xf32, #tpu.memory_space<vmem>>) target_semaphore(%arg10 : memref<!tpu.dma_semaphore, #tpu.memory_space<semaphore_mem>>)
      %mul3A_410 = arith.constant 16 : i32
      %mul3A_411 = arith.muli %scan3A_11, %mul3A_410 : i32
      %add3A_412 = arith.constant 7 : i32
      %add3A_413 = arith.addi %mul3A_411, %add3A_412 : i32
      %slice3A_414 = vector.extract_strided_slice %get3A_15 {offsets = [7], sizes = [1], strides = [1]} : vector<16xi32> to vector<1xi32>
      %squeeze3A_415 = vector.extract %slice3A_414[0] : i32 from vector<1xi32>
      %slice3A_416 = vector.extract_strided_slice %get3A_20 {offsets = [7], sizes = [1], strides = [1]} : vector<16xi32> to vector<1xi32>
      %squeeze3A_417 = vector.extract %slice3A_416[0] : i32 from vector<1xi32>
      %dma_start3A_418 = arith.constant 0 : i32
      %dma_start3A_419 = tpu.memref_slice %arg9[%add3A_413, %dma_start3A_418] : memref<512x128xf32, #tpu.memory_space<vmem>> -> memref<1x32xf32, #tpu.memory_space<vmem>>
      %dma_start3A_420 = tpu.memref_squeeze %dma_start3A_419 : memref<1x32xf32, #tpu.memory_space<vmem>> -> memref<32xf32, #tpu.memory_space<vmem>>
      %dma_start3A_421 = arith.constant 0 : i32
      %dma_start3A_422 = tpu.memref_slice %arg2[%squeeze3A_415, %dma_start3A_421] : memref<1000000x32xf32, #tpu.memory_space<hbm>> -> memref<1x32xf32, #tpu.memory_space<hbm>>
      %dma_start3A_423 = tpu.memref_squeeze %dma_start3A_422 : memref<1x32xf32, #tpu.memory_space<hbm>> -> memref<32xf32, #tpu.memory_space<hbm>>
      %dma_start3A_424 = arith.constant 0 : i32
      %dma_start3A_425 = tpu.memref_slice %arg9[%add3A_413, %dma_start3A_424] : memref<512x128xf32, #tpu.memory_space<vmem>> -> memref<1x32xf32, #tpu.memory_space<vmem>>
      %dma_start3A_426 = tpu.memref_squeeze %dma_start3A_425 : memref<1x32xf32, #tpu.memory_space<vmem>> -> memref<32xf32, #tpu.memory_space<vmem>>
      %dma_start3A_427 = arith.constant 0 : i32
      %dma_start3A_428 = tpu.memref_slice %arg2[%squeeze3A_415, %dma_start3A_427] : memref<1000000x32xf32, #tpu.memory_space<hbm>> -> memref<1x32xf32, #tpu.memory_space<hbm>>
      %dma_start3A_429 = tpu.memref_squeeze %dma_start3A_428 : memref<1x32xf32, #tpu.memory_space<hbm>> -> memref<32xf32, #tpu.memory_space<hbm>>
      tpu.enqueue_dma source(%dma_start3A_429 : memref<32xf32, #tpu.memory_space<hbm>>) target(%dma_start3A_426 : memref<32xf32, #tpu.memory_space<vmem>>) target_semaphore(%arg10 : memref<!tpu.dma_semaphore, #tpu.memory_space<semaphore_mem>>)
      %dma_start3A_430 = arith.constant 32 : i32
      %dma_start3A_431 = tpu.memref_slice %arg9[%add3A_413, %dma_start3A_430] : memref<512x128xf32, #tpu.memory_space<vmem>> -> memref<1x32xf32, #tpu.memory_space<vmem>>
      %dma_start3A_432 = tpu.memref_squeeze %dma_start3A_431 : memref<1x32xf32, #tpu.memory_space<vmem>> -> memref<32xf32, #tpu.memory_space<vmem>>
      %dma_start3A_433 = arith.constant 0 : i32
      %dma_start3A_434 = tpu.memref_slice %arg3[%squeeze3A_415, %dma_start3A_433] : memref<1000000x32xf32, #tpu.memory_space<hbm>> -> memref<1x32xf32, #tpu.memory_space<hbm>>
      %dma_start3A_435 = tpu.memref_squeeze %dma_start3A_434 : memref<1x32xf32, #tpu.memory_space<hbm>> -> memref<32xf32, #tpu.memory_space<hbm>>
      %dma_start3A_436 = arith.constant 32 : i32
      %dma_start3A_437 = tpu.memref_slice %arg9[%add3A_413, %dma_start3A_436] : memref<512x128xf32, #tpu.memory_space<vmem>> -> memref<1x32xf32, #tpu.memory_space<vmem>>
      %dma_start3A_438 = tpu.memref_squeeze %dma_start3A_437 : memref<1x32xf32, #tpu.memory_space<vmem>> -> memref<32xf32, #tpu.memory_space<vmem>>
      %dma_start3A_439 = arith.constant 0 : i32
      %dma_start3A_440 = tpu.memref_slice %arg3[%squeeze3A_415, %dma_start3A_439] : memref<1000000x32xf32, #tpu.memory_space<hbm>> -> memref<1x32xf32, #tpu.memory_space<hbm>>
      %dma_start3A_441 = tpu.memref_squeeze %dma_start3A_440 : memref<1x32xf32, #tpu.memory_space<hbm>> -> memref<32xf32, #tpu.memory_space<hbm>>
      tpu.enqueue_dma source(%dma_start3A_441 : memref<32xf32, #tpu.memory_space<hbm>>) target(%dma_start3A_438 : memref<32xf32, #tpu.memory_space<vmem>>) target_semaphore(%arg10 : memref<!tpu.dma_semaphore, #tpu.memory_space<semaphore_mem>>)
      %dma_start3A_442 = arith.constant 64 : i32
      %dma_start3A_443 = tpu.memref_slice %arg9[%add3A_413, %dma_start3A_442] : memref<512x128xf32, #tpu.memory_space<vmem>> -> memref<1x32xf32, #tpu.memory_space<vmem>>
      %dma_start3A_444 = tpu.memref_squeeze %dma_start3A_443 : memref<1x32xf32, #tpu.memory_space<vmem>> -> memref<32xf32, #tpu.memory_space<vmem>>
      %dma_start3A_445 = arith.constant 0 : i32
      %dma_start3A_446 = tpu.memref_slice %arg2[%squeeze3A_417, %dma_start3A_445] : memref<1000000x32xf32, #tpu.memory_space<hbm>> -> memref<1x32xf32, #tpu.memory_space<hbm>>
      %dma_start3A_447 = tpu.memref_squeeze %dma_start3A_446 : memref<1x32xf32, #tpu.memory_space<hbm>> -> memref<32xf32, #tpu.memory_space<hbm>>
      %dma_start3A_448 = arith.constant 64 : i32
      %dma_start3A_449 = tpu.memref_slice %arg9[%add3A_413, %dma_start3A_448] : memref<512x128xf32, #tpu.memory_space<vmem>> -> memref<1x32xf32, #tpu.memory_space<vmem>>
      %dma_start3A_450 = tpu.memref_squeeze %dma_start3A_449 : memref<1x32xf32, #tpu.memory_space<vmem>> -> memref<32xf32, #tpu.memory_space<vmem>>
      %dma_start3A_451 = arith.constant 0 : i32
      %dma_start3A_452 = tpu.memref_slice %arg2[%squeeze3A_417, %dma_start3A_451] : memref<1000000x32xf32, #tpu.memory_space<hbm>> -> memref<1x32xf32, #tpu.memory_space<hbm>>
      %dma_start3A_453 = tpu.memref_squeeze %dma_start3A_452 : memref<1x32xf32, #tpu.memory_space<hbm>> -> memref<32xf32, #tpu.memory_space<hbm>>
      tpu.enqueue_dma source(%dma_start3A_453 : memref<32xf32, #tpu.memory_space<hbm>>) target(%dma_start3A_450 : memref<32xf32, #tpu.memory_space<vmem>>) target_semaphore(%arg10 : memref<!tpu.dma_semaphore, #tpu.memory_space<semaphore_mem>>)
      %dma_start3A_454 = arith.constant 96 : i32
      %dma_start3A_455 = tpu.memref_slice %arg9[%add3A_413, %dma_start3A_454] : memref<512x128xf32, #tpu.memory_space<vmem>> -> memref<1x32xf32, #tpu.memory_space<vmem>>
      %dma_start3A_456 = tpu.memref_squeeze %dma_start3A_455 : memref<1x32xf32, #tpu.memory_space<vmem>> -> memref<32xf32, #tpu.memory_space<vmem>>
      %dma_start3A_457 = arith.constant 0 : i32
      %dma_start3A_458 = tpu.memref_slice %arg3[%squeeze3A_417, %dma_start3A_457] : memref<1000000x32xf32, #tpu.memory_space<hbm>> -> memref<1x32xf32, #tpu.memory_space<hbm>>
      %dma_start3A_459 = tpu.memref_squeeze %dma_start3A_458 : memref<1x32xf32, #tpu.memory_space<hbm>> -> memref<32xf32, #tpu.memory_space<hbm>>
      %dma_start3A_460 = arith.constant 96 : i32
      %dma_start3A_461 = tpu.memref_slice %arg9[%add3A_413, %dma_start3A_460] : memref<512x128xf32, #tpu.memory_space<vmem>> -> memref<1x32xf32, #tpu.memory_space<vmem>>
      %dma_start3A_462 = tpu.memref_squeeze %dma_start3A_461 : memref<1x32xf32, #tpu.memory_space<vmem>> -> memref<32xf32, #tpu.memory_space<vmem>>
      %dma_start3A_463 = arith.constant 0 : i32
      %dma_start3A_464 = tpu.memref_slice %arg3[%squeeze3A_417, %dma_start3A_463] : memref<1000000x32xf32, #tpu.memory_space<hbm>> -> memref<1x32xf32, #tpu.memory_space<hbm>>
      %dma_start3A_465 = tpu.memref_squeeze %dma_start3A_464 : memref<1x32xf32, #tpu.memory_space<hbm>> -> memref<32xf32, #tpu.memory_space<hbm>>
      tpu.enqueue_dma source(%dma_start3A_465 : memref<32xf32, #tpu.memory_space<hbm>>) target(%dma_start3A_462 : memref<32xf32, #tpu.memory_space<vmem>>) target_semaphore(%arg10 : memref<!tpu.dma_semaphore, #tpu.memory_space<semaphore_mem>>)
      %mul3A_466 = arith.constant 16 : i32
      %mul3A_467 = arith.muli %scan3A_11, %mul3A_466 : i32
      %add3A_468 = arith.constant 8 : i32
      %add3A_469 = arith.addi %mul3A_467, %add3A_468 : i32
      %slice3A_470 = vector.extract_strided_slice %get3A_15 {offsets = [8], sizes = [1], strides = [1]} : vector<16xi32> to vector<1xi32>
      %squeeze3A_471 = vector.extract %slice3A_470[0] : i32 from vector<1xi32>
      %slice3A_472 = vector.extract_strided_slice %get3A_20 {offsets = [8], sizes = [1], strides = [1]} : vector<16xi32> to vector<1xi32>
      %squeeze3A_473 = vector.extract %slice3A_472[0] : i32 from vector<1xi32>
      %dma_start3A_474 = arith.constant 0 : i32
      %dma_start3A_475 = tpu.memref_slice %arg9[%add3A_469, %dma_start3A_474] : memref<512x128xf32, #tpu.memory_space<vmem>> -> memref<1x32xf32, #tpu.memory_space<vmem>>
      %dma_start3A_476 = tpu.memref_squeeze %dma_start3A_475 : memref<1x32xf32, #tpu.memory_space<vmem>> -> memref<32xf32, #tpu.memory_space<vmem>>
      %dma_start3A_477 = arith.constant 0 : i32
      %dma_start3A_478 = tpu.memref_slice %arg2[%squeeze3A_471, %dma_start3A_477] : memref<1000000x32xf32, #tpu.memory_space<hbm>> -> memref<1x32xf32, #tpu.memory_space<hbm>>
      %dma_start3A_479 = tpu.memref_squeeze %dma_start3A_478 : memref<1x32xf32, #tpu.memory_space<hbm>> -> memref<32xf32, #tpu.memory_space<hbm>>
      %dma_start3A_480 = arith.constant 0 : i32
      %dma_start3A_481 = tpu.memref_slice %arg9[%add3A_469, %dma_start3A_480] : memref<512x128xf32, #tpu.memory_space<vmem>> -> memref<1x32xf32, #tpu.memory_space<vmem>>
      %dma_start3A_482 = tpu.memref_squeeze %dma_start3A_481 : memref<1x32xf32, #tpu.memory_space<vmem>> -> memref<32xf32, #tpu.memory_space<vmem>>
      %dma_start3A_483 = arith.constant 0 : i32
      %dma_start3A_484 = tpu.memref_slice %arg2[%squeeze3A_471, %dma_start3A_483] : memref<1000000x32xf32, #tpu.memory_space<hbm>> -> memref<1x32xf32, #tpu.memory_space<hbm>>
      %dma_start3A_485 = tpu.memref_squeeze %dma_start3A_484 : memref<1x32xf32, #tpu.memory_space<hbm>> -> memref<32xf32, #tpu.memory_space<hbm>>
      tpu.enqueue_dma source(%dma_start3A_485 : memref<32xf32, #tpu.memory_space<hbm>>) target(%dma_start3A_482 : memref<32xf32, #tpu.memory_space<vmem>>) target_semaphore(%arg10 : memref<!tpu.dma_semaphore, #tpu.memory_space<semaphore_mem>>)
      %dma_start3A_486 = arith.constant 32 : i32
      %dma_start3A_487 = tpu.memref_slice %arg9[%add3A_469, %dma_start3A_486] : memref<512x128xf32, #tpu.memory_space<vmem>> -> memref<1x32xf32, #tpu.memory_space<vmem>>
      %dma_start3A_488 = tpu.memref_squeeze %dma_start3A_487 : memref<1x32xf32, #tpu.memory_space<vmem>> -> memref<32xf32, #tpu.memory_space<vmem>>
      %dma_start3A_489 = arith.constant 0 : i32
      %dma_start3A_490 = tpu.memref_slice %arg3[%squeeze3A_471, %dma_start3A_489] : memref<1000000x32xf32, #tpu.memory_space<hbm>> -> memref<1x32xf32, #tpu.memory_space<hbm>>
      %dma_start3A_491 = tpu.memref_squeeze %dma_start3A_490 : memref<1x32xf32, #tpu.memory_space<hbm>> -> memref<32xf32, #tpu.memory_space<hbm>>
      %dma_start3A_492 = arith.constant 32 : i32
      %dma_start3A_493 = tpu.memref_slice %arg9[%add3A_469, %dma_start3A_492] : memref<512x128xf32, #tpu.memory_space<vmem>> -> memref<1x32xf32, #tpu.memory_space<vmem>>
      %dma_start3A_494 = tpu.memref_squeeze %dma_start3A_493 : memref<1x32xf32, #tpu.memory_space<vmem>> -> memref<32xf32, #tpu.memory_space<vmem>>
      %dma_start3A_495 = arith.constant 0 : i32
      %dma_start3A_496 = tpu.memref_slice %arg3[%squeeze3A_471, %dma_start3A_495] : memref<1000000x32xf32, #tpu.memory_space<hbm>> -> memref<1x32xf32, #tpu.memory_space<hbm>>
      %dma_start3A_497 = tpu.memref_squeeze %dma_start3A_496 : memref<1x32xf32, #tpu.memory_space<hbm>> -> memref<32xf32, #tpu.memory_space<hbm>>
      tpu.enqueue_dma source(%dma_start3A_497 : memref<32xf32, #tpu.memory_space<hbm>>) target(%dma_start3A_494 : memref<32xf32, #tpu.memory_space<vmem>>) target_semaphore(%arg10 : memref<!tpu.dma_semaphore, #tpu.memory_space<semaphore_mem>>)
      %dma_start3A_498 = arith.constant 64 : i32
      %dma_start3A_499 = tpu.memref_slice %arg9[%add3A_469, %dma_start3A_498] : memref<512x128xf32, #tpu.memory_space<vmem>> -> memref<1x32xf32, #tpu.memory_space<vmem>>
      %dma_start3A_500 = tpu.memref_squeeze %dma_start3A_499 : memref<1x32xf32, #tpu.memory_space<vmem>> -> memref<32xf32, #tpu.memory_space<vmem>>
      %dma_start3A_501 = arith.constant 0 : i32
      %dma_start3A_502 = tpu.memref_slice %arg2[%squeeze3A_473, %dma_start3A_501] : memref<1000000x32xf32, #tpu.memory_space<hbm>> -> memref<1x32xf32, #tpu.memory_space<hbm>>
      %dma_start3A_503 = tpu.memref_squeeze %dma_start3A_502 : memref<1x32xf32, #tpu.memory_space<hbm>> -> memref<32xf32, #tpu.memory_space<hbm>>
      %dma_start3A_504 = arith.constant 64 : i32
      %dma_start3A_505 = tpu.memref_slice %arg9[%add3A_469, %dma_start3A_504] : memref<512x128xf32, #tpu.memory_space<vmem>> -> memref<1x32xf32, #tpu.memory_space<vmem>>
      %dma_start3A_506 = tpu.memref_squeeze %dma_start3A_505 : memref<1x32xf32, #tpu.memory_space<vmem>> -> memref<32xf32, #tpu.memory_space<vmem>>
      %dma_start3A_507 = arith.constant 0 : i32
      %dma_start3A_508 = tpu.memref_slice %arg2[%squeeze3A_473, %dma_start3A_507] : memref<1000000x32xf32, #tpu.memory_space<hbm>> -> memref<1x32xf32, #tpu.memory_space<hbm>>
      %dma_start3A_509 = tpu.memref_squeeze %dma_start3A_508 : memref<1x32xf32, #tpu.memory_space<hbm>> -> memref<32xf32, #tpu.memory_space<hbm>>
      tpu.enqueue_dma source(%dma_start3A_509 : memref<32xf32, #tpu.memory_space<hbm>>) target(%dma_start3A_506 : memref<32xf32, #tpu.memory_space<vmem>>) target_semaphore(%arg10 : memref<!tpu.dma_semaphore, #tpu.memory_space<semaphore_mem>>)
      %dma_start3A_510 = arith.constant 96 : i32
      %dma_start3A_511 = tpu.memref_slice %arg9[%add3A_469, %dma_start3A_510] : memref<512x128xf32, #tpu.memory_space<vmem>> -> memref<1x32xf32, #tpu.memory_space<vmem>>
      %dma_start3A_512 = tpu.memref_squeeze %dma_start3A_511 : memref<1x32xf32, #tpu.memory_space<vmem>> -> memref<32xf32, #tpu.memory_space<vmem>>
      %dma_start3A_513 = arith.constant 0 : i32
      %dma_start3A_514 = tpu.memref_slice %arg3[%squeeze3A_473, %dma_start3A_513] : memref<1000000x32xf32, #tpu.memory_space<hbm>> -> memref<1x32xf32, #tpu.memory_space<hbm>>
      %dma_start3A_515 = tpu.memref_squeeze %dma_start3A_514 : memref<1x32xf32, #tpu.memory_space<hbm>> -> memref<32xf32, #tpu.memory_space<hbm>>
      %dma_start3A_516 = arith.constant 96 : i32
      %dma_start3A_517 = tpu.memref_slice %arg9[%add3A_469, %dma_start3A_516] : memref<512x128xf32, #tpu.memory_space<vmem>> -> memref<1x32xf32, #tpu.memory_space<vmem>>
      %dma_start3A_518 = tpu.memref_squeeze %dma_start3A_517 : memref<1x32xf32, #tpu.memory_space<vmem>> -> memref<32xf32, #tpu.memory_space<vmem>>
      %dma_start3A_519 = arith.constant 0 : i32
      %dma_start3A_520 = tpu.memref_slice %arg3[%squeeze3A_473, %dma_start3A_519] : memref<1000000x32xf32, #tpu.memory_space<hbm>> -> memref<1x32xf32, #tpu.memory_space<hbm>>
      %dma_start3A_521 = tpu.memref_squeeze %dma_start3A_520 : memref<1x32xf32, #tpu.memory_space<hbm>> -> memref<32xf32, #tpu.memory_space<hbm>>
      tpu.enqueue_dma source(%dma_start3A_521 : memref<32xf32, #tpu.memory_space<hbm>>) target(%dma_start3A_518 : memref<32xf32, #tpu.memory_space<vmem>>) target_semaphore(%arg10 : memref<!tpu.dma_semaphore, #tpu.memory_space<semaphore_mem>>)
      %mul3A_522 = arith.constant 16 : i32
      %mul3A_523 = arith.muli %scan3A_11, %mul3A_522 : i32
      %add3A_524 = arith.constant 9 : i32
      %add3A_525 = arith.addi %mul3A_523, %add3A_524 : i32
      %slice3A_526 = vector.extract_strided_slice %get3A_15 {offsets = [9], sizes = [1], strides = [1]} : vector<16xi32> to vector<1xi32>
      %squeeze3A_527 = vector.extract %slice3A_526[0] : i32 from vector<1xi32>
      %slice3A_528 = vector.extract_strided_slice %get3A_20 {offsets = [9], sizes = [1], strides = [1]} : vector<16xi32> to vector<1xi32>
      %squeeze3A_529 = vector.extract %slice3A_528[0] : i32 from vector<1xi32>
      %dma_start3A_530 = arith.constant 0 : i32
      %dma_start3A_531 = tpu.memref_slice %arg9[%add3A_525, %dma_start3A_530] : memref<512x128xf32, #tpu.memory_space<vmem>> -> memref<1x32xf32, #tpu.memory_space<vmem>>
      %dma_start3A_532 = tpu.memref_squeeze %dma_start3A_531 : memref<1x32xf32, #tpu.memory_space<vmem>> -> memref<32xf32, #tpu.memory_space<vmem>>
      %dma_start3A_533 = arith.constant 0 : i32
      %dma_start3A_534 = tpu.memref_slice %arg2[%squeeze3A_527, %dma_start3A_533] : memref<1000000x32xf32, #tpu.memory_space<hbm>> -> memref<1x32xf32, #tpu.memory_space<hbm>>
      %dma_start3A_535 = tpu.memref_squeeze %dma_start3A_534 : memref<1x32xf32, #tpu.memory_space<hbm>> -> memref<32xf32, #tpu.memory_space<hbm>>
      %dma_start3A_536 = arith.constant 0 : i32
      %dma_start3A_537 = tpu.memref_slice %arg9[%add3A_525, %dma_start3A_536] : memref<512x128xf32, #tpu.memory_space<vmem>> -> memref<1x32xf32, #tpu.memory_space<vmem>>
      %dma_start3A_538 = tpu.memref_squeeze %dma_start3A_537 : memref<1x32xf32, #tpu.memory_space<vmem>> -> memref<32xf32, #tpu.memory_space<vmem>>
      %dma_start3A_539 = arith.constant 0 : i32
      %dma_start3A_540 = tpu.memref_slice %arg2[%squeeze3A_527, %dma_start3A_539] : memref<1000000x32xf32, #tpu.memory_space<hbm>> -> memref<1x32xf32, #tpu.memory_space<hbm>>
      %dma_start3A_541 = tpu.memref_squeeze %dma_start3A_540 : memref<1x32xf32, #tpu.memory_space<hbm>> -> memref<32xf32, #tpu.memory_space<hbm>>
      tpu.enqueue_dma source(%dma_start3A_541 : memref<32xf32, #tpu.memory_space<hbm>>) target(%dma_start3A_538 : memref<32xf32, #tpu.memory_space<vmem>>) target_semaphore(%arg10 : memref<!tpu.dma_semaphore, #tpu.memory_space<semaphore_mem>>)
      %dma_start3A_542 = arith.constant 32 : i32
      %dma_start3A_543 = tpu.memref_slice %arg9[%add3A_525, %dma_start3A_542] : memref<512x128xf32, #tpu.memory_space<vmem>> -> memref<1x32xf32, #tpu.memory_space<vmem>>
      %dma_start3A_544 = tpu.memref_squeeze %dma_start3A_543 : memref<1x32xf32, #tpu.memory_space<vmem>> -> memref<32xf32, #tpu.memory_space<vmem>>
      %dma_start3A_545 = arith.constant 0 : i32
      %dma_start3A_546 = tpu.memref_slice %arg3[%squeeze3A_527, %dma_start3A_545] : memref<1000000x32xf32, #tpu.memory_space<hbm>> -> memref<1x32xf32, #tpu.memory_space<hbm>>
      %dma_start3A_547 = tpu.memref_squeeze %dma_start3A_546 : memref<1x32xf32, #tpu.memory_space<hbm>> -> memref<32xf32, #tpu.memory_space<hbm>>
      %dma_start3A_548 = arith.constant 32 : i32
      %dma_start3A_549 = tpu.memref_slice %arg9[%add3A_525, %dma_start3A_548] : memref<512x128xf32, #tpu.memory_space<vmem>> -> memref<1x32xf32, #tpu.memory_space<vmem>>
      %dma_start3A_550 = tpu.memref_squeeze %dma_start3A_549 : memref<1x32xf32, #tpu.memory_space<vmem>> -> memref<32xf32, #tpu.memory_space<vmem>>
      %dma_start3A_551 = arith.constant 0 : i32
      %dma_start3A_552 = tpu.memref_slice %arg3[%squeeze3A_527, %dma_start3A_551] : memref<1000000x32xf32, #tpu.memory_space<hbm>> -> memref<1x32xf32, #tpu.memory_space<hbm>>
      %dma_start3A_553 = tpu.memref_squeeze %dma_start3A_552 : memref<1x32xf32, #tpu.memory_space<hbm>> -> memref<32xf32, #tpu.memory_space<hbm>>
      tpu.enqueue_dma source(%dma_start3A_553 : memref<32xf32, #tpu.memory_space<hbm>>) target(%dma_start3A_550 : memref<32xf32, #tpu.memory_space<vmem>>) target_semaphore(%arg10 : memref<!tpu.dma_semaphore, #tpu.memory_space<semaphore_mem>>)
      %dma_start3A_554 = arith.constant 64 : i32
      %dma_start3A_555 = tpu.memref_slice %arg9[%add3A_525, %dma_start3A_554] : memref<512x128xf32, #tpu.memory_space<vmem>> -> memref<1x32xf32, #tpu.memory_space<vmem>>
      %dma_start3A_556 = tpu.memref_squeeze %dma_start3A_555 : memref<1x32xf32, #tpu.memory_space<vmem>> -> memref<32xf32, #tpu.memory_space<vmem>>
      %dma_start3A_557 = arith.constant 0 : i32
      %dma_start3A_558 = tpu.memref_slice %arg2[%squeeze3A_529, %dma_start3A_557] : memref<1000000x32xf32, #tpu.memory_space<hbm>> -> memref<1x32xf32, #tpu.memory_space<hbm>>
      %dma_start3A_559 = tpu.memref_squeeze %dma_start3A_558 : memref<1x32xf32, #tpu.memory_space<hbm>> -> memref<32xf32, #tpu.memory_space<hbm>>
      %dma_start3A_560 = arith.constant 64 : i32
      %dma_start3A_561 = tpu.memref_slice %arg9[%add3A_525, %dma_start3A_560] : memref<512x128xf32, #tpu.memory_space<vmem>> -> memref<1x32xf32, #tpu.memory_space<vmem>>
      %dma_start3A_562 = tpu.memref_squeeze %dma_start3A_561 : memref<1x32xf32, #tpu.memory_space<vmem>> -> memref<32xf32, #tpu.memory_space<vmem>>
      %dma_start3A_563 = arith.constant 0 : i32
      %dma_start3A_564 = tpu.memref_slice %arg2[%squeeze3A_529, %dma_start3A_563] : memref<1000000x32xf32, #tpu.memory_space<hbm>> -> memref<1x32xf32, #tpu.memory_space<hbm>>
      %dma_start3A_565 = tpu.memref_squeeze %dma_start3A_564 : memref<1x32xf32, #tpu.memory_space<hbm>> -> memref<32xf32, #tpu.memory_space<hbm>>
      tpu.enqueue_dma source(%dma_start3A_565 : memref<32xf32, #tpu.memory_space<hbm>>) target(%dma_start3A_562 : memref<32xf32, #tpu.memory_space<vmem>>) target_semaphore(%arg10 : memref<!tpu.dma_semaphore, #tpu.memory_space<semaphore_mem>>)
      %dma_start3A_566 = arith.constant 96 : i32
      %dma_start3A_567 = tpu.memref_slice %arg9[%add3A_525, %dma_start3A_566] : memref<512x128xf32, #tpu.memory_space<vmem>> -> memref<1x32xf32, #tpu.memory_space<vmem>>
      %dma_start3A_568 = tpu.memref_squeeze %dma_start3A_567 : memref<1x32xf32, #tpu.memory_space<vmem>> -> memref<32xf32, #tpu.memory_space<vmem>>
      %dma_start3A_569 = arith.constant 0 : i32
      %dma_start3A_570 = tpu.memref_slice %arg3[%squeeze3A_529, %dma_start3A_569] : memref<1000000x32xf32, #tpu.memory_space<hbm>> -> memref<1x32xf32, #tpu.memory_space<hbm>>
      %dma_start3A_571 = tpu.memref_squeeze %dma_start3A_570 : memref<1x32xf32, #tpu.memory_space<hbm>> -> memref<32xf32, #tpu.memory_space<hbm>>
      %dma_start3A_572 = arith.constant 96 : i32
      %dma_start3A_573 = tpu.memref_slice %arg9[%add3A_525, %dma_start3A_572] : memref<512x128xf32, #tpu.memory_space<vmem>> -> memref<1x32xf32, #tpu.memory_space<vmem>>
      %dma_start3A_574 = tpu.memref_squeeze %dma_start3A_573 : memref<1x32xf32, #tpu.memory_space<vmem>> -> memref<32xf32, #tpu.memory_space<vmem>>
      %dma_start3A_575 = arith.constant 0 : i32
      %dma_start3A_576 = tpu.memref_slice %arg3[%squeeze3A_529, %dma_start3A_575] : memref<1000000x32xf32, #tpu.memory_space<hbm>> -> memref<1x32xf32, #tpu.memory_space<hbm>>
      %dma_start3A_577 = tpu.memref_squeeze %dma_start3A_576 : memref<1x32xf32, #tpu.memory_space<hbm>> -> memref<32xf32, #tpu.memory_space<hbm>>
      tpu.enqueue_dma source(%dma_start3A_577 : memref<32xf32, #tpu.memory_space<hbm>>) target(%dma_start3A_574 : memref<32xf32, #tpu.memory_space<vmem>>) target_semaphore(%arg10 : memref<!tpu.dma_semaphore, #tpu.memory_space<semaphore_mem>>)
      %mul3A_578 = arith.constant 16 : i32
      %mul3A_579 = arith.muli %scan3A_11, %mul3A_578 : i32
      %add3A_580 = arith.constant 10 : i32
      %add3A_581 = arith.addi %mul3A_579, %add3A_580 : i32
      %slice3A_582 = vector.extract_strided_slice %get3A_15 {offsets = [10], sizes = [1], strides = [1]} : vector<16xi32> to vector<1xi32>
      %squeeze3A_583 = vector.extract %slice3A_582[0] : i32 from vector<1xi32>
      %slice3A_584 = vector.extract_strided_slice %get3A_20 {offsets = [10], sizes = [1], strides = [1]} : vector<16xi32> to vector<1xi32>
      %squeeze3A_585 = vector.extract %slice3A_584[0] : i32 from vector<1xi32>
      %dma_start3A_586 = arith.constant 0 : i32
      %dma_start3A_587 = tpu.memref_slice %arg9[%add3A_581, %dma_start3A_586] : memref<512x128xf32, #tpu.memory_space<vmem>> -> memref<1x32xf32, #tpu.memory_space<vmem>>
      %dma_start3A_588 = tpu.memref_squeeze %dma_start3A_587 : memref<1x32xf32, #tpu.memory_space<vmem>> -> memref<32xf32, #tpu.memory_space<vmem>>
      %dma_start3A_589 = arith.constant 0 : i32
      %dma_start3A_590 = tpu.memref_slice %arg2[%squeeze3A_583, %dma_start3A_589] : memref<1000000x32xf32, #tpu.memory_space<hbm>> -> memref<1x32xf32, #tpu.memory_space<hbm>>
      %dma_start3A_591 = tpu.memref_squeeze %dma_start3A_590 : memref<1x32xf32, #tpu.memory_space<hbm>> -> memref<32xf32, #tpu.memory_space<hbm>>
      %dma_start3A_592 = arith.constant 0 : i32
      %dma_start3A_593 = tpu.memref_slice %arg9[%add3A_581, %dma_start3A_592] : memref<512x128xf32, #tpu.memory_space<vmem>> -> memref<1x32xf32, #tpu.memory_space<vmem>>
      %dma_start3A_594 = tpu.memref_squeeze %dma_start3A_593 : memref<1x32xf32, #tpu.memory_space<vmem>> -> memref<32xf32, #tpu.memory_space<vmem>>
      %dma_start3A_595 = arith.constant 0 : i32
      %dma_start3A_596 = tpu.memref_slice %arg2[%squeeze3A_583, %dma_start3A_595] : memref<1000000x32xf32, #tpu.memory_space<hbm>> -> memref<1x32xf32, #tpu.memory_space<hbm>>
      %dma_start3A_597 = tpu.memref_squeeze %dma_start3A_596 : memref<1x32xf32, #tpu.memory_space<hbm>> -> memref<32xf32, #tpu.memory_space<hbm>>
      tpu.enqueue_dma source(%dma_start3A_597 : memref<32xf32, #tpu.memory_space<hbm>>) target(%dma_start3A_594 : memref<32xf32, #tpu.memory_space<vmem>>) target_semaphore(%arg10 : memref<!tpu.dma_semaphore, #tpu.memory_space<semaphore_mem>>)
      %dma_start3A_598 = arith.constant 32 : i32
      %dma_start3A_599 = tpu.memref_slice %arg9[%add3A_581, %dma_start3A_598] : memref<512x128xf32, #tpu.memory_space<vmem>> -> memref<1x32xf32, #tpu.memory_space<vmem>>
      %dma_start3A_600 = tpu.memref_squeeze %dma_start3A_599 : memref<1x32xf32, #tpu.memory_space<vmem>> -> memref<32xf32, #tpu.memory_space<vmem>>
      %dma_start3A_601 = arith.constant 0 : i32
      %dma_start3A_602 = tpu.memref_slice %arg3[%squeeze3A_583, %dma_start3A_601] : memref<1000000x32xf32, #tpu.memory_space<hbm>> -> memref<1x32xf32, #tpu.memory_space<hbm>>
      %dma_start3A_603 = tpu.memref_squeeze %dma_start3A_602 : memref<1x32xf32, #tpu.memory_space<hbm>> -> memref<32xf32, #tpu.memory_space<hbm>>
      %dma_start3A_604 = arith.constant 32 : i32
      %dma_start3A_605 = tpu.memref_slice %arg9[%add3A_581, %dma_start3A_604] : memref<512x128xf32, #tpu.memory_space<vmem>> -> memref<1x32xf32, #tpu.memory_space<vmem>>
      %dma_start3A_606 = tpu.memref_squeeze %dma_start3A_605 : memref<1x32xf32, #tpu.memory_space<vmem>> -> memref<32xf32, #tpu.memory_space<vmem>>
      %dma_start3A_607 = arith.constant 0 : i32
      %dma_start3A_608 = tpu.memref_slice %arg3[%squeeze3A_583, %dma_start3A_607] : memref<1000000x32xf32, #tpu.memory_space<hbm>> -> memref<1x32xf32, #tpu.memory_space<hbm>>
      %dma_start3A_609 = tpu.memref_squeeze %dma_start3A_608 : memref<1x32xf32, #tpu.memory_space<hbm>> -> memref<32xf32, #tpu.memory_space<hbm>>
      tpu.enqueue_dma source(%dma_start3A_609 : memref<32xf32, #tpu.memory_space<hbm>>) target(%dma_start3A_606 : memref<32xf32, #tpu.memory_space<vmem>>) target_semaphore(%arg10 : memref<!tpu.dma_semaphore, #tpu.memory_space<semaphore_mem>>)
      %dma_start3A_610 = arith.constant 64 : i32
      %dma_start3A_611 = tpu.memref_slice %arg9[%add3A_581, %dma_start3A_610] : memref<512x128xf32, #tpu.memory_space<vmem>> -> memref<1x32xf32, #tpu.memory_space<vmem>>
      %dma_start3A_612 = tpu.memref_squeeze %dma_start3A_611 : memref<1x32xf32, #tpu.memory_space<vmem>> -> memref<32xf32, #tpu.memory_space<vmem>>
      %dma_start3A_613 = arith.constant 0 : i32
      %dma_start3A_614 = tpu.memref_slice %arg2[%squeeze3A_585, %dma_start3A_613] : memref<1000000x32xf32, #tpu.memory_space<hbm>> -> memref<1x32xf32, #tpu.memory_space<hbm>>
      %dma_start3A_615 = tpu.memref_squeeze %dma_start3A_614 : memref<1x32xf32, #tpu.memory_space<hbm>> -> memref<32xf32, #tpu.memory_space<hbm>>
      %dma_start3A_616 = arith.constant 64 : i32
      %dma_start3A_617 = tpu.memref_slice %arg9[%add3A_581, %dma_start3A_616] : memref<512x128xf32, #tpu.memory_space<vmem>> -> memref<1x32xf32, #tpu.memory_space<vmem>>
      %dma_start3A_618 = tpu.memref_squeeze %dma_start3A_617 : memref<1x32xf32, #tpu.memory_space<vmem>> -> memref<32xf32, #tpu.memory_space<vmem>>
      %dma_start3A_619 = arith.constant 0 : i32
      %dma_start3A_620 = tpu.memref_slice %arg2[%squeeze3A_585, %dma_start3A_619] : memref<1000000x32xf32, #tpu.memory_space<hbm>> -> memref<1x32xf32, #tpu.memory_space<hbm>>
      %dma_start3A_621 = tpu.memref_squeeze %dma_start3A_620 : memref<1x32xf32, #tpu.memory_space<hbm>> -> memref<32xf32, #tpu.memory_space<hbm>>
      tpu.enqueue_dma source(%dma_start3A_621 : memref<32xf32, #tpu.memory_space<hbm>>) target(%dma_start3A_618 : memref<32xf32, #tpu.memory_space<vmem>>) target_semaphore(%arg10 : memref<!tpu.dma_semaphore, #tpu.memory_space<semaphore_mem>>)
      %dma_start3A_622 = arith.constant 96 : i32
      %dma_start3A_623 = tpu.memref_slice %arg9[%add3A_581, %dma_start3A_622] : memref<512x128xf32, #tpu.memory_space<vmem>> -> memref<1x32xf32, #tpu.memory_space<vmem>>
      %dma_start3A_624 = tpu.memref_squeeze %dma_start3A_623 : memref<1x32xf32, #tpu.memory_space<vmem>> -> memref<32xf32, #tpu.memory_space<vmem>>
      %dma_start3A_625 = arith.constant 0 : i32
      %dma_start3A_626 = tpu.memref_slice %arg3[%squeeze3A_585, %dma_start3A_625] : memref<1000000x32xf32, #tpu.memory_space<hbm>> -> memref<1x32xf32, #tpu.memory_space<hbm>>
      %dma_start3A_627 = tpu.memref_squeeze %dma_start3A_626 : memref<1x32xf32, #tpu.memory_space<hbm>> -> memref<32xf32, #tpu.memory_space<hbm>>
      %dma_start3A_628 = arith.constant 96 : i32
      %dma_start3A_629 = tpu.memref_slice %arg9[%add3A_581, %dma_start3A_628] : memref<512x128xf32, #tpu.memory_space<vmem>> -> memref<1x32xf32, #tpu.memory_space<vmem>>
      %dma_start3A_630 = tpu.memref_squeeze %dma_start3A_629 : memref<1x32xf32, #tpu.memory_space<vmem>> -> memref<32xf32, #tpu.memory_space<vmem>>
      %dma_start3A_631 = arith.constant 0 : i32
      %dma_start3A_632 = tpu.memref_slice %arg3[%squeeze3A_585, %dma_start3A_631] : memref<1000000x32xf32, #tpu.memory_space<hbm>> -> memref<1x32xf32, #tpu.memory_space<hbm>>
      %dma_start3A_633 = tpu.memref_squeeze %dma_start3A_632 : memref<1x32xf32, #tpu.memory_space<hbm>> -> memref<32xf32, #tpu.memory_space<hbm>>
      tpu.enqueue_dma source(%dma_start3A_633 : memref<32xf32, #tpu.memory_space<hbm>>) target(%dma_start3A_630 : memref<32xf32, #tpu.memory_space<vmem>>) target_semaphore(%arg10 : memref<!tpu.dma_semaphore, #tpu.memory_space<semaphore_mem>>)
      %mul3A_634 = arith.constant 16 : i32
      %mul3A_635 = arith.muli %scan3A_11, %mul3A_634 : i32
      %add3A_636 = arith.constant 11 : i32
      %add3A_637 = arith.addi %mul3A_635, %add3A_636 : i32
      %slice3A_638 = vector.extract_strided_slice %get3A_15 {offsets = [11], sizes = [1], strides = [1]} : vector<16xi32> to vector<1xi32>
      %squeeze3A_639 = vector.extract %slice3A_638[0] : i32 from vector<1xi32>
      %slice3A_640 = vector.extract_strided_slice %get3A_20 {offsets = [11], sizes = [1], strides = [1]} : vector<16xi32> to vector<1xi32>
      %squeeze3A_641 = vector.extract %slice3A_640[0] : i32 from vector<1xi32>
      %dma_start3A_642 = arith.constant 0 : i32
      %dma_start3A_643 = tpu.memref_slice %arg9[%add3A_637, %dma_start3A_642] : memref<512x128xf32, #tpu.memory_space<vmem>> -> memref<1x32xf32, #tpu.memory_space<vmem>>
      %dma_start3A_644 = tpu.memref_squeeze %dma_start3A_643 : memref<1x32xf32, #tpu.memory_space<vmem>> -> memref<32xf32, #tpu.memory_space<vmem>>
      %dma_start3A_645 = arith.constant 0 : i32
      %dma_start3A_646 = tpu.memref_slice %arg2[%squeeze3A_639, %dma_start3A_645] : memref<1000000x32xf32, #tpu.memory_space<hbm>> -> memref<1x32xf32, #tpu.memory_space<hbm>>
      %dma_start3A_647 = tpu.memref_squeeze %dma_start3A_646 : memref<1x32xf32, #tpu.memory_space<hbm>> -> memref<32xf32, #tpu.memory_space<hbm>>
      %dma_start3A_648 = arith.constant 0 : i32
      %dma_start3A_649 = tpu.memref_slice %arg9[%add3A_637, %dma_start3A_648] : memref<512x128xf32, #tpu.memory_space<vmem>> -> memref<1x32xf32, #tpu.memory_space<vmem>>
      %dma_start3A_650 = tpu.memref_squeeze %dma_start3A_649 : memref<1x32xf32, #tpu.memory_space<vmem>> -> memref<32xf32, #tpu.memory_space<vmem>>
      %dma_start3A_651 = arith.constant 0 : i32
      %dma_start3A_652 = tpu.memref_slice %arg2[%squeeze3A_639, %dma_start3A_651] : memref<1000000x32xf32, #tpu.memory_space<hbm>> -> memref<1x32xf32, #tpu.memory_space<hbm>>
      %dma_start3A_653 = tpu.memref_squeeze %dma_start3A_652 : memref<1x32xf32, #tpu.memory_space<hbm>> -> memref<32xf32, #tpu.memory_space<hbm>>
      tpu.enqueue_dma source(%dma_start3A_653 : memref<32xf32, #tpu.memory_space<hbm>>) target(%dma_start3A_650 : memref<32xf32, #tpu.memory_space<vmem>>) target_semaphore(%arg10 : memref<!tpu.dma_semaphore, #tpu.memory_space<semaphore_mem>>)
      %dma_start3A_654 = arith.constant 32 : i32
      %dma_start3A_655 = tpu.memref_slice %arg9[%add3A_637, %dma_start3A_654] : memref<512x128xf32, #tpu.memory_space<vmem>> -> memref<1x32xf32, #tpu.memory_space<vmem>>
      %dma_start3A_656 = tpu.memref_squeeze %dma_start3A_655 : memref<1x32xf32, #tpu.memory_space<vmem>> -> memref<32xf32, #tpu.memory_space<vmem>>
      %dma_start3A_657 = arith.constant 0 : i32
      %dma_start3A_658 = tpu.memref_slice %arg3[%squeeze3A_639, %dma_start3A_657] : memref<1000000x32xf32, #tpu.memory_space<hbm>> -> memref<1x32xf32, #tpu.memory_space<hbm>>
      %dma_start3A_659 = tpu.memref_squeeze %dma_start3A_658 : memref<1x32xf32, #tpu.memory_space<hbm>> -> memref<32xf32, #tpu.memory_space<hbm>>
      %dma_start3A_660 = arith.constant 32 : i32
      %dma_start3A_661 = tpu.memref_slice %arg9[%add3A_637, %dma_start3A_660] : memref<512x128xf32, #tpu.memory_space<vmem>> -> memref<1x32xf32, #tpu.memory_space<vmem>>
      %dma_start3A_662 = tpu.memref_squeeze %dma_start3A_661 : memref<1x32xf32, #tpu.memory_space<vmem>> -> memref<32xf32, #tpu.memory_space<vmem>>
      %dma_start3A_663 = arith.constant 0 : i32
      %dma_start3A_664 = tpu.memref_slice %arg3[%squeeze3A_639, %dma_start3A_663] : memref<1000000x32xf32, #tpu.memory_space<hbm>> -> memref<1x32xf32, #tpu.memory_space<hbm>>
      %dma_start3A_665 = tpu.memref_squeeze %dma_start3A_664 : memref<1x32xf32, #tpu.memory_space<hbm>> -> memref<32xf32, #tpu.memory_space<hbm>>
      tpu.enqueue_dma source(%dma_start3A_665 : memref<32xf32, #tpu.memory_space<hbm>>) target(%dma_start3A_662 : memref<32xf32, #tpu.memory_space<vmem>>) target_semaphore(%arg10 : memref<!tpu.dma_semaphore, #tpu.memory_space<semaphore_mem>>)
      %dma_start3A_666 = arith.constant 64 : i32
      %dma_start3A_667 = tpu.memref_slice %arg9[%add3A_637, %dma_start3A_666] : memref<512x128xf32, #tpu.memory_space<vmem>> -> memref<1x32xf32, #tpu.memory_space<vmem>>
      %dma_start3A_668 = tpu.memref_squeeze %dma_start3A_667 : memref<1x32xf32, #tpu.memory_space<vmem>> -> memref<32xf32, #tpu.memory_space<vmem>>
      %dma_start3A_669 = arith.constant 0 : i32
      %dma_start3A_670 = tpu.memref_slice %arg2[%squeeze3A_641, %dma_start3A_669] : memref<1000000x32xf32, #tpu.memory_space<hbm>> -> memref<1x32xf32, #tpu.memory_space<hbm>>
      %dma_start3A_671 = tpu.memref_squeeze %dma_start3A_670 : memref<1x32xf32, #tpu.memory_space<hbm>> -> memref<32xf32, #tpu.memory_space<hbm>>
      %dma_start3A_672 = arith.constant 64 : i32
      %dma_start3A_673 = tpu.memref_slice %arg9[%add3A_637, %dma_start3A_672] : memref<512x128xf32, #tpu.memory_space<vmem>> -> memref<1x32xf32, #tpu.memory_space<vmem>>
      %dma_start3A_674 = tpu.memref_squeeze %dma_start3A_673 : memref<1x32xf32, #tpu.memory_space<vmem>> -> memref<32xf32, #tpu.memory_space<vmem>>
      %dma_start3A_675 = arith.constant 0 : i32
      %dma_start3A_676 = tpu.memref_slice %arg2[%squeeze3A_641, %dma_start3A_675] : memref<1000000x32xf32, #tpu.memory_space<hbm>> -> memref<1x32xf32, #tpu.memory_space<hbm>>
      %dma_start3A_677 = tpu.memref_squeeze %dma_start3A_676 : memref<1x32xf32, #tpu.memory_space<hbm>> -> memref<32xf32, #tpu.memory_space<hbm>>
      tpu.enqueue_dma source(%dma_start3A_677 : memref<32xf32, #tpu.memory_space<hbm>>) target(%dma_start3A_674 : memref<32xf32, #tpu.memory_space<vmem>>) target_semaphore(%arg10 : memref<!tpu.dma_semaphore, #tpu.memory_space<semaphore_mem>>)
      %dma_start3A_678 = arith.constant 96 : i32
      %dma_start3A_679 = tpu.memref_slice %arg9[%add3A_637, %dma_start3A_678] : memref<512x128xf32, #tpu.memory_space<vmem>> -> memref<1x32xf32, #tpu.memory_space<vmem>>
      %dma_start3A_680 = tpu.memref_squeeze %dma_start3A_679 : memref<1x32xf32, #tpu.memory_space<vmem>> -> memref<32xf32, #tpu.memory_space<vmem>>
      %dma_start3A_681 = arith.constant 0 : i32
      %dma_start3A_682 = tpu.memref_slice %arg3[%squeeze3A_641, %dma_start3A_681] : memref<1000000x32xf32, #tpu.memory_space<hbm>> -> memref<1x32xf32, #tpu.memory_space<hbm>>
      %dma_start3A_683 = tpu.memref_squeeze %dma_start3A_682 : memref<1x32xf32, #tpu.memory_space<hbm>> -> memref<32xf32, #tpu.memory_space<hbm>>
      %dma_start3A_684 = arith.constant 96 : i32
      %dma_start3A_685 = tpu.memref_slice %arg9[%add3A_637, %dma_start3A_684] : memref<512x128xf32, #tpu.memory_space<vmem>> -> memref<1x32xf32, #tpu.memory_space<vmem>>
      %dma_start3A_686 = tpu.memref_squeeze %dma_start3A_685 : memref<1x32xf32, #tpu.memory_space<vmem>> -> memref<32xf32, #tpu.memory_space<vmem>>
      %dma_start3A_687 = arith.constant 0 : i32
      %dma_start3A_688 = tpu.memref_slice %arg3[%squeeze3A_641, %dma_start3A_687] : memref<1000000x32xf32, #tpu.memory_space<hbm>> -> memref<1x32xf32, #tpu.memory_space<hbm>>
      %dma_start3A_689 = tpu.memref_squeeze %dma_start3A_688 : memref<1x32xf32, #tpu.memory_space<hbm>> -> memref<32xf32, #tpu.memory_space<hbm>>
      tpu.enqueue_dma source(%dma_start3A_689 : memref<32xf32, #tpu.memory_space<hbm>>) target(%dma_start3A_686 : memref<32xf32, #tpu.memory_space<vmem>>) target_semaphore(%arg10 : memref<!tpu.dma_semaphore, #tpu.memory_space<semaphore_mem>>)
      %mul3A_690 = arith.constant 16 : i32
      %mul3A_691 = arith.muli %scan3A_11, %mul3A_690 : i32
      %add3A_692 = arith.constant 12 : i32
      %add3A_693 = arith.addi %mul3A_691, %add3A_692 : i32
      %slice3A_694 = vector.extract_strided_slice %get3A_15 {offsets = [12], sizes = [1], strides = [1]} : vector<16xi32> to vector<1xi32>
      %squeeze3A_695 = vector.extract %slice3A_694[0] : i32 from vector<1xi32>
      %slice3A_696 = vector.extract_strided_slice %get3A_20 {offsets = [12], sizes = [1], strides = [1]} : vector<16xi32> to vector<1xi32>
      %squeeze3A_697 = vector.extract %slice3A_696[0] : i32 from vector<1xi32>
      %dma_start3A_698 = arith.constant 0 : i32
      %dma_start3A_699 = tpu.memref_slice %arg9[%add3A_693, %dma_start3A_698] : memref<512x128xf32, #tpu.memory_space<vmem>> -> memref<1x32xf32, #tpu.memory_space<vmem>>
      %dma_start3A_700 = tpu.memref_squeeze %dma_start3A_699 : memref<1x32xf32, #tpu.memory_space<vmem>> -> memref<32xf32, #tpu.memory_space<vmem>>
      %dma_start3A_701 = arith.constant 0 : i32
      %dma_start3A_702 = tpu.memref_slice %arg2[%squeeze3A_695, %dma_start3A_701] : memref<1000000x32xf32, #tpu.memory_space<hbm>> -> memref<1x32xf32, #tpu.memory_space<hbm>>
      %dma_start3A_703 = tpu.memref_squeeze %dma_start3A_702 : memref<1x32xf32, #tpu.memory_space<hbm>> -> memref<32xf32, #tpu.memory_space<hbm>>
      %dma_start3A_704 = arith.constant 0 : i32
      %dma_start3A_705 = tpu.memref_slice %arg9[%add3A_693, %dma_start3A_704] : memref<512x128xf32, #tpu.memory_space<vmem>> -> memref<1x32xf32, #tpu.memory_space<vmem>>
      %dma_start3A_706 = tpu.memref_squeeze %dma_start3A_705 : memref<1x32xf32, #tpu.memory_space<vmem>> -> memref<32xf32, #tpu.memory_space<vmem>>
      %dma_start3A_707 = arith.constant 0 : i32
      %dma_start3A_708 = tpu.memref_slice %arg2[%squeeze3A_695, %dma_start3A_707] : memref<1000000x32xf32, #tpu.memory_space<hbm>> -> memref<1x32xf32, #tpu.memory_space<hbm>>
      %dma_start3A_709 = tpu.memref_squeeze %dma_start3A_708 : memref<1x32xf32, #tpu.memory_space<hbm>> -> memref<32xf32, #tpu.memory_space<hbm>>
      tpu.enqueue_dma source(%dma_start3A_709 : memref<32xf32, #tpu.memory_space<hbm>>) target(%dma_start3A_706 : memref<32xf32, #tpu.memory_space<vmem>>) target_semaphore(%arg10 : memref<!tpu.dma_semaphore, #tpu.memory_space<semaphore_mem>>)
      %dma_start3A_710 = arith.constant 32 : i32
      %dma_start3A_711 = tpu.memref_slice %arg9[%add3A_693, %dma_start3A_710] : memref<512x128xf32, #tpu.memory_space<vmem>> -> memref<1x32xf32, #tpu.memory_space<vmem>>
      %dma_start3A_712 = tpu.memref_squeeze %dma_start3A_711 : memref<1x32xf32, #tpu.memory_space<vmem>> -> memref<32xf32, #tpu.memory_space<vmem>>
      %dma_start3A_713 = arith.constant 0 : i32
      %dma_start3A_714 = tpu.memref_slice %arg3[%squeeze3A_695, %dma_start3A_713] : memref<1000000x32xf32, #tpu.memory_space<hbm>> -> memref<1x32xf32, #tpu.memory_space<hbm>>
      %dma_start3A_715 = tpu.memref_squeeze %dma_start3A_714 : memref<1x32xf32, #tpu.memory_space<hbm>> -> memref<32xf32, #tpu.memory_space<hbm>>
      %dma_start3A_716 = arith.constant 32 : i32
      %dma_start3A_717 = tpu.memref_slice %arg9[%add3A_693, %dma_start3A_716] : memref<512x128xf32, #tpu.memory_space<vmem>> -> memref<1x32xf32, #tpu.memory_space<vmem>>
      %dma_start3A_718 = tpu.memref_squeeze %dma_start3A_717 : memref<1x32xf32, #tpu.memory_space<vmem>> -> memref<32xf32, #tpu.memory_space<vmem>>
      %dma_start3A_719 = arith.constant 0 : i32
      %dma_start3A_720 = tpu.memref_slice %arg3[%squeeze3A_695, %dma_start3A_719] : memref<1000000x32xf32, #tpu.memory_space<hbm>> -> memref<1x32xf32, #tpu.memory_space<hbm>>
      %dma_start3A_721 = tpu.memref_squeeze %dma_start3A_720 : memref<1x32xf32, #tpu.memory_space<hbm>> -> memref<32xf32, #tpu.memory_space<hbm>>
      tpu.enqueue_dma source(%dma_start3A_721 : memref<32xf32, #tpu.memory_space<hbm>>) target(%dma_start3A_718 : memref<32xf32, #tpu.memory_space<vmem>>) target_semaphore(%arg10 : memref<!tpu.dma_semaphore, #tpu.memory_space<semaphore_mem>>)
      %dma_start3A_722 = arith.constant 64 : i32
      %dma_start3A_723 = tpu.memref_slice %arg9[%add3A_693, %dma_start3A_722] : memref<512x128xf32, #tpu.memory_space<vmem>> -> memref<1x32xf32, #tpu.memory_space<vmem>>
      %dma_start3A_724 = tpu.memref_squeeze %dma_start3A_723 : memref<1x32xf32, #tpu.memory_space<vmem>> -> memref<32xf32, #tpu.memory_space<vmem>>
      %dma_start3A_725 = arith.constant 0 : i32
      %dma_start3A_726 = tpu.memref_slice %arg2[%squeeze3A_697, %dma_start3A_725] : memref<1000000x32xf32, #tpu.memory_space<hbm>> -> memref<1x32xf32, #tpu.memory_space<hbm>>
      %dma_start3A_727 = tpu.memref_squeeze %dma_start3A_726 : memref<1x32xf32, #tpu.memory_space<hbm>> -> memref<32xf32, #tpu.memory_space<hbm>>
      %dma_start3A_728 = arith.constant 64 : i32
      %dma_start3A_729 = tpu.memref_slice %arg9[%add3A_693, %dma_start3A_728] : memref<512x128xf32, #tpu.memory_space<vmem>> -> memref<1x32xf32, #tpu.memory_space<vmem>>
      %dma_start3A_730 = tpu.memref_squeeze %dma_start3A_729 : memref<1x32xf32, #tpu.memory_space<vmem>> -> memref<32xf32, #tpu.memory_space<vmem>>
      %dma_start3A_731 = arith.constant 0 : i32
      %dma_start3A_732 = tpu.memref_slice %arg2[%squeeze3A_697, %dma_start3A_731] : memref<1000000x32xf32, #tpu.memory_space<hbm>> -> memref<1x32xf32, #tpu.memory_space<hbm>>
      %dma_start3A_733 = tpu.memref_squeeze %dma_start3A_732 : memref<1x32xf32, #tpu.memory_space<hbm>> -> memref<32xf32, #tpu.memory_space<hbm>>
      tpu.enqueue_dma source(%dma_start3A_733 : memref<32xf32, #tpu.memory_space<hbm>>) target(%dma_start3A_730 : memref<32xf32, #tpu.memory_space<vmem>>) target_semaphore(%arg10 : memref<!tpu.dma_semaphore, #tpu.memory_space<semaphore_mem>>)
      %dma_start3A_734 = arith.constant 96 : i32
      %dma_start3A_735 = tpu.memref_slice %arg9[%add3A_693, %dma_start3A_734] : memref<512x128xf32, #tpu.memory_space<vmem>> -> memref<1x32xf32, #tpu.memory_space<vmem>>
      %dma_start3A_736 = tpu.memref_squeeze %dma_start3A_735 : memref<1x32xf32, #tpu.memory_space<vmem>> -> memref<32xf32, #tpu.memory_space<vmem>>
      %dma_start3A_737 = arith.constant 0 : i32
      %dma_start3A_738 = tpu.memref_slice %arg3[%squeeze3A_697, %dma_start3A_737] : memref<1000000x32xf32, #tpu.memory_space<hbm>> -> memref<1x32xf32, #tpu.memory_space<hbm>>
      %dma_start3A_739 = tpu.memref_squeeze %dma_start3A_738 : memref<1x32xf32, #tpu.memory_space<hbm>> -> memref<32xf32, #tpu.memory_space<hbm>>
      %dma_start3A_740 = arith.constant 96 : i32
      %dma_start3A_741 = tpu.memref_slice %arg9[%add3A_693, %dma_start3A_740] : memref<512x128xf32, #tpu.memory_space<vmem>> -> memref<1x32xf32, #tpu.memory_space<vmem>>
      %dma_start3A_742 = tpu.memref_squeeze %dma_start3A_741 : memref<1x32xf32, #tpu.memory_space<vmem>> -> memref<32xf32, #tpu.memory_space<vmem>>
      %dma_start3A_743 = arith.constant 0 : i32
      %dma_start3A_744 = tpu.memref_slice %arg3[%squeeze3A_697, %dma_start3A_743] : memref<1000000x32xf32, #tpu.memory_space<hbm>> -> memref<1x32xf32, #tpu.memory_space<hbm>>
      %dma_start3A_745 = tpu.memref_squeeze %dma_start3A_744 : memref<1x32xf32, #tpu.memory_space<hbm>> -> memref<32xf32, #tpu.memory_space<hbm>>
      tpu.enqueue_dma source(%dma_start3A_745 : memref<32xf32, #tpu.memory_space<hbm>>) target(%dma_start3A_742 : memref<32xf32, #tpu.memory_space<vmem>>) target_semaphore(%arg10 : memref<!tpu.dma_semaphore, #tpu.memory_space<semaphore_mem>>)
      %mul3A_746 = arith.constant 16 : i32
      %mul3A_747 = arith.muli %scan3A_11, %mul3A_746 : i32
      %add3A_748 = arith.constant 13 : i32
      %add3A_749 = arith.addi %mul3A_747, %add3A_748 : i32
      %slice3A_750 = vector.extract_strided_slice %get3A_15 {offsets = [13], sizes = [1], strides = [1]} : vector<16xi32> to vector<1xi32>
      %squeeze3A_751 = vector.extract %slice3A_750[0] : i32 from vector<1xi32>
      %slice3A_752 = vector.extract_strided_slice %get3A_20 {offsets = [13], sizes = [1], strides = [1]} : vector<16xi32> to vector<1xi32>
      %squeeze3A_753 = vector.extract %slice3A_752[0] : i32 from vector<1xi32>
      %dma_start3A_754 = arith.constant 0 : i32
      %dma_start3A_755 = tpu.memref_slice %arg9[%add3A_749, %dma_start3A_754] : memref<512x128xf32, #tpu.memory_space<vmem>> -> memref<1x32xf32, #tpu.memory_space<vmem>>
      %dma_start3A_756 = tpu.memref_squeeze %dma_start3A_755 : memref<1x32xf32, #tpu.memory_space<vmem>> -> memref<32xf32, #tpu.memory_space<vmem>>
      %dma_start3A_757 = arith.constant 0 : i32
      %dma_start3A_758 = tpu.memref_slice %arg2[%squeeze3A_751, %dma_start3A_757] : memref<1000000x32xf32, #tpu.memory_space<hbm>> -> memref<1x32xf32, #tpu.memory_space<hbm>>
      %dma_start3A_759 = tpu.memref_squeeze %dma_start3A_758 : memref<1x32xf32, #tpu.memory_space<hbm>> -> memref<32xf32, #tpu.memory_space<hbm>>
      %dma_start3A_760 = arith.constant 0 : i32
      %dma_start3A_761 = tpu.memref_slice %arg9[%add3A_749, %dma_start3A_760] : memref<512x128xf32, #tpu.memory_space<vmem>> -> memref<1x32xf32, #tpu.memory_space<vmem>>
      %dma_start3A_762 = tpu.memref_squeeze %dma_start3A_761 : memref<1x32xf32, #tpu.memory_space<vmem>> -> memref<32xf32, #tpu.memory_space<vmem>>
      %dma_start3A_763 = arith.constant 0 : i32
      %dma_start3A_764 = tpu.memref_slice %arg2[%squeeze3A_751, %dma_start3A_763] : memref<1000000x32xf32, #tpu.memory_space<hbm>> -> memref<1x32xf32, #tpu.memory_space<hbm>>
      %dma_start3A_765 = tpu.memref_squeeze %dma_start3A_764 : memref<1x32xf32, #tpu.memory_space<hbm>> -> memref<32xf32, #tpu.memory_space<hbm>>
      tpu.enqueue_dma source(%dma_start3A_765 : memref<32xf32, #tpu.memory_space<hbm>>) target(%dma_start3A_762 : memref<32xf32, #tpu.memory_space<vmem>>) target_semaphore(%arg10 : memref<!tpu.dma_semaphore, #tpu.memory_space<semaphore_mem>>)
      %dma_start3A_766 = arith.constant 32 : i32
      %dma_start3A_767 = tpu.memref_slice %arg9[%add3A_749, %dma_start3A_766] : memref<512x128xf32, #tpu.memory_space<vmem>> -> memref<1x32xf32, #tpu.memory_space<vmem>>
      %dma_start3A_768 = tpu.memref_squeeze %dma_start3A_767 : memref<1x32xf32, #tpu.memory_space<vmem>> -> memref<32xf32, #tpu.memory_space<vmem>>
      %dma_start3A_769 = arith.constant 0 : i32
      %dma_start3A_770 = tpu.memref_slice %arg3[%squeeze3A_751, %dma_start3A_769] : memref<1000000x32xf32, #tpu.memory_space<hbm>> -> memref<1x32xf32, #tpu.memory_space<hbm>>
      %dma_start3A_771 = tpu.memref_squeeze %dma_start3A_770 : memref<1x32xf32, #tpu.memory_space<hbm>> -> memref<32xf32, #tpu.memory_space<hbm>>
      %dma_start3A_772 = arith.constant 32 : i32
      %dma_start3A_773 = tpu.memref_slice %arg9[%add3A_749, %dma_start3A_772] : memref<512x128xf32, #tpu.memory_space<vmem>> -> memref<1x32xf32, #tpu.memory_space<vmem>>
      %dma_start3A_774 = tpu.memref_squeeze %dma_start3A_773 : memref<1x32xf32, #tpu.memory_space<vmem>> -> memref<32xf32, #tpu.memory_space<vmem>>
      %dma_start3A_775 = arith.constant 0 : i32
      %dma_start3A_776 = tpu.memref_slice %arg3[%squeeze3A_751, %dma_start3A_775] : memref<1000000x32xf32, #tpu.memory_space<hbm>> -> memref<1x32xf32, #tpu.memory_space<hbm>>
      %dma_start3A_777 = tpu.memref_squeeze %dma_start3A_776 : memref<1x32xf32, #tpu.memory_space<hbm>> -> memref<32xf32, #tpu.memory_space<hbm>>
      tpu.enqueue_dma source(%dma_start3A_777 : memref<32xf32, #tpu.memory_space<hbm>>) target(%dma_start3A_774 : memref<32xf32, #tpu.memory_space<vmem>>) target_semaphore(%arg10 : memref<!tpu.dma_semaphore, #tpu.memory_space<semaphore_mem>>)
      %dma_start3A_778 = arith.constant 64 : i32
      %dma_start3A_779 = tpu.memref_slice %arg9[%add3A_749, %dma_start3A_778] : memref<512x128xf32, #tpu.memory_space<vmem>> -> memref<1x32xf32, #tpu.memory_space<vmem>>
      %dma_start3A_780 = tpu.memref_squeeze %dma_start3A_779 : memref<1x32xf32, #tpu.memory_space<vmem>> -> memref<32xf32, #tpu.memory_space<vmem>>
      %dma_start3A_781 = arith.constant 0 : i32
      %dma_start3A_782 = tpu.memref_slice %arg2[%squeeze3A_753, %dma_start3A_781] : memref<1000000x32xf32, #tpu.memory_space<hbm>> -> memref<1x32xf32, #tpu.memory_space<hbm>>
      %dma_start3A_783 = tpu.memref_squeeze %dma_start3A_782 : memref<1x32xf32, #tpu.memory_space<hbm>> -> memref<32xf32, #tpu.memory_space<hbm>>
      %dma_start3A_784 = arith.constant 64 : i32
      %dma_start3A_785 = tpu.memref_slice %arg9[%add3A_749, %dma_start3A_784] : memref<512x128xf32, #tpu.memory_space<vmem>> -> memref<1x32xf32, #tpu.memory_space<vmem>>
      %dma_start3A_786 = tpu.memref_squeeze %dma_start3A_785 : memref<1x32xf32, #tpu.memory_space<vmem>> -> memref<32xf32, #tpu.memory_space<vmem>>
      %dma_start3A_787 = arith.constant 0 : i32
      %dma_start3A_788 = tpu.memref_slice %arg2[%squeeze3A_753, %dma_start3A_787] : memref<1000000x32xf32, #tpu.memory_space<hbm>> -> memref<1x32xf32, #tpu.memory_space<hbm>>
      %dma_start3A_789 = tpu.memref_squeeze %dma_start3A_788 : memref<1x32xf32, #tpu.memory_space<hbm>> -> memref<32xf32, #tpu.memory_space<hbm>>
      tpu.enqueue_dma source(%dma_start3A_789 : memref<32xf32, #tpu.memory_space<hbm>>) target(%dma_start3A_786 : memref<32xf32, #tpu.memory_space<vmem>>) target_semaphore(%arg10 : memref<!tpu.dma_semaphore, #tpu.memory_space<semaphore_mem>>)
      %dma_start3A_790 = arith.constant 96 : i32
      %dma_start3A_791 = tpu.memref_slice %arg9[%add3A_749, %dma_start3A_790] : memref<512x128xf32, #tpu.memory_space<vmem>> -> memref<1x32xf32, #tpu.memory_space<vmem>>
      %dma_start3A_792 = tpu.memref_squeeze %dma_start3A_791 : memref<1x32xf32, #tpu.memory_space<vmem>> -> memref<32xf32, #tpu.memory_space<vmem>>
      %dma_start3A_793 = arith.constant 0 : i32
      %dma_start3A_794 = tpu.memref_slice %arg3[%squeeze3A_753, %dma_start3A_793] : memref<1000000x32xf32, #tpu.memory_space<hbm>> -> memref<1x32xf32, #tpu.memory_space<hbm>>
      %dma_start3A_795 = tpu.memref_squeeze %dma_start3A_794 : memref<1x32xf32, #tpu.memory_space<hbm>> -> memref<32xf32, #tpu.memory_space<hbm>>
      %dma_start3A_796 = arith.constant 96 : i32
      %dma_start3A_797 = tpu.memref_slice %arg9[%add3A_749, %dma_start3A_796] : memref<512x128xf32, #tpu.memory_space<vmem>> -> memref<1x32xf32, #tpu.memory_space<vmem>>
      %dma_start3A_798 = tpu.memref_squeeze %dma_start3A_797 : memref<1x32xf32, #tpu.memory_space<vmem>> -> memref<32xf32, #tpu.memory_space<vmem>>
      %dma_start3A_799 = arith.constant 0 : i32
      %dma_start3A_800 = tpu.memref_slice %arg3[%squeeze3A_753, %dma_start3A_799] : memref<1000000x32xf32, #tpu.memory_space<hbm>> -> memref<1x32xf32, #tpu.memory_space<hbm>>
      %dma_start3A_801 = tpu.memref_squeeze %dma_start3A_800 : memref<1x32xf32, #tpu.memory_space<hbm>> -> memref<32xf32, #tpu.memory_space<hbm>>
      tpu.enqueue_dma source(%dma_start3A_801 : memref<32xf32, #tpu.memory_space<hbm>>) target(%dma_start3A_798 : memref<32xf32, #tpu.memory_space<vmem>>) target_semaphore(%arg10 : memref<!tpu.dma_semaphore, #tpu.memory_space<semaphore_mem>>)
      %mul3A_802 = arith.constant 16 : i32
      %mul3A_803 = arith.muli %scan3A_11, %mul3A_802 : i32
      %add3A_804 = arith.constant 14 : i32
      %add3A_805 = arith.addi %mul3A_803, %add3A_804 : i32
      %slice3A_806 = vector.extract_strided_slice %get3A_15 {offsets = [14], sizes = [1], strides = [1]} : vector<16xi32> to vector<1xi32>
      %squeeze3A_807 = vector.extract %slice3A_806[0] : i32 from vector<1xi32>
      %slice3A_808 = vector.extract_strided_slice %get3A_20 {offsets = [14], sizes = [1], strides = [1]} : vector<16xi32> to vector<1xi32>
      %squeeze3A_809 = vector.extract %slice3A_808[0] : i32 from vector<1xi32>
      %dma_start3A_810 = arith.constant 0 : i32
      %dma_start3A_811 = tpu.memref_slice %arg9[%add3A_805, %dma_start3A_810] : memref<512x128xf32, #tpu.memory_space<vmem>> -> memref<1x32xf32, #tpu.memory_space<vmem>>
      %dma_start3A_812 = tpu.memref_squeeze %dma_start3A_811 : memref<1x32xf32, #tpu.memory_space<vmem>> -> memref<32xf32, #tpu.memory_space<vmem>>
      %dma_start3A_813 = arith.constant 0 : i32
      %dma_start3A_814 = tpu.memref_slice %arg2[%squeeze3A_807, %dma_start3A_813] : memref<1000000x32xf32, #tpu.memory_space<hbm>> -> memref<1x32xf32, #tpu.memory_space<hbm>>
      %dma_start3A_815 = tpu.memref_squeeze %dma_start3A_814 : memref<1x32xf32, #tpu.memory_space<hbm>> -> memref<32xf32, #tpu.memory_space<hbm>>
      %dma_start3A_816 = arith.constant 0 : i32
      %dma_start3A_817 = tpu.memref_slice %arg9[%add3A_805, %dma_start3A_816] : memref<512x128xf32, #tpu.memory_space<vmem>> -> memref<1x32xf32, #tpu.memory_space<vmem>>
      %dma_start3A_818 = tpu.memref_squeeze %dma_start3A_817 : memref<1x32xf32, #tpu.memory_space<vmem>> -> memref<32xf32, #tpu.memory_space<vmem>>
      %dma_start3A_819 = arith.constant 0 : i32
      %dma_start3A_820 = tpu.memref_slice %arg2[%squeeze3A_807, %dma_start3A_819] : memref<1000000x32xf32, #tpu.memory_space<hbm>> -> memref<1x32xf32, #tpu.memory_space<hbm>>
      %dma_start3A_821 = tpu.memref_squeeze %dma_start3A_820 : memref<1x32xf32, #tpu.memory_space<hbm>> -> memref<32xf32, #tpu.memory_space<hbm>>
      tpu.enqueue_dma source(%dma_start3A_821 : memref<32xf32, #tpu.memory_space<hbm>>) target(%dma_start3A_818 : memref<32xf32, #tpu.memory_space<vmem>>) target_semaphore(%arg10 : memref<!tpu.dma_semaphore, #tpu.memory_space<semaphore_mem>>)
      %dma_start3A_822 = arith.constant 32 : i32
      %dma_start3A_823 = tpu.memref_slice %arg9[%add3A_805, %dma_start3A_822] : memref<512x128xf32, #tpu.memory_space<vmem>> -> memref<1x32xf32, #tpu.memory_space<vmem>>
      %dma_start3A_824 = tpu.memref_squeeze %dma_start3A_823 : memref<1x32xf32, #tpu.memory_space<vmem>> -> memref<32xf32, #tpu.memory_space<vmem>>
      %dma_start3A_825 = arith.constant 0 : i32
      %dma_start3A_826 = tpu.memref_slice %arg3[%squeeze3A_807, %dma_start3A_825] : memref<1000000x32xf32, #tpu.memory_space<hbm>> -> memref<1x32xf32, #tpu.memory_space<hbm>>
      %dma_start3A_827 = tpu.memref_squeeze %dma_start3A_826 : memref<1x32xf32, #tpu.memory_space<hbm>> -> memref<32xf32, #tpu.memory_space<hbm>>
      %dma_start3A_828 = arith.constant 32 : i32
      %dma_start3A_829 = tpu.memref_slice %arg9[%add3A_805, %dma_start3A_828] : memref<512x128xf32, #tpu.memory_space<vmem>> -> memref<1x32xf32, #tpu.memory_space<vmem>>
      %dma_start3A_830 = tpu.memref_squeeze %dma_start3A_829 : memref<1x32xf32, #tpu.memory_space<vmem>> -> memref<32xf32, #tpu.memory_space<vmem>>
      %dma_start3A_831 = arith.constant 0 : i32
      %dma_start3A_832 = tpu.memref_slice %arg3[%squeeze3A_807, %dma_start3A_831] : memref<1000000x32xf32, #tpu.memory_space<hbm>> -> memref<1x32xf32, #tpu.memory_space<hbm>>
      %dma_start3A_833 = tpu.memref_squeeze %dma_start3A_832 : memref<1x32xf32, #tpu.memory_space<hbm>> -> memref<32xf32, #tpu.memory_space<hbm>>
      tpu.enqueue_dma source(%dma_start3A_833 : memref<32xf32, #tpu.memory_space<hbm>>) target(%dma_start3A_830 : memref<32xf32, #tpu.memory_space<vmem>>) target_semaphore(%arg10 : memref<!tpu.dma_semaphore, #tpu.memory_space<semaphore_mem>>)
      %dma_start3A_834 = arith.constant 64 : i32
      %dma_start3A_835 = tpu.memref_slice %arg9[%add3A_805, %dma_start3A_834] : memref<512x128xf32, #tpu.memory_space<vmem>> -> memref<1x32xf32, #tpu.memory_space<vmem>>
      %dma_start3A_836 = tpu.memref_squeeze %dma_start3A_835 : memref<1x32xf32, #tpu.memory_space<vmem>> -> memref<32xf32, #tpu.memory_space<vmem>>
      %dma_start3A_837 = arith.constant 0 : i32
      %dma_start3A_838 = tpu.memref_slice %arg2[%squeeze3A_809, %dma_start3A_837] : memref<1000000x32xf32, #tpu.memory_space<hbm>> -> memref<1x32xf32, #tpu.memory_space<hbm>>
      %dma_start3A_839 = tpu.memref_squeeze %dma_start3A_838 : memref<1x32xf32, #tpu.memory_space<hbm>> -> memref<32xf32, #tpu.memory_space<hbm>>
      %dma_start3A_840 = arith.constant 64 : i32
      %dma_start3A_841 = tpu.memref_slice %arg9[%add3A_805, %dma_start3A_840] : memref<512x128xf32, #tpu.memory_space<vmem>> -> memref<1x32xf32, #tpu.memory_space<vmem>>
      %dma_start3A_842 = tpu.memref_squeeze %dma_start3A_841 : memref<1x32xf32, #tpu.memory_space<vmem>> -> memref<32xf32, #tpu.memory_space<vmem>>
      %dma_start3A_843 = arith.constant 0 : i32
      %dma_start3A_844 = tpu.memref_slice %arg2[%squeeze3A_809, %dma_start3A_843] : memref<1000000x32xf32, #tpu.memory_space<hbm>> -> memref<1x32xf32, #tpu.memory_space<hbm>>
      %dma_start3A_845 = tpu.memref_squeeze %dma_start3A_844 : memref<1x32xf32, #tpu.memory_space<hbm>> -> memref<32xf32, #tpu.memory_space<hbm>>
      tpu.enqueue_dma source(%dma_start3A_845 : memref<32xf32, #tpu.memory_space<hbm>>) target(%dma_start3A_842 : memref<32xf32, #tpu.memory_space<vmem>>) target_semaphore(%arg10 : memref<!tpu.dma_semaphore, #tpu.memory_space<semaphore_mem>>)
      %dma_start3A_846 = arith.constant 96 : i32
      %dma_start3A_847 = tpu.memref_slice %arg9[%add3A_805, %dma_start3A_846] : memref<512x128xf32, #tpu.memory_space<vmem>> -> memref<1x32xf32, #tpu.memory_space<vmem>>
      %dma_start3A_848 = tpu.memref_squeeze %dma_start3A_847 : memref<1x32xf32, #tpu.memory_space<vmem>> -> memref<32xf32, #tpu.memory_space<vmem>>
      %dma_start3A_849 = arith.constant 0 : i32
      %dma_start3A_850 = tpu.memref_slice %arg3[%squeeze3A_809, %dma_start3A_849] : memref<1000000x32xf32, #tpu.memory_space<hbm>> -> memref<1x32xf32, #tpu.memory_space<hbm>>
      %dma_start3A_851 = tpu.memref_squeeze %dma_start3A_850 : memref<1x32xf32, #tpu.memory_space<hbm>> -> memref<32xf32, #tpu.memory_space<hbm>>
      %dma_start3A_852 = arith.constant 96 : i32
      %dma_start3A_853 = tpu.memref_slice %arg9[%add3A_805, %dma_start3A_852] : memref<512x128xf32, #tpu.memory_space<vmem>> -> memref<1x32xf32, #tpu.memory_space<vmem>>
      %dma_start3A_854 = tpu.memref_squeeze %dma_start3A_853 : memref<1x32xf32, #tpu.memory_space<vmem>> -> memref<32xf32, #tpu.memory_space<vmem>>
      %dma_start3A_855 = arith.constant 0 : i32
      %dma_start3A_856 = tpu.memref_slice %arg3[%squeeze3A_809, %dma_start3A_855] : memref<1000000x32xf32, #tpu.memory_space<hbm>> -> memref<1x32xf32, #tpu.memory_space<hbm>>
      %dma_start3A_857 = tpu.memref_squeeze %dma_start3A_856 : memref<1x32xf32, #tpu.memory_space<hbm>> -> memref<32xf32, #tpu.memory_space<hbm>>
      tpu.enqueue_dma source(%dma_start3A_857 : memref<32xf32, #tpu.memory_space<hbm>>) target(%dma_start3A_854 : memref<32xf32, #tpu.memory_space<vmem>>) target_semaphore(%arg10 : memref<!tpu.dma_semaphore, #tpu.memory_space<semaphore_mem>>)
      %mul3A_858 = arith.constant 16 : i32
      %mul3A_859 = arith.muli %scan3A_11, %mul3A_858 : i32
      %add3A_860 = arith.constant 15 : i32
      %add3A_861 = arith.addi %mul3A_859, %add3A_860 : i32
      %slice3A_862 = vector.extract_strided_slice %get3A_15 {offsets = [15], sizes = [1], strides = [1]} : vector<16xi32> to vector<1xi32>
      %squeeze3A_863 = vector.extract %slice3A_862[0] : i32 from vector<1xi32>
      %slice3A_864 = vector.extract_strided_slice %get3A_20 {offsets = [15], sizes = [1], strides = [1]} : vector<16xi32> to vector<1xi32>
      %squeeze3A_865 = vector.extract %slice3A_864[0] : i32 from vector<1xi32>
      %dma_start3A_866 = arith.constant 0 : i32
      %dma_start3A_867 = tpu.memref_slice %arg9[%add3A_861, %dma_start3A_866] : memref<512x128xf32, #tpu.memory_space<vmem>> -> memref<1x32xf32, #tpu.memory_space<vmem>>
      %dma_start3A_868 = tpu.memref_squeeze %dma_start3A_867 : memref<1x32xf32, #tpu.memory_space<vmem>> -> memref<32xf32, #tpu.memory_space<vmem>>
      %dma_start3A_869 = arith.constant 0 : i32
      %dma_start3A_870 = tpu.memref_slice %arg2[%squeeze3A_863, %dma_start3A_869] : memref<1000000x32xf32, #tpu.memory_space<hbm>> -> memref<1x32xf32, #tpu.memory_space<hbm>>
      %dma_start3A_871 = tpu.memref_squeeze %dma_start3A_870 : memref<1x32xf32, #tpu.memory_space<hbm>> -> memref<32xf32, #tpu.memory_space<hbm>>
      %dma_start3A_872 = arith.constant 0 : i32
      %dma_start3A_873 = tpu.memref_slice %arg9[%add3A_861, %dma_start3A_872] : memref<512x128xf32, #tpu.memory_space<vmem>> -> memref<1x32xf32, #tpu.memory_space<vmem>>
      %dma_start3A_874 = tpu.memref_squeeze %dma_start3A_873 : memref<1x32xf32, #tpu.memory_space<vmem>> -> memref<32xf32, #tpu.memory_space<vmem>>
      %dma_start3A_875 = arith.constant 0 : i32
      %dma_start3A_876 = tpu.memref_slice %arg2[%squeeze3A_863, %dma_start3A_875] : memref<1000000x32xf32, #tpu.memory_space<hbm>> -> memref<1x32xf32, #tpu.memory_space<hbm>>
      %dma_start3A_877 = tpu.memref_squeeze %dma_start3A_876 : memref<1x32xf32, #tpu.memory_space<hbm>> -> memref<32xf32, #tpu.memory_space<hbm>>
      tpu.enqueue_dma source(%dma_start3A_877 : memref<32xf32, #tpu.memory_space<hbm>>) target(%dma_start3A_874 : memref<32xf32, #tpu.memory_space<vmem>>) target_semaphore(%arg10 : memref<!tpu.dma_semaphore, #tpu.memory_space<semaphore_mem>>)
      %dma_start3A_878 = arith.constant 32 : i32
      %dma_start3A_879 = tpu.memref_slice %arg9[%add3A_861, %dma_start3A_878] : memref<512x128xf32, #tpu.memory_space<vmem>> -> memref<1x32xf32, #tpu.memory_space<vmem>>
      %dma_start3A_880 = tpu.memref_squeeze %dma_start3A_879 : memref<1x32xf32, #tpu.memory_space<vmem>> -> memref<32xf32, #tpu.memory_space<vmem>>
      %dma_start3A_881 = arith.constant 0 : i32
      %dma_start3A_882 = tpu.memref_slice %arg3[%squeeze3A_863, %dma_start3A_881] : memref<1000000x32xf32, #tpu.memory_space<hbm>> -> memref<1x32xf32, #tpu.memory_space<hbm>>
      %dma_start3A_883 = tpu.memref_squeeze %dma_start3A_882 : memref<1x32xf32, #tpu.memory_space<hbm>> -> memref<32xf32, #tpu.memory_space<hbm>>
      %dma_start3A_884 = arith.constant 32 : i32
      %dma_start3A_885 = tpu.memref_slice %arg9[%add3A_861, %dma_start3A_884] : memref<512x128xf32, #tpu.memory_space<vmem>> -> memref<1x32xf32, #tpu.memory_space<vmem>>
      %dma_start3A_886 = tpu.memref_squeeze %dma_start3A_885 : memref<1x32xf32, #tpu.memory_space<vmem>> -> memref<32xf32, #tpu.memory_space<vmem>>
      %dma_start3A_887 = arith.constant 0 : i32
      %dma_start3A_888 = tpu.memref_slice %arg3[%squeeze3A_863, %dma_start3A_887] : memref<1000000x32xf32, #tpu.memory_space<hbm>> -> memref<1x32xf32, #tpu.memory_space<hbm>>
      %dma_start3A_889 = tpu.memref_squeeze %dma_start3A_888 : memref<1x32xf32, #tpu.memory_space<hbm>> -> memref<32xf32, #tpu.memory_space<hbm>>
      tpu.enqueue_dma source(%dma_start3A_889 : memref<32xf32, #tpu.memory_space<hbm>>) target(%dma_start3A_886 : memref<32xf32, #tpu.memory_space<vmem>>) target_semaphore(%arg10 : memref<!tpu.dma_semaphore, #tpu.memory_space<semaphore_mem>>)
      %dma_start3A_890 = arith.constant 64 : i32
      %dma_start3A_891 = tpu.memref_slice %arg9[%add3A_861, %dma_start3A_890] : memref<512x128xf32, #tpu.memory_space<vmem>> -> memref<1x32xf32, #tpu.memory_space<vmem>>
      %dma_start3A_892 = tpu.memref_squeeze %dma_start3A_891 : memref<1x32xf32, #tpu.memory_space<vmem>> -> memref<32xf32, #tpu.memory_space<vmem>>
      %dma_start3A_893 = arith.constant 0 : i32
      %dma_start3A_894 = tpu.memref_slice %arg2[%squeeze3A_865, %dma_start3A_893] : memref<1000000x32xf32, #tpu.memory_space<hbm>> -> memref<1x32xf32, #tpu.memory_space<hbm>>
      %dma_start3A_895 = tpu.memref_squeeze %dma_start3A_894 : memref<1x32xf32, #tpu.memory_space<hbm>> -> memref<32xf32, #tpu.memory_space<hbm>>
      %dma_start3A_896 = arith.constant 64 : i32
      %dma_start3A_897 = tpu.memref_slice %arg9[%add3A_861, %dma_start3A_896] : memref<512x128xf32, #tpu.memory_space<vmem>> -> memref<1x32xf32, #tpu.memory_space<vmem>>
      %dma_start3A_898 = tpu.memref_squeeze %dma_start3A_897 : memref<1x32xf32, #tpu.memory_space<vmem>> -> memref<32xf32, #tpu.memory_space<vmem>>
      %dma_start3A_899 = arith.constant 0 : i32
      %dma_start3A_900 = tpu.memref_slice %arg2[%squeeze3A_865, %dma_start3A_899] : memref<1000000x32xf32, #tpu.memory_space<hbm>> -> memref<1x32xf32, #tpu.memory_space<hbm>>
      %dma_start3A_901 = tpu.memref_squeeze %dma_start3A_900 : memref<1x32xf32, #tpu.memory_space<hbm>> -> memref<32xf32, #tpu.memory_space<hbm>>
      tpu.enqueue_dma source(%dma_start3A_901 : memref<32xf32, #tpu.memory_space<hbm>>) target(%dma_start3A_898 : memref<32xf32, #tpu.memory_space<vmem>>) target_semaphore(%arg10 : memref<!tpu.dma_semaphore, #tpu.memory_space<semaphore_mem>>)
      %dma_start3A_902 = arith.constant 96 : i32
      %dma_start3A_903 = tpu.memref_slice %arg9[%add3A_861, %dma_start3A_902] : memref<512x128xf32, #tpu.memory_space<vmem>> -> memref<1x32xf32, #tpu.memory_space<vmem>>
      %dma_start3A_904 = tpu.memref_squeeze %dma_start3A_903 : memref<1x32xf32, #tpu.memory_space<vmem>> -> memref<32xf32, #tpu.memory_space<vmem>>
      %dma_start3A_905 = arith.constant 0 : i32
      %dma_start3A_906 = tpu.memref_slice %arg3[%squeeze3A_865, %dma_start3A_905] : memref<1000000x32xf32, #tpu.memory_space<hbm>> -> memref<1x32xf32, #tpu.memory_space<hbm>>
      %dma_start3A_907 = tpu.memref_squeeze %dma_start3A_906 : memref<1x32xf32, #tpu.memory_space<hbm>> -> memref<32xf32, #tpu.memory_space<hbm>>
      %dma_start3A_908 = arith.constant 96 : i32
      %dma_start3A_909 = tpu.memref_slice %arg9[%add3A_861, %dma_start3A_908] : memref<512x128xf32, #tpu.memory_space<vmem>> -> memref<1x32xf32, #tpu.memory_space<vmem>>
      %dma_start3A_910 = tpu.memref_squeeze %dma_start3A_909 : memref<1x32xf32, #tpu.memory_space<vmem>> -> memref<32xf32, #tpu.memory_space<vmem>>
      %dma_start3A_911 = arith.constant 0 : i32
      %dma_start3A_912 = tpu.memref_slice %arg3[%squeeze3A_865, %dma_start3A_911] : memref<1000000x32xf32, #tpu.memory_space<hbm>> -> memref<1x32xf32, #tpu.memory_space<hbm>>
      %dma_start3A_913 = tpu.memref_squeeze %dma_start3A_912 : memref<1x32xf32, #tpu.memory_space<hbm>> -> memref<32xf32, #tpu.memory_space<hbm>>
      tpu.enqueue_dma source(%dma_start3A_913 : memref<32xf32, #tpu.memory_space<hbm>>) target(%dma_start3A_910 : memref<32xf32, #tpu.memory_space<vmem>>) target_semaphore(%arg10 : memref<!tpu.dma_semaphore, #tpu.memory_space<semaphore_mem>>)
    }
    %scan3A_7 = arith.constant 32 : i32
    %dma_wait3A = arith.constant 0 : i32
    %dma_wait3A_8 = tpu.memref_slice %arg6[%mul3A_2, %dma_wait3A] : memref<16384x128xf32, #tpu.memory_space<hbm>> -> memref<512x128xf32, #tpu.memory_space<hbm>>
    %dma_wait3A_9 = arith.constant 0 : i32
    %dma_wait3A_10 = tpu.memref_slice %arg6[%mul3A_2, %dma_wait3A_9] : memref<16384x128xf32, #tpu.memory_space<hbm>> -> memref<512x128xf32, #tpu.memory_space<hbm>>
    tpu.wait_dma2 semaphore(%arg10 : memref<!tpu.dma_semaphore, #tpu.memory_space<semaphore_mem>>) src(%dma_wait3A_10 : memref<512x128xf32, #tpu.memory_space<hbm>>) dst(%arg9 : memref<512x128xf32, #tpu.memory_space<vmem>>)
    "tpu.region"() ({
      %run_scoped3A = tpu.sem_alloc : memref<!tpu.dma_semaphore, #tpu.memory_space<semaphore_mem>>
      %dma_start3A = arith.constant 0 : i32
      %dma_start3A_11 = tpu.memref_slice %arg6[%mul3A_2, %dma_start3A] : memref<16384x128xf32, #tpu.memory_space<hbm>> -> memref<512x128xf32, #tpu.memory_space<hbm>>
      %dma_start3A_12 = arith.constant 0 : i32
      %dma_start3A_13 = tpu.memref_slice %arg6[%mul3A_2, %dma_start3A_12] : memref<16384x128xf32, #tpu.memory_space<hbm>> -> memref<512x128xf32, #tpu.memory_space<hbm>>
      tpu.enqueue_dma source(%arg9 : memref<512x128xf32, #tpu.memory_space<vmem>>) target(%dma_start3A_13 : memref<512x128xf32, #tpu.memory_space<hbm>>) target_semaphore(%run_scoped3A : memref<!tpu.dma_semaphore, #tpu.memory_space<semaphore_mem>>)
      %dma_wait3A_14 = arith.constant 0 : i32
      %dma_wait3A_15 = tpu.memref_slice %arg6[%mul3A_2, %dma_wait3A_14] : memref<16384x128xf32, #tpu.memory_space<hbm>> -> memref<512x128xf32, #tpu.memory_space<hbm>>
      %dma_wait3A_16 = arith.constant 0 : i32
      %dma_wait3A_17 = tpu.memref_slice %arg6[%mul3A_2, %dma_wait3A_16] : memref<16384x128xf32, #tpu.memory_space<hbm>> -> memref<512x128xf32, #tpu.memory_space<hbm>>
      tpu.wait_dma2 semaphore(%run_scoped3A : memref<!tpu.dma_semaphore, #tpu.memory_space<semaphore_mem>>) src(%arg9 : memref<512x128xf32, #tpu.memory_space<vmem>>) dst(%dma_wait3A_17 : memref<512x128xf32, #tpu.memory_space<hbm>>)
      tpu.yield
    }) : () -> ()
    return
  }
}

module attributes {stable_mosaic.version = 14 : i64} {
  func.func @_mlp_body(%arg0: i32, %arg1: memref<2048x128xf32, #tpu.memory_space<vmem>>, %arg2: memref<128x64xf32, #tpu.memory_space<vmem>>, %arg3: memref<64xf32, #tpu.memory_space<vmem>>, %arg4: memref<64x1000xf32, #tpu.memory_space<vmem>>, %arg5: memref<1000xf32, #tpu.memory_space<vmem>>, %arg6: memref<2048x1000xf32, #tpu.memory_space<vmem>>) attributes {dimension_semantics = [#tpu.dimension_semantics<arbitrary>], iteration_bounds = array<i64: 8>, scalar_prefetch = 0 : i64, scratch_operands = 0 : i64, tpu.core_type = #tpu.core_type<tc>, window_params = [{transform_indices = @transform_0, window_bounds = array<i64: 2048, 128>}, {pipeline_mode = #tpu.pipeline_mode<synchronous>, transform_indices = @transform_1, window_bounds = array<i64: 128, 64>}, {pipeline_mode = #tpu.pipeline_mode<synchronous>, transform_indices = @transform_2, window_bounds = array<i64: 64>}, {pipeline_mode = #tpu.pipeline_mode<synchronous>, transform_indices = @transform_3, window_bounds = array<i64: 64, 1000>}, {pipeline_mode = #tpu.pipeline_mode<synchronous>, transform_indices = @transform_4, window_bounds = array<i64: 1000>}, {transform_indices = @transform_5, window_bounds = array<i64: 2048, 1000>}]} {
    %get3A = arith.constant 0 : index
    %get3A_0 = arith.constant 0 : index
    %get3A_1 = vector.load %arg1[%get3A, %get3A_0] : memref<2048x128xf32, #tpu.memory_space<vmem>>, vector<2048x128xf32>
    %get3A_2 = arith.constant 0 : index
    %get3A_3 = arith.constant 0 : index
    %get3A_4 = vector.load %arg2[%get3A_2, %get3A_3] : memref<128x64xf32, #tpu.memory_space<vmem>>, vector<128x64xf32>
    %dot_general3A = arith.constant dense<0.000000e+00> : vector<2048x64xf32>
    %dot_general3A_5 = tpu.matmul %get3A_1, %get3A_4, %dot_general3A {dimension_numbers = #tpu.dot_dimension_numbers<[1], [0], [0], [1], [0, 0, 1, 1], [], []>, transpose_lhs_hint = false} : vector<2048x128xf32>, vector<128x64xf32>, vector<2048x64xf32> -> vector<2048x64xf32>
    %get3A_6 = arith.constant 0 : index
    %get3A_7 = vector.load %arg3[%get3A_6] : memref<64xf32, #tpu.memory_space<vmem>>, vector<64xf32>
    %broadcast_in_dim3A = vector.shape_cast %get3A_7 : vector<64xf32> to vector<1x64xf32>
    %add3A = vector.broadcast %broadcast_in_dim3A : vector<1x64xf32> to vector<2048x64xf32>
    %add3A_8 = arith.addf %dot_general3A_5, %add3A : vector<2048x64xf32>
    %mul3A = arith.constant 5.000000e-01 : f32
    %mul3A_9 = vector.broadcast %mul3A : f32 to vector<2048x64xf32>
    %mul3A_10 = arith.mulf %mul3A_9, %add3A_8 : vector<2048x64xf32>
    %mul3A_11 = arith.constant 0.707106769 : f32
    %mul3A_12 = vector.broadcast %mul3A_11 : f32 to vector<2048x64xf32>
    %mul3A_13 = arith.mulf %add3A_8, %mul3A_12 : vector<2048x64xf32>
    %sign3A = tpu.bitcast %mul3A_13 : vector<2048x64xf32> -> vector<2048x64xi32>
    %sign3A_14 = arith.constant -2147483648 : i32
    %sign3A_15 = vector.broadcast %sign3A_14 : i32 to vector<2048x64xi32>
    %sign3A_16 = arith.andi %sign3A, %sign3A_15 : vector<2048x64xi32>
    %sign3A_17 = arith.constant 1065353216 : i32
    %sign3A_18 = vector.broadcast %sign3A_17 : i32 to vector<2048x64xi32>
    %sign3A_19 = arith.ori %sign3A_18, %sign3A_16 : vector<2048x64xi32>
    %sign3A_20 = tpu.bitcast %sign3A_19 : vector<2048x64xi32> -> vector<2048x64xf32>
    %sign3A_21 = math.absf %mul3A_13 : vector<2048x64xf32>
    %sign3A_22 = arith.constant 0.000000e+00 : f32
    %sign3A_23 = vector.broadcast %sign3A_22 : f32 to vector<2048x64xf32>
    %sign3A_24 = arith.cmpf ogt, %sign3A_21, %sign3A_23 : vector<2048x64xf32>
    %sign3A_25 = arith.select %sign3A_24, %sign3A_20, %mul3A_13 : vector<2048x64xi1>, vector<2048x64xf32>
    %abs3A = math.absf %mul3A_13 : vector<2048x64xf32>
    %mul3A_26 = arith.constant 0.327591091 : f32
    %mul3A_27 = vector.broadcast %mul3A_26 : f32 to vector<2048x64xf32>
    %mul3A_28 = arith.mulf %mul3A_27, %abs3A : vector<2048x64xf32>
    %add3A_29 = arith.constant 1.000000e+00 : f32
    %add3A_30 = vector.broadcast %add3A_29 : f32 to vector<2048x64xf32>
    %add3A_31 = arith.addf %add3A_30, %mul3A_28 : vector<2048x64xf32>
    %div3A = arith.constant 1.000000e+00 : f32
    %div3A_32 = vector.broadcast %div3A : f32 to vector<2048x64xf32>
    %div3A_33 = arith.divf %div3A_32, %add3A_31 : vector<2048x64xf32>
    %mul3A_34 = arith.constant 1.06140542 : f32
    %mul3A_35 = vector.broadcast %mul3A_34 : f32 to vector<2048x64xf32>
    %mul3A_36 = arith.mulf %div3A_33, %mul3A_35 : vector<2048x64xf32>
    %add3A_37 = arith.constant -1.45315206 : f32
    %add3A_38 = vector.broadcast %add3A_37 : f32 to vector<2048x64xf32>
    %add3A_39 = arith.addf %add3A_38, %mul3A_36 : vector<2048x64xf32>
    %mul3A_40 = arith.mulf %div3A_33, %add3A_39 : vector<2048x64xf32>
    %add3A_41 = arith.constant 1.42141378 : f32
    %add3A_42 = vector.broadcast %add3A_41 : f32 to vector<2048x64xf32>
    %add3A_43 = arith.addf %add3A_42, %mul3A_40 : vector<2048x64xf32>
    %mul3A_44 = arith.mulf %div3A_33, %add3A_43 : vector<2048x64xf32>
    %add3A_45 = arith.constant -0.284496725 : f32
    %add3A_46 = vector.broadcast %add3A_45 : f32 to vector<2048x64xf32>
    %add3A_47 = arith.addf %add3A_46, %mul3A_44 : vector<2048x64xf32>
    %mul3A_48 = arith.mulf %div3A_33, %add3A_47 : vector<2048x64xf32>
    %add3A_49 = arith.constant 0.254829586 : f32
    %add3A_50 = vector.broadcast %add3A_49 : f32 to vector<2048x64xf32>
    %add3A_51 = arith.addf %add3A_50, %mul3A_48 : vector<2048x64xf32>
    %mul3A_52 = arith.mulf %div3A_33, %add3A_51 : vector<2048x64xf32>
    %neg3A = arith.constant 0.000000e+00 : f32
    %neg3A_53 = vector.broadcast %neg3A : f32 to vector<2048x64xf32>
    %neg3A_54 = arith.subf %neg3A_53, %abs3A : vector<2048x64xf32>
    %mul3A_55 = arith.mulf %neg3A_54, %abs3A : vector<2048x64xf32>
    %exp3A = math.exp %mul3A_55 : vector<2048x64xf32>
    %mul3A_56 = arith.mulf %mul3A_52, %exp3A : vector<2048x64xf32>
    %sub3A = arith.constant 1.000000e+00 : f32
    %sub3A_57 = vector.broadcast %sub3A : f32 to vector<2048x64xf32>
    %sub3A_58 = arith.subf %sub3A_57, %mul3A_56 : vector<2048x64xf32>
    %mul3A_59 = arith.mulf %sign3A_25, %sub3A_58 : vector<2048x64xf32>
    %add3A_60 = arith.constant 1.000000e+00 : f32
    %add3A_61 = vector.broadcast %add3A_60 : f32 to vector<2048x64xf32>
    %add3A_62 = arith.addf %add3A_61, %mul3A_59 : vector<2048x64xf32>
    %mul3A_63 = arith.mulf %mul3A_10, %add3A_62 : vector<2048x64xf32>
    %get3A_64 = arith.constant 0 : index
    %get3A_65 = arith.constant 0 : index
    %get3A_66 = vector.load %arg4[%get3A_64, %get3A_65] : memref<64x1000xf32, #tpu.memory_space<vmem>>, vector<64x1000xf32>
    %dot_general3A_67 = arith.constant dense<0.000000e+00> : vector<2048x1000xf32>
    %dot_general3A_68 = tpu.matmul %mul3A_63, %get3A_66, %dot_general3A_67 {dimension_numbers = #tpu.dot_dimension_numbers<[1], [0], [0], [1], [0, 0, 1, 1], [], []>, transpose_lhs_hint = false} : vector<2048x64xf32>, vector<64x1000xf32>, vector<2048x1000xf32> -> vector<2048x1000xf32>
    %get3A_69 = arith.constant 0 : index
    %get3A_70 = vector.load %arg5[%get3A_69] : memref<1000xf32, #tpu.memory_space<vmem>>, vector<1000xf32>
    %broadcast_in_dim3A_71 = vector.shape_cast %get3A_70 : vector<1000xf32> to vector<1x1000xf32>
    %add3A_72 = vector.broadcast %broadcast_in_dim3A_71 : vector<1x1000xf32> to vector<2048x1000xf32>
    %add3A_73 = arith.addf %dot_general3A_68, %add3A_72 : vector<2048x1000xf32>
    %swap3A = arith.constant 0 : index
    %swap3A_74 = arith.constant 0 : index
    %swap3A_75 = vector.load %arg6[%swap3A, %swap3A_74] : memref<2048x1000xf32, #tpu.memory_space<vmem>>, vector<2048x1000xf32>
    tpu.vector_store %arg6[%swap3A, %swap3A_74], %add3A_73 {strides = array<i32>} : memref<2048x1000xf32, #tpu.memory_space<vmem>>, vector<2048x1000xf32>,
    return
  }
  func.func @transform_0(%arg0: i32) -> (i32, i32) {
    %c0_i32 = arith.constant 0 : i32
    %c0_i32_0 = arith.constant 0 : i32
    return %arg0, %c0_i32 : i32, i32
  }
  func.func @transform_1(%arg0: i32) -> (i32, i32) {
    %c0_i32 = arith.constant 0 : i32
    %c0_i32_0 = arith.constant 0 : i32
    %c0_i32_1 = arith.constant 0 : i32
    return %c0_i32, %c0_i32_0 : i32, i32
  }
  func.func @transform_2(%arg0: i32) -> i32 {
    %c0_i32 = arith.constant 0 : i32
    %c0_i32_0 = arith.constant 0 : i32
    return %c0_i32 : i32
  }
  func.func @transform_3(%arg0: i32) -> (i32, i32) {
    %c0_i32 = arith.constant 0 : i32
    %c0_i32_0 = arith.constant 0 : i32
    %c0_i32_1 = arith.constant 0 : i32
    return %c0_i32, %c0_i32_0 : i32, i32
  }
  func.func @transform_4(%arg0: i32) -> i32 {
    %c0_i32 = arith.constant 0 : i32
    %c0_i32_0 = arith.constant 0 : i32
    return %c0_i32 : i32
  }
  func.func @transform_5(%arg0: i32) -> (i32, i32) {
    %c0_i32 = arith.constant 0 : i32
    %c0_i32_0 = arith.constant 0 : i32
    return %arg0, %c0_i32 : i32, i32
  }
}

</mosaic_0001>

<sc_bundles>
// kernel: kernel.4.cloned.1.call-start
scs
__scs_entry_jumppad:
0x0: {  	(pc) =	sbr.rel $0x88, $3  }
0x1: {  	(tag) =	ssettag $0x0;
	lr =	simm.s32 $0x1  }
0x2: {  	[smem:$0x3F99] =	sst lr;
	_ =	strace $0xD0000000  }
0x3: {  	_ = 	snop  }
0x4: {  	_ = 	snop  }
0x5: {  	_ = 	snop  }
0x6: {  	_ = 	snop  }
0x7: {  	_ = 	snop  }
__scs_overlays_trampoline_lowered:
0x8: {  	[smem:$0x3FA8] =	sst s0  }
0x9: {  	[smem:$0x3FA9] =	sst s1  }
0xa: {  	[smem:$0x3FAA] =	sst s2  }
0xb: {  	[smem:$0x3FAB] =	sst s3  }
0xc: {  	[smem:$0x3FAC] =	sst s4  }
0xd: {  	[smem:$0x3FAD] =	sst s5  }
0xe: {  	[smem:$0x3FAE] =	sst s6  }
0xf: {  	[smem:$0x3FAF] =	sst s7  }
0x10: {  	[smem:$0x3FB0] =	sst s8  }
0x11: {  	[smem:$0x3FB1] =	sst s9;
	s0 =	simm.s32 @!p0 $0x0  }
0x12: {  	s1 =	sld [smem:$0x3F97];
	s0 =	simm.s32 @p0 $0x1  }
0x13: {  	[smem:$0x3FB2] =	sst s0;
	s0 =	simm.s32 @!p1 $0x0  }
0x14: {  	s2 =	sld [smem:$0x3F96];
	s0 =	simm.s32 @p1 $0x1  }
0x15: {  	[smem:$0x3FB3] =	sst s0;
	s0 =	simm.s32 @!p2 $0x0  }
0x16: {  	s3 =	sld [smem:$0x3FDB];
	s0 =	simm.s32 @p2 $0x1  }
0x17: {  	s4 =	simm.s32 $0x1BF5;
	[smem:$0x3FB5] =	sst s0  }
0x18: {  	s0 =	sld [smem:$0x3F98];
	_ =	swait.ge [sflag:s4], $0x0  }
0x19: {  	s7 =	sld [smem:$0x3F99]  }
0x1a: {  	s8 =	sadd.s32 $0xFFFFE003, lr  }
0x1b: {  	s9 =	sadd.s32 $0xFFFFFEF7, lr;
	s5 =	simm.s32 $0xFFFFFFFF;
	p2 =	slt.u32 s8, $0xFFFFF086  }
0x1c: {  	p1 =	slt.u32 s9, $0xF7A;
	s5 =	simm.s32 @!p2 $0x0  }
0x1d: {  	s5 =	simm.s32 @p1 $0x1;
	p0 =	seq.s32 s7, s2  }
0x1e: {  	s7 =	smul.u32 @!p0 $0xF7A, s2;
	p2 =	seq.s32 @!p0 s5, $0x0  }
0x1f: {  	s9 =	smul.u32 $0xF7A, s1;
	s8 =	simm.s32 @!p0 $0x1BF5;
	p2 =	por !p2, p0  }
0x20: {  	[sflag:s8] =	ssyncset.s32 @!p0 $0xFFFFF086;
	s6 =	sadd.s32 @!p0 s3, s7;
	s7 =	simm.s32 @!p0 $0x108  }
0x21: {  	s3 =	sadd.s32 s3, s9;
	s6 =	sadd.s32 @!p0 $0x88, s6;
	s7 =	simm.s32 @p2 $0x1082  }
0x22: {  	[simem:s7], [sflag:s8] =	dma.local @!p0 [hbm:s6], $0xF7A  }
0x23: {  	s9 =	sor.u32 $0xD0000000, s2;
	s6 =	simm.s32 $0x108;
	_ =	swait.ge @!p0 [sflag:s8], $0x0  }
0x24: {  	s3 =	sadd.s32 $0x88, s3;
	s6 =	simm.s32 @!p1 $0x1082;
	[sflag:s4] =	ssyncset.s32 $0xFFFFF086  }
0x25: {  	[simem:s6], [sflag:s4] =	dma.local [hbm:s3], $0xF7A  }
0x26: {  	[smem:$0x3F99] =	sst s1;
	(tag) =	ssettag s2;
	_ =	strace s9  }
0x27: {  	s1 =	sld [smem:$0x3FA9]  }
0x28: {  	s2 =	sld [smem:$0x3FAA]  }
0x29: {  	s4 =	sld [smem:$0x3FAC]  }
0x2a: {  	p0 =	seq.s32 s5, $0x0;
	s5 =	sld [smem:$0x3FAD]  }
0x2b: {  	s6 =	sld [smem:$0x3FAE]  }
0x2c: {  	s7 =	sld [smem:$0x3FAF]  }
0x2d: {  	s3 =	simm.s32 $0x108;
	s8 =	sld [smem:$0x3FB0]  }
0x2e: {  	s3 =	simm.s32 @!p0 $0x1082;
	s9 =	sld [smem:$0x3FB1]  }
0x2f: {  	lr =	sadd.s32 s0, s3;
	s0 =	sld [smem:$0x3FA8]  }
0x30: {  	s3 =	sld [smem:$0x3FAB]  }
0x31: {  	[smem:$0x3FB4] =	sst s10  }
0x32: {  	s10 =	sld [smem:$0x3FB2];
	_ =	sdelay $0x3  }
0x33: {  	p0 =	seq.s32 s10, $0x1;
	s10 =	sld [smem:$0x3FB4];
	_ =	sdelay $0x3  }
0x34: {  	[smem:$0x3FB4] =	sst s10  }
0x35: {  	s10 =	sld [smem:$0x3FB3];
	_ =	sdelay $0x3  }
0x36: {  	p1 =	seq.s32 s10, $0x1;
	s10 =	sld [smem:$0x3FB4];
	_ =	sdelay $0x3  }
0x37: {  	[smem:$0x3FB4] =	sst s10  }
0x38: {  	s10 =	sld [smem:$0x3FB5]  }
0x39: {  	_ = 	snop;
	(pc) =	sbr.ind lr, $3  }
0x3a: {  	_ = 	snop  }
0x3b: {  	_ = 	snop  }
0x3c: {  	p2 =	seq.s32 s10, $0x1;
	s10 =	sld [smem:$0x3FB4]  }
0x3d: {  	_ =	shalt  }
0x3e: {  	_ =	shalt  }
0x3f: {  	_ =	shalt  }
0x40: {  	_ =	shalt  }
0x41: {  	_ =	shalt  }
0x42: {  	_ =	shalt  }
0x43: {  	_ =	shalt  }
0x44: {  	_ =	shalt  }
0x45: {  	_ =	shalt  }
0x46: {  	_ =	shalt  }
0x47: {  	_ =	shalt  }
0x48: {  	_ =	shalt  }
0x49: {  	_ =	shalt  }
0x4a: {  	_ =	shalt  }
0x4b: {  	_ =	shalt  }
0x4c: {  	_ =	shalt  }
0x4d: {  	_ =	shalt  }
0x4e: {  	_ =	shalt  }
0x4f: {  	_ =	shalt  }
0x50: {  	_ =	shalt  }
0x51: {  	_ =	shalt  }
0x52: {  	_ =	shalt  }
0x53: {  	_ =	shalt  }
0x54: {  	_ =	shalt  }
0x55: {  	_ =	shalt  }
0x56: {  	_ =	shalt  }
0x57: {  	_ =	shalt  }
0x58: {  	_ =	shalt  }
0x59: {  	_ =	shalt  }
0x5a: {  	_ =	shalt  }
0x5b: {  	_ =	shalt  }
0x5c: {  	_ =	shalt  }
0x5d: {  	_ =	shalt  }
0x5e: {  	_ =	shalt  }
0x5f: {  	_ =	shalt  }
0x60: {  	_ =	shalt  }
0x61: {  	_ =	shalt  }
0x62: {  	_ =	shalt  }
0x63: {  	_ =	shalt  }
0x64: {  	_ =	shalt  }
0x65: {  	_ =	shalt  }
0x66: {  	_ =	shalt  }
0x67: {  	_ =	shalt  }
0x68: {  	_ =	shalt  }
0x69: {  	_ =	shalt  }
0x6a: {  	_ =	shalt  }
0x6b: {  	_ =	shalt  }
0x6c: {  	_ =	shalt  }
0x6d: {  	_ =	shalt  }
0x6e: {  	_ =	shalt  }
0x6f: {  	_ =	shalt  }
0x70: {  	_ =	shalt  }
0x71: {  	_ =	shalt  }
0x72: {  	_ =	shalt  }
0x73: {  	_ =	shalt  }
0x74: {  	_ =	shalt  }
0x75: {  	_ =	shalt  }
0x76: {  	_ =	shalt  }
0x77: {  	_ =	shalt  }
0x78: {  	_ =	shalt  }
0x79: {  	_ =	shalt  }
0x7a: {  	_ =	shalt  }
0x7b: {  	_ =	shalt  }
0x7c: {  	_ =	shalt  }
0x7d: {  	_ =	shalt  }
0x7e: {  	_ =	shalt  }
0x7f: {  	_ =	shalt  }
0x80: {  	_ =	shalt  }
0x81: {  	_ =	shalt  }
0x82: {  	_ =	shalt  }
0x83: {  	_ =	shalt  }
0x84: {  	_ =	shalt  }
0x85: {  	_ =	shalt  }
0x86: {  	_ =	shalt  }
0x87: {  	_ =	shalt  }
.Lfunc_end0:
.L_simem_size_0:
called_computation_lowered:
.L_overlay_start_0:
0x88: {  	s2 =	sld [smem:$0x3FD9]  }
0x89: {  	s3 =	sld [smem:$0x3FFE];
	_ =	sdelay $0x1  }
0x8a: {  	s1 =	srdreg.scid  }
0x8b: {  	s0 =	sand.u32 $0x1, s1  }
0x8c: {  	s17 =	sshll.u32 s0, $0xA;
	s2 =	sadd.s32 s3, s2  }
0x8d: {  	s2 =	sadd.s32 s2, s17  }
0x8e: {  	[smem:$0x3FC0] =	sst s2  }
0x8f: {  	_ = 	snop  }
0x90: {  	s2 =	sld [smem:$0x3FC9]  }
0x91: {  	s18 =	sld [smem:$0x3FC8]  }
0x92: {  	s4 =	sld [smem:$0x3FD0];
	(tm) =	ssettm $0x1  }
0x93: {  	s5 =	sld [smem:$0x3FFB];
	_ =	sdelay $0x3  }
0x94: {  	_ =	strace s5  }
0x95: {  	s5 =	sld [smem:$0x3FFC];
	_ =	sdelay $0x3  }
0x96: {  	_ =	strace s5  }
0x97: {  	s5 =	sld [smem:$0x3FFD];
	_ =	sdelay $0x3  }
0x98: {  	_ =	strace s5  }
0x99: {  	_ =	strace $0x8FFFFFFF  }
0x9a: {  	s19 =	sld [smem:$0x3FDB];
	_ =	sdelay $0x1  }
0x9b: {  	s6 =	simm.s32 $_scs_section_size  }
0x9c: {  	s7 =	simm.s32 $_size__tile_overlayer_lowered;
	s8 =	simm.s32 $_tile_overlayer_lowered  }
0x9d: {  	s22 =	simm.s32 $0x1BFF;
	s21 =	sshll.u32 s8, $0x1;
	s5 =	sadd.s32 s6, s19  }
0x9e: {  	s9 =	simm.s32 $0x0;
	s20 =	sshll.u32 s7, $0x1;
	s7 =	sadd.s32 s21, s5  }
0x9f: {  	[timem:s9], [sflag:s22] =	dma.local [hbm:s7], s20  }
0xa0: {  	_ =	swait.ge [sflag:s22], s20  }
0xa1: {  	s6 =	ssub.s32 $0x0, s20;
	[sflag:s22] =	ssyncset.done $0x0  }
0xa2: {  	[sflag:s22] =	ssyncadd.s32 s6;
	_ =	sdelay $0x1  }
0xa3: {  	s23 =	simm.s32 $0x1B8B  }
0xa4: {  	_ =	swait.ge [sflag:s23], $0x1  }
0xa5: {  	[sflag:s23] =	ssyncset.done $0x0  }
0xa6: {  	s25 =	simm.s32 $0x1B8E;
	s24 =	sld [smem:$0x3FFE];
	[sflag:s23] =	ssyncadd.s32 $0xFFFFFFFF  }
0xa7: {  	s26 =	simm.s32 $execute0_lowered;
	[smem:$0x3FD2] =	sst s25  }
0xa8: {  	s7 =	sshll.u32 s26, $0x1;
	_ =	strace $0x80000046;
	[dreg:$0x1] =	wrdreg $0xFFFFFFFF  }
0xa9: {  	s28 =	simm.s32 $_size_execute0_lowered;
	s5 =	sadd.s32 s5, s7;
	[dreg:$0x0] =	wrdreg $0x0  }
0xaa: {  	s7 =	sshll.u32 s28, $0x1;
	[dreg:$0x2] =	wrdreg s5  }
0xab: {  	[dreg:$0x3] =	wrdreg s7  }
0xac: {  	[dreg:$0x4] =	wrdreg $0xC0  }
0xad: {  	_ =	task [dreg:s9], $0x5FFFF  }
0xae: {  	[dreg:$0x1] =	wrdreg $0xFFFFFFFF  }
0xaf: {  	[dreg:$0x0] =	wrdreg $0x60  }
0xb0: {  	[dreg:$0x2] =	wrdreg s24  }
0xb1: {  	[dreg:$0x3] =	wrdreg s2  }
0xb2: {  	[dreg:$0x4] =	wrdreg s18  }
0xb3: {  	[dreg:$0x5] =	wrdreg s4  }
0xb4: {  	[dreg:$0x6] =	wrdreg $0x9  }
0xb5: {  	_ =	task.clear_ibuf [dreg:s9], $0x7FFFF;
	_ =	strace $0x90000046  }
0xb6: {  	s29 =	simm.s32 $0x9;
	_ =	strace $0x80000048  }
0xb7: {  	_ =	swait.ge [sflag:s29], $0x1  }
0xb8: {  	[sflag:s29] =	ssyncadd.s32 $0xFFFFFFFF  }
0xb9: {  	_ =	strace $0x90000048  }
0xba: {  	_ =	sfence  }
0xbb: {  	s30 =	sld [smem:$0x0];
	_ =	sdelay $0x2  }
0xbc: {  	s31 =	sshll.u32 s1, $0xD;
	s1 =	sshrl.u32 s1, $0x2  }
0xbd: {  	s3 =	sand.u32 $0x4000, s31;
	s1 =	sadd.s32 s1, s30  }
0xbe: {  	s0 =	sor.u32 s3, s0;
	s1 =	sshll.u32 s1, $0x11  }
0xbf: {  	s0 =	sor.u32 s1, s0  }
0xc0: {  	s0 =	sadd.s32 $0x8F2B, s0  }
0xc1: {  	[sflag:s0] =	ssyncadd.remote.s32 $0x1  }
0xc2: {  	_ =	sfence.sel $0xFFFF  }
0xc3: {  	[dreg:$0x0] =	wrdreg $0xFFFFFFFF;
	(pc) =	sbr.abs _section_cstart, $3  }
0xc4: {  	[dreg:$0x1] =	wrdreg $0xFFFFFFFF  }
0xc5: {  	_ =	task.clear_ibuf [dreg:s9], $0x2FFFF;
	_ =	strace $0x9FFFFFFF  }
0xc6: {  	(tm) =	ssettm $0x7FFFFFFF  }
0xc7: {  	_ =	shalt  }
tec
execute0_lowered:
.L_overlay_start_1:
0x0: {  	(tag) =	ssettag $0x1  }
0x1: {  	s0 =	rddreg [dreg:$0x0]  }
0x2: {  	s2 =	rddreg [dreg:$0x1]  }
0x3: {  	s5 =	rddreg [dreg:$0x2]  }
0x4: {  	s6 =	rddreg [dreg:$0x3];
	s4 =	srdreg.scid  }
0x5: {  	s1 =	simm.s32 $0x0;
	s8 =	stileid.u32;
	s4 =	sand.u32 $0x1, s4  }
0x6: {  	s10 =	simm.s32 $0x80;
	s8 =	sshll.u32 s8, $0xA;
	s9 =	sshll.u32 s4, $0x9  }
0x7: {  	[smem:$0x7FF] =	sst s1;
	s3 =	sadd.s32 $0xE00, s0;
	s8 =	sor.u32 s9, s8  }
0x8: {  	_ =	strace $0x80000047;
	s7 =	ssub.s32 $0x2, s4;
	s29 =	sshrl.u32 s8, $0x3  }
0x9: {  	s4 =	sadd.s32 $0xF43200, s0;
	s28 =	sshrl.u32 s7, $0x1;
	s2 =	sadd.s32 s2, s29  }
0xa: {  	s8 =	sshll.u32 s8, $0x4;
	s30 =	sadd.s32 s5, s29;
	[dreg:$0x9] =	wrdreg s2  }
0xb: {  	s0 =	ssub.s32 s7, s28;
	s31 =	sadd.s32 s6, s8;
	[dreg:$0xa] =	wrdreg s30  }
0xc: {  	s11 =	simm.s32 $0x400;
	s0 =	smax.u32 s0, $0x1;
	[dreg:$0xb] =	wrdreg s31  }
0xd: {  	s5 =	simm.s32 $0x0;
	[dreg:$0xc] =	wrdreg s0;
	s2 =	simm.s32 $0x2  }
.LBB2_1:
0xe: {  	[dreg:$0xd] =	wrdreg s5  }
0xf: {  	s0 =	rddreg [dreg:$0x9]  }
0x10: {  	[tilespmem:s1], [sflag:$0x2] =	stream.linear.gather [hbm4b:s0+s1], $0x200, $0x38;
	[tilespmem:$0x10400] =	vst v63  }
0x11: {  	_ =	swait.ge [sflag:s2], $0x200  }
0x12: {  	[sflag:s2] =	ssyncset.done $0x0  }
0x13: {  	s8 =	simm.s32 $0x200;
	s12 =	rddreg [dreg:$0xa];
	[sflag:s2] =	ssyncadd.s32 $0xFFFFFE00  }
0x14: {  	[tilespmem:s8], [sflag:$0x2] =	stream.linear.gather [hbm4b:s12+s1], $0x200, $0x38;
	[tilespmem:$0x10400] =	vst v63  }
0x15: {  	_ =	swait.ge [sflag:s2], $0x200  }
0x16: {  	[sflag:s2] =	ssyncset.done $0x0  }
0x17: {  	[sflag:s2] =	ssyncadd.s32 $0xFFFFFE00  }
0x18: {  	v0 =	vld [tilespmem:s1+$0x0];
	_ =	sdelay $0x4  }
0x19: {  	v1 =	vshll.u32 v0, $0x4  }
0x1a: {  	v63 =	vld [tilespmem:s8+$0x0];
	(v2sf) =	vpush v1, $0x0;
	_ =	sdelay $0x1  }
0x1b: {  	(v2sf) =	vpush v1, $0x1;
	_ =	sdelay $0x1  }
0x1c: {  	(v2sf) =	vpush v1, $0x2  }
0x1d: {  	v0 =	vshll.u32 v63, $0x4  }
0x1e: {  	(v2sf) =	vpush v0, $0x0;
	_ =	sdelay $0x8  }
0x1f: {  	s13 =	spop (v2sf)  }
0x20: {  	s0 =	sand.u32 $0x1FFFFFF0, s13  }
0x21: {  	s14 =	simm.s32 $0x400;
	s6 =	spop (v2sf);
	s15 =	sadd.s32 s3, s0  }
0x22: {  	[tilespmem:s14], [sflag:$0x1] =	stream.strided.gather [hbm4b:s15+s10], $0x0, s11, s10, $0x38;
	[tilespmem:$0x10400] =	vst v63  }
0x23: {  	s16 =	spop (v2sf)  }
0x24: {  	[tilespmem:s14], [sflag:$0x1] =	stream.linear.gather [hbm4b:s15+s1], $0x20, $0x38;
	[tilespmem:$0x10400] =	vst v63  }
0x25: {  	s17 =	simm.s32 $0x420;
	s0 =	sadd.s32 s4, s0;
	s7 =	spop (v2sf)  }
0x26: {  	(v2sf) =	vpush v0, $0x1;
	[tilespmem:s17], [sflag:$0x1] =	stream.strided.gather [hbm4b:s0+s10], $0x0, s11, s10, $0x38;
	[tilespmem:$0x10400] =	vst v63  }
0x27: {  	s18 =	sand.u32 $0x1FFFFFF0, s7  }
0x28: {  	[tilespmem:s17], [sflag:$0x1] =	stream.linear.gather [hbm4b:s0+s1], $0x20, $0x38;
	[tilespmem:$0x10400] =	vst v63  }
0x29: {  	s19 =	simm.s32 $0x440;
	s7 =	sadd.s32 s3, s18  }
0x2a: {  	[tilespmem:s19], [sflag:$0x1] =	stream.strided.gather [hbm4b:s7+s10], $0x0, s11, s10, $0x38;
	[tilespmem:$0x10400] =	vst v63  }
0x2b: {  	_ = 	snop  }
0x2c: {  	[tilespmem:s19], [sflag:$0x1] =	stream.linear.gather [hbm4b:s7+s1], $0x20, $0x38;
	[tilespmem:$0x10400] =	vst v63  }
0x2d: {  	s20 =	simm.s32 $0x460;
	s0 =	sadd.s32 s4, s18  }
0x2e: {  	[tilespmem:s20], [sflag:$0x1] =	stream.strided.gather [hbm4b:s0+s10], $0x0, s11, s10, $0x38;
	[tilespmem:$0x10400] =	vst v63  }
0x2f: {  	s6 =	sand.u32 $0x1FFFFFF0, s6  }
0x30: {  	[tilespmem:s20], [sflag:$0x1] =	stream.linear.gather [hbm4b:s0+s1], $0x20, $0x38;
	[tilespmem:$0x10400] =	vst v63  }
0x31: {  	s21 =	simm.s32 $0x480;
	s22 =	sadd.s32 s3, s6  }
0x32: {  	[tilespmem:s21], [sflag:$0x1] =	stream.strided.gather [hbm4b:s22+s10], $0x0, s11, s10, $0x38;
	[tilespmem:$0x10400] =	vst v63  }
0x33: {  	_ = 	snop  }
0x34: {  	[tilespmem:s21], [sflag:$0x1] =	stream.linear.gather [hbm4b:s22+s1], $0x20, $0x38;
	[tilespmem:$0x10400] =	vst v63  }
0x35: {  	s24 =	simm.s32 $0x4A0;
	s6 =	sadd.s32 s4, s6;
	s23 =	spop (v2sf)  }
0x36: {  	(v2sf) =	vpush v0, $0x2;
	[tilespmem:s24], [sflag:$0x1] =	stream.strided.gather [hbm4b:s6+s10], $0x0, s11, s10, $0x38;
	[tilespmem:$0x10400] =	vst v63  }
0x37: {  	s0 =	sand.u32 $0x1FFFFFF0, s23  }
0x38: {  	[tilespmem:s24], [sflag:$0x1] =	stream.linear.gather [hbm4b:s6+s1], $0x20, $0x38;
	[tilespmem:$0x10400] =	vst v63  }
0x39: {  	s25 =	simm.s32 $0x4C0;
	s26 =	sadd.s32 s3, s0  }
0x3a: {  	[tilespmem:s25], [sflag:$0x1] =	stream.strided.gather [hbm4b:s26+s10], $0x0, s11, s10, $0x38;
	[tilespmem:$0x10400] =	vst v63  }
0x3b: {  	_ = 	snop  }
0x3c: {  	[tilespmem:s25], [sflag:$0x1] =	stream.linear.gather [hbm4b:s26+s1], $0x20, $0x38;
	[tilespmem:$0x10400] =	vst v63  }
0x3d: {  	s28 =	simm.s32 $0x4E0;
	s0 =	sadd.s32 s4, s0  }
0x3e: {  	(v2sf) =	vpush v1, $0x3;
	[tilespmem:s28], [sflag:$0x1] =	stream.strided.gather [hbm4b:s0+s10], $0x0, s11, s10, $0x38;
	[tilespmem:$0x10400] =	vst v63  }
0x3f: {  	s2 =	sand.u32 $0x1FFFFFF0, s16  }
0x40: {  	[tilespmem:s28], [sflag:$0x1] =	stream.linear.gather [hbm4b:s0+s1], $0x20, $0x38;
	[tilespmem:$0x10400] =	vst v63  }
0x41: {  	s30 =	simm.s32 $0x500;
	s31 =	sadd.s32 s3, s2  }
0x42: {  	[tilespmem:s30], [sflag:$0x1] =	stream.strided.gather [hbm4b:s31+s10], $0x0, s11, s10, $0x38;
	[tilespmem:$0x10400] =	vst v63  }
0x43: {  	_ = 	snop  }
0x44: {  	[tilespmem:s30], [sflag:$0x1] =	stream.linear.gather [hbm4b:s31+s1], $0x20, $0x38;
	[tilespmem:$0x10400] =	vst v63  }
0x45: {  	s2 =	sadd.s32 s4, s2;
	s5 =	spop (v2sf);
	s6 =	simm.s32 $0x520  }
0x46: {  	(v2sf) =	vpush v0, $0x3;
	[tilespmem:s6], [sflag:$0x1] =	stream.strided.gather [hbm4b:s2+s10], $0x0, s11, s10, $0x38;
	[tilespmem:$0x10400] =	vst v63  }
0x47: {  	s0 =	sand.u32 $0x1FFFFFF0, s5  }
0x48: {  	[tilespmem:s6], [sflag:$0x1] =	stream.linear.gather [hbm4b:s2+s1], $0x20, $0x38;
	[tilespmem:$0x10400] =	vst v63  }
0x49: {  	s7 =	simm.s32 $0x540;
	s9 =	sadd.s32 s3, s0  }
0x4a: {  	[tilespmem:s7], [sflag:$0x1] =	stream.strided.gather [hbm4b:s9+s10], $0x0, s11, s10, $0x38;
	[tilespmem:$0x10400] =	vst v63  }
0x4b: {  	_ = 	snop  }
0x4c: {  	[tilespmem:s7], [sflag:$0x1] =	stream.linear.gather [hbm4b:s9+s1], $0x20, $0x38;
	[tilespmem:$0x10400] =	vst v63  }
0x4d: {  	s13 =	simm.s32 $0x560;
	s12 =	spop (v2sf);
	s0 =	sadd.s32 s4, s0  }
0x4e: {  	(v2sf) =	vpush v1, $0x4;
	[tilespmem:s13], [sflag:$0x1] =	stream.strided.gather [hbm4b:s0+s10], $0x0, s11, s10, $0x38;
	[tilespmem:$0x10400] =	vst v63  }
0x4f: {  	s2 =	sand.u32 $0x1FFFFFF0, s12  }
0x50: {  	[tilespmem:s13], [sflag:$0x1] =	stream.linear.gather [hbm4b:s0+s1], $0x20, $0x38;
	[tilespmem:$0x10400] =	vst v63  }
0x51: {  	s14 =	simm.s32 $0x580;
	s15 =	sadd.s32 s3, s2  }
0x52: {  	[tilespmem:s14], [sflag:$0x1] =	stream.strided.gather [hbm4b:s15+s10], $0x0, s11, s10, $0x38;
	[tilespmem:$0x10400] =	vst v63  }
0x53: {  	_ = 	snop  }
0x54: {  	[tilespmem:s14], [sflag:$0x1] =	stream.linear.gather [hbm4b:s15+s1], $0x20, $0x38;
	[tilespmem:$0x10400] =	vst v63  }
0x55: {  	s17 =	simm.s32 $0x5A0;
	s16 =	spop (v2sf);
	s2 =	sadd.s32 s4, s2  }
0x56: {  	(v2sf) =	vpush v0, $0x4;
	[tilespmem:s17], [sflag:$0x1] =	stream.strided.gather [hbm4b:s2+s10], $0x0, s11, s10, $0x38;
	[tilespmem:$0x10400] =	vst v63  }
0x57: {  	s0 =	sand.u32 $0x1FFFFFF0, s16  }
0x58: {  	[tilespmem:s17], [sflag:$0x1] =	stream.linear.gather [hbm4b:s2+s1], $0x20, $0x38;
	[tilespmem:$0x10400] =	vst v63  }
0x59: {  	s18 =	simm.s32 $0x5C0;
	s19 =	sadd.s32 s3, s0  }
0x5a: {  	[tilespmem:s18], [sflag:$0x1] =	stream.strided.gather [hbm4b:s19+s10], $0x0, s11, s10, $0x38;
	[tilespmem:$0x10400] =	vst v63  }
0x5b: {  	_ = 	snop  }
0x5c: {  	[tilespmem:s18], [sflag:$0x1] =	stream.linear.gather [hbm4b:s19+s1], $0x20, $0x38;
	[tilespmem:$0x10400] =	vst v63  }
0x5d: {  	s21 =	simm.s32 $0x5E0;
	s20 =	spop (v2sf);
	s0 =	sadd.s32 s4, s0  }
0x5e: {  	(v2sf) =	vpush v1, $0x5;
	[tilespmem:s21], [sflag:$0x1] =	stream.strided.gather [hbm4b:s0+s10], $0x0, s11, s10, $0x38;
	[tilespmem:$0x10400] =	vst v63  }
0x5f: {  	s2 =	sand.u32 $0x1FFFFFF0, s20  }
0x60: {  	[tilespmem:s21], [sflag:$0x1] =	stream.linear.gather [hbm4b:s0+s1], $0x20, $0x38;
	[tilespmem:$0x10400] =	vst v63  }
0x61: {  	s22 =	simm.s32 $0x600;
	s23 =	sadd.s32 s3, s2  }
0x62: {  	[tilespmem:s22], [sflag:$0x1] =	stream.strided.gather [hbm4b:s23+s10], $0x0, s11, s10, $0x38;
	[tilespmem:$0x10400] =	vst v63  }
0x63: {  	_ = 	snop  }
0x64: {  	[tilespmem:s22], [sflag:$0x1] =	stream.linear.gather [hbm4b:s23+s1], $0x20, $0x38;
	[tilespmem:$0x10400] =	vst v63  }
0x65: {  	s25 =	simm.s32 $0x620;
	s24 =	spop (v2sf);
	s2 =	sadd.s32 s4, s2  }
0x66: {  	(v2sf) =	vpush v0, $0x5;
	[tilespmem:s25], [sflag:$0x1] =	stream.strided.gather [hbm4b:s2+s10], $0x0, s11, s10, $0x38;
	[tilespmem:$0x10400] =	vst v63  }
0x67: {  	s0 =	sand.u32 $0x1FFFFFF0, s24  }
0x68: {  	[tilespmem:s25], [sflag:$0x1] =	stream.linear.gather [hbm4b:s2+s1], $0x20, $0x38;
	[tilespmem:$0x10400] =	vst v63  }
0x69: {  	s26 =	simm.s32 $0x640;
	s28 =	sadd.s32 s3, s0  }
0x6a: {  	[tilespmem:s26], [sflag:$0x1] =	stream.strided.gather [hbm4b:s28+s10], $0x0, s11, s10, $0x38;
	[tilespmem:$0x10400] =	vst v63  }
0x6b: {  	_ = 	snop  }
0x6c: {  	[tilespmem:s26], [sflag:$0x1] =	stream.linear.gather [hbm4b:s28+s1], $0x20, $0x38;
	[tilespmem:$0x10400] =	vst v63  }
0x6d: {  	s31 =	simm.s32 $0x660;
	s30 =	spop (v2sf);
	s0 =	sadd.s32 s4, s0  }
0x6e: {  	(v2sf) =	vpush v1, $0x6;
	[tilespmem:s31], [sflag:$0x1] =	stream.strided.gather [hbm4b:s0+s10], $0x0, s11, s10, $0x38;
	[tilespmem:$0x10400] =	vst v63  }
0x6f: {  	s2 =	sand.u32 $0x1FFFFFF0, s30  }
0x70: {  	[tilespmem:s31], [sflag:$0x1] =	stream.linear.gather [hbm4b:s0+s1], $0x20, $0x38;
	[tilespmem:$0x10400] =	vst v63  }
0x71: {  	s5 =	simm.s32 $0x680;
	s6 =	sadd.s32 s3, s2  }
0x72: {  	[tilespmem:s5], [sflag:$0x1] =	stream.strided.gather [hbm4b:s6+s10], $0x0, s11, s10, $0x38;
	[tilespmem:$0x10400] =	vst v63  }
0x73: {  	_ = 	snop  }
0x74: {  	[tilespmem:s5], [sflag:$0x1] =	stream.linear.gather [hbm4b:s6+s1], $0x20, $0x38;
	[tilespmem:$0x10400] =	vst v63  }
0x75: {  	s9 =	simm.s32 $0x6A0;
	s7 =	spop (v2sf);
	s2 =	sadd.s32 s4, s2  }
0x76: {  	(v2sf) =	vpush v0, $0x6;
	[tilespmem:s9], [sflag:$0x1] =	stream.strided.gather [hbm4b:s2+s10], $0x0, s11, s10, $0x38;
	[tilespmem:$0x10400] =	vst v63  }
0x77: {  	s0 =	sand.u32 $0x1FFFFFF0, s7  }
0x78: {  	[tilespmem:s9], [sflag:$0x1] =	stream.linear.gather [hbm4b:s2+s1], $0x20, $0x38;
	[tilespmem:$0x10400] =	vst v63  }
0x79: {  	s12 =	simm.s32 $0x6C0;
	s13 =	sadd.s32 s3, s0  }
0x7a: {  	[tilespmem:s12], [sflag:$0x1] =	stream.strided.gather [hbm4b:s13+s10], $0x0, s11, s10, $0x38;
	[tilespmem:$0x10400] =	vst v63  }
0x7b: {  	_ = 	snop  }
0x7c: {  	[tilespmem:s12], [sflag:$0x1] =	stream.linear.gather [hbm4b:s13+s1], $0x20, $0x38;
	[tilespmem:$0x10400] =	vst v63  }
0x7d: {  	s15 =	simm.s32 $0x6E0;
	s14 =	spop (v2sf);
	s0 =	sadd.s32 s4, s0  }
0x7e: {  	(v2sf) =	vpush v1, $0x7;
	[tilespmem:s15], [sflag:$0x1] =	stream.strided.gather [hbm4b:s0+s10], $0x0, s11, s10, $0x38;
	[tilespmem:$0x10400] =	vst v63  }
0x7f: {  	s2 =	sand.u32 $0x1FFFFFF0, s14  }
0x80: {  	[tilespmem:s15], [sflag:$0x1] =	stream.linear.gather [hbm4b:s0+s1], $0x20, $0x38;
	[tilespmem:$0x10400] =	vst v63  }
0x81: {  	s16 =	simm.s32 $0x700;
	s17 =	sadd.s32 s3, s2  }
0x82: {  	[tilespmem:s16], [sflag:$0x1] =	stream.strided.gather [hbm4b:s17+s10], $0x0, s11, s10, $0x38;
	[tilespmem:$0x10400] =	vst v63  }
0x83: {  	_ = 	snop  }
0x84: {  	[tilespmem:s16], [sflag:$0x1] =	stream.linear.gather [hbm4b:s17+s1], $0x20, $0x38;
	[tilespmem:$0x10400] =	vst v63  }
0x85: {  	s19 =	simm.s32 $0x720;
	s18 =	spop (v2sf);
	s2 =	sadd.s32 s4, s2  }
0x86: {  	(v2sf) =	vpush v0, $0x7;
	[tilespmem:s19], [sflag:$0x1] =	stream.strided.gather [hbm4b:s2+s10], $0x0, s11, s10, $0x38;
	[tilespmem:$0x10400] =	vst v63  }
0x87: {  	s0 =	sand.u32 $0x1FFFFFF0, s18  }
0x88: {  	[tilespmem:s19], [sflag:$0x1] =	stream.linear.gather [hbm4b:s2+s1], $0x20, $0x38;
	[tilespmem:$0x10400] =	vst v63  }
0x89: {  	s20 =	simm.s32 $0x740;
	s21 =	sadd.s32 s3, s0  }
0x8a: {  	[tilespmem:s20], [sflag:$0x1] =	stream.strided.gather [hbm4b:s21+s10], $0x0, s11, s10, $0x38;
	[tilespmem:$0x10400] =	vst v63  }
0x8b: {  	_ = 	snop  }
0x8c: {  	[tilespmem:s20], [sflag:$0x1] =	stream.linear.gather [hbm4b:s21+s1], $0x20, $0x38;
	[tilespmem:$0x10400] =	vst v63  }
0x8d: {  	s23 =	simm.s32 $0x760;
	s22 =	spop (v2sf);
	s0 =	sadd.s32 s4, s0  }
0x8e: {  	(v2sf) =	vpush v1, $0x8;
	[tilespmem:s23], [sflag:$0x1] =	stream.strided.gather [hbm4b:s0+s10], $0x0, s11, s10, $0x38;
	[tilespmem:$0x10400] =	vst v63  }
0x8f: {  	s2 =	sand.u32 $0x1FFFFFF0, s22  }
0x90: {  	[tilespmem:s23], [sflag:$0x1] =	stream.linear.gather [hbm4b:s0+s1], $0x20, $0x38;
	[tilespmem:$0x10400] =	vst v63  }
0x91: {  	s24 =	simm.s32 $0x780;
	s25 =	sadd.s32 s3, s2  }
0x92: {  	[tilespmem:s24], [sflag:$0x1] =	stream.strided.gather [hbm4b:s25+s10], $0x0, s11, s10, $0x38;
	[tilespmem:$0x10400] =	vst v63  }
0x93: {  	_ = 	snop  }
0x94: {  	[tilespmem:s24], [sflag:$0x1] =	stream.linear.gather [hbm4b:s25+s1], $0x20, $0x38;
	[tilespmem:$0x10400] =	vst v63  }
0x95: {  	s28 =	simm.s32 $0x7A0;
	s26 =	spop (v2sf);
	s2 =	sadd.s32 s4, s2  }
0x96: {  	(v2sf) =	vpush v0, $0x8;
	[tilespmem:s28], [sflag:$0x1] =	stream.strided.gather [hbm4b:s2+s10], $0x0, s11, s10, $0x38;
	[tilespmem:$0x10400] =	vst v63  }
0x97: {  	s0 =	sand.u32 $0x1FFFFFF0, s26  }
0x98: {  	[tilespmem:s28], [sflag:$0x1] =	stream.linear.gather [hbm4b:s2+s1], $0x20, $0x38;
	[tilespmem:$0x10400] =	vst v63  }
0x99: {  	s30 =	simm.s32 $0x7C0;
	s31 =	sadd.s32 s3, s0  }
0x9a: {  	[tilespmem:s30], [sflag:$0x1] =	stream.strided.gather [hbm4b:s31+s10], $0x0, s11, s10, $0x38;
	[tilespmem:$0x10400] =	vst v63  }
0x9b: {  	_ = 	snop  }
0x9c: {  	[tilespmem:s30], [sflag:$0x1] =	stream.linear.gather [hbm4b:s31+s1], $0x20, $0x38;
	[tilespmem:$0x10400] =	vst v63  }
0x9d: {  	s6 =	simm.s32 $0x7E0;
	s5 =	spop (v2sf);
	s0 =	sadd.s32 s4, s0  }
0x9e: {  	(v2sf) =	vpush v1, $0x9;
	[tilespmem:s6], [sflag:$0x1] =	stream.strided.gather [hbm4b:s0+s10], $0x0, s11, s10, $0x38;
	[tilespmem:$0x10400] =	vst v63  }
0x9f: {  	s2 =	sand.u32 $0x1FFFFFF0, s5  }
0xa0: {  	[tilespmem:s6], [sflag:$0x1] =	stream.linear.gather [hbm4b:s0+s1], $0x20, $0x38;
	[tilespmem:$0x10400] =	vst v63  }
0xa1: {  	s7 =	simm.s32 $0x800;
	s9 =	sadd.s32 s3, s2  }
0xa2: {  	[tilespmem:s7], [sflag:$0x1] =	stream.strided.gather [hbm4b:s9+s10], $0x0, s11, s10, $0x38;
	[tilespmem:$0x10400] =	vst v63  }
0xa3: {  	_ = 	snop  }
0xa4: {  	[tilespmem:s7], [sflag:$0x1] =	stream.linear.gather [hbm4b:s9+s1], $0x20, $0x38;
	[tilespmem:$0x10400] =	vst v63  }
0xa5: {  	s13 =	simm.s32 $0x820;
	s12 =	spop (v2sf);
	s2 =	sadd.s32 s4, s2  }
0xa6: {  	(v2sf) =	vpush v0, $0x9;
	[tilespmem:s13], [sflag:$0x1] =	stream.strided.gather [hbm4b:s2+s10], $0x0, s11, s10, $0x38;
	[tilespmem:$0x10400] =	vst v63  }
0xa7: {  	s0 =	sand.u32 $0x1FFFFFF0, s12  }
0xa8: {  	[tilespmem:s13], [sflag:$0x1] =	stream.linear.gather [hbm4b:s2+s1], $0x20, $0x38;
	[tilespmem:$0x10400] =	vst v63  }
0xa9: {  	s14 =	simm.s32 $0x840;
	s15 =	sadd.s32 s3, s0  }
0xaa: {  	[tilespmem:s14], [sflag:$0x1] =	stream.strided.gather [hbm4b:s15+s10], $0x0, s11, s10, $0x38;
	[tilespmem:$0x10400] =	vst v63  }
0xab: {  	_ = 	snop  }
0xac: {  	[tilespmem:s14], [sflag:$0x1] =	stream.linear.gather [hbm4b:s15+s1], $0x20, $0x38;
	[tilespmem:$0x10400] =	vst v63  }
0xad: {  	s17 =	simm.s32 $0x860;
	s16 =	spop (v2sf);
	s0 =	sadd.s32 s4, s0  }
0xae: {  	(v2sf) =	vpush v1, $0xA;
	[tilespmem:s17], [sflag:$0x1] =	stream.strided.gather [hbm4b:s0+s10], $0x0, s11, s10, $0x38;
	[tilespmem:$0x10400] =	vst v63  }
0xaf: {  	s2 =	sand.u32 $0x1FFFFFF0, s16  }
0xb0: {  	[tilespmem:s17], [sflag:$0x1] =	stream.linear.gather [hbm4b:s0+s1], $0x20, $0x38;
	[tilespmem:$0x10400] =	vst v63  }
0xb1: {  	s18 =	simm.s32 $0x880;
	s19 =	sadd.s32 s3, s2  }
0xb2: {  	[tilespmem:s18], [sflag:$0x1] =	stream.strided.gather [hbm4b:s19+s10], $0x0, s11, s10, $0x38;
	[tilespmem:$0x10400] =	vst v63  }
0xb3: {  	_ = 	snop  }
0xb4: {  	[tilespmem:s18], [sflag:$0x1] =	stream.linear.gather [hbm4b:s19+s1], $0x20, $0x38;
	[tilespmem:$0x10400] =	vst v63  }
0xb5: {  	s21 =	simm.s32 $0x8A0;
	s20 =	spop (v2sf);
	s2 =	sadd.s32 s4, s2  }
0xb6: {  	(v2sf) =	vpush v0, $0xA;
	[tilespmem:s21], [sflag:$0x1] =	stream.strided.gather [hbm4b:s2+s10], $0x0, s11, s10, $0x38;
	[tilespmem:$0x10400] =	vst v63  }
0xb7: {  	s0 =	sand.u32 $0x1FFFFFF0, s20  }
0xb8: {  	[tilespmem:s21], [sflag:$0x1] =	stream.linear.gather [hbm4b:s2+s1], $0x20, $0x38;
	[tilespmem:$0x10400] =	vst v63  }
0xb9: {  	s22 =	simm.s32 $0x8C0;
	s23 =	sadd.s32 s3, s0  }
0xba: {  	[tilespmem:s22], [sflag:$0x1] =	stream.strided.gather [hbm4b:s23+s10], $0x0, s11, s10, $0x38;
	[tilespmem:$0x10400] =	vst v63  }
0xbb: {  	_ = 	snop  }
0xbc: {  	[tilespmem:s22], [sflag:$0x1] =	stream.linear.gather [hbm4b:s23+s1], $0x20, $0x38;
	[tilespmem:$0x10400] =	vst v63  }
0xbd: {  	s25 =	simm.s32 $0x8E0;
	s24 =	spop (v2sf);
	s0 =	sadd.s32 s4, s0  }
0xbe: {  	(v2sf) =	vpush v1, $0xB;
	[tilespmem:s25], [sflag:$0x1] =	stream.strided.gather [hbm4b:s0+s10], $0x0, s11, s10, $0x38;
	[tilespmem:$0x10400] =	vst v63  }
0xbf: {  	s2 =	sand.u32 $0x1FFFFFF0, s24  }
0xc0: {  	[tilespmem:s25], [sflag:$0x1] =	stream.linear.gather [hbm4b:s0+s1], $0x20, $0x38;
	[tilespmem:$0x10400] =	vst v63  }
0xc1: {  	s26 =	simm.s32 $0x900;
	s28 =	sadd.s32 s3, s2  }
0xc2: {  	[tilespmem:s26], [sflag:$0x1] =	stream.strided.gather [hbm4b:s28+s10], $0x0, s11, s10, $0x38;
	[tilespmem:$0x10400] =	vst v63  }
0xc3: {  	_ = 	snop  }
0xc4: {  	[tilespmem:s26], [sflag:$0x1] =	stream.linear.gather [hbm4b:s28+s1], $0x20, $0x38;
	[tilespmem:$0x10400] =	vst v63  }
0xc5: {  	s31 =	simm.s32 $0x920;
	s30 =	spop (v2sf);
	s2 =	sadd.s32 s4, s2  }
0xc6: {  	(v2sf) =	vpush v0, $0xB;
	[tilespmem:s31], [sflag:$0x1] =	stream.strided.gather [hbm4b:s2+s10], $0x0, s11, s10, $0x38;
	[tilespmem:$0x10400] =	vst v63  }
0xc7: {  	s0 =	sand.u32 $0x1FFFFFF0, s30  }
0xc8: {  	[tilespmem:s31], [sflag:$0x1] =	stream.linear.gather [hbm4b:s2+s1], $0x20, $0x38;
	[tilespmem:$0x10400] =	vst v63  }
0xc9: {  	s5 =	simm.s32 $0x940;
	s6 =	sadd.s32 s3, s0  }
0xca: {  	[tilespmem:s5], [sflag:$0x1] =	stream.strided.gather [hbm4b:s6+s10], $0x0, s11, s10, $0x38;
	[tilespmem:$0x10400] =	vst v63  }
0xcb: {  	_ = 	snop  }
0xcc: {  	[tilespmem:s5], [sflag:$0x1] =	stream.linear.gather [hbm4b:s6+s1], $0x20, $0x38;
	[tilespmem:$0x10400] =	vst v63  }
0xcd: {  	s9 =	simm.s32 $0x960;
	s7 =	spop (v2sf);
	s0 =	sadd.s32 s4, s0  }
0xce: {  	(v2sf) =	vpush v1, $0xC;
	[tilespmem:s9], [sflag:$0x1] =	stream.strided.gather [hbm4b:s0+s10], $0x0, s11, s10, $0x38;
	[tilespmem:$0x10400] =	vst v63  }
0xcf: {  	s2 =	sand.u32 $0x1FFFFFF0, s7  }
0xd0: {  	[tilespmem:s9], [sflag:$0x1] =	stream.linear.gather [hbm4b:s0+s1], $0x20, $0x38;
	[tilespmem:$0x10400] =	vst v63  }
0xd1: {  	s12 =	simm.s32 $0x980;
	s13 =	sadd.s32 s3, s2  }
0xd2: {  	[tilespmem:s12], [sflag:$0x1] =	stream.strided.gather [hbm4b:s13+s10], $0x0, s11, s10, $0x38;
	[tilespmem:$0x10400] =	vst v63  }
0xd3: {  	_ = 	snop  }
0xd4: {  	[tilespmem:s12], [sflag:$0x1] =	stream.linear.gather [hbm4b:s13+s1], $0x20, $0x38;
	[tilespmem:$0x10400] =	vst v63  }
0xd5: {  	s15 =	simm.s32 $0x9A0;
	s14 =	spop (v2sf);
	s2 =	sadd.s32 s4, s2  }
0xd6: {  	(v2sf) =	vpush v0, $0xC;
	[tilespmem:s15], [sflag:$0x1] =	stream.strided.gather [hbm4b:s2+s10], $0x0, s11, s10, $0x38;
	[tilespmem:$0x10400] =	vst v63  }
0xd7: {  	s0 =	sand.u32 $0x1FFFFFF0, s14  }
0xd8: {  	[tilespmem:s15], [sflag:$0x1] =	stream.linear.gather [hbm4b:s2+s1], $0x20, $0x38;
	[tilespmem:$0x10400] =	vst v63  }
0xd9: {  	s16 =	simm.s32 $0x9C0;
	s17 =	sadd.s32 s3, s0  }
0xda: {  	[tilespmem:s16], [sflag:$0x1] =	stream.strided.gather [hbm4b:s17+s10], $0x0, s11, s10, $0x38;
	[tilespmem:$0x10400] =	vst v63  }
0xdb: {  	_ = 	snop  }
0xdc: {  	[tilespmem:s16], [sflag:$0x1] =	stream.linear.gather [hbm4b:s17+s1], $0x20, $0x38;
	[tilespmem:$0x10400] =	vst v63  }
0xdd: {  	s19 =	simm.s32 $0x9E0;
	s18 =	spop (v2sf);
	s0 =	sadd.s32 s4, s0  }
0xde: {  	(v2sf) =	vpush v1, $0xD;
	[tilespmem:s19], [sflag:$0x1] =	stream.strided.gather [hbm4b:s0+s10], $0x0, s11, s10, $0x38;
	[tilespmem:$0x10400] =	vst v63  }
0xdf: {  	s2 =	sand.u32 $0x1FFFFFF0, s18  }
0xe0: {  	[tilespmem:s19], [sflag:$0x1] =	stream.linear.gather [hbm4b:s0+s1], $0x20, $0x38;
	[tilespmem:$0x10400] =	vst v63  }
0xe1: {  	s20 =	simm.s32 $0xA00;
	s21 =	sadd.s32 s3, s2  }
0xe2: {  	[tilespmem:s20], [sflag:$0x1] =	stream.strided.gather [hbm4b:s21+s10], $0x0, s11, s10, $0x38;
	[tilespmem:$0x10400] =	vst v63  }
0xe3: {  	_ = 	snop  }
0xe4: {  	[tilespmem:s20], [sflag:$0x1] =	stream.linear.gather [hbm4b:s21+s1], $0x20, $0x38;
	[tilespmem:$0x10400] =	vst v63  }
0xe5: {  	s23 =	simm.s32 $0xA20;
	s22 =	spop (v2sf);
	s2 =	sadd.s32 s4, s2  }
0xe6: {  	(v2sf) =	vpush v0, $0xD;
	[tilespmem:s23], [sflag:$0x1] =	stream.strided.gather [hbm4b:s2+s10], $0x0, s11, s10, $0x38;
	[tilespmem:$0x10400] =	vst v63  }
0xe7: {  	s0 =	sand.u32 $0x1FFFFFF0, s22  }
0xe8: {  	[tilespmem:s23], [sflag:$0x1] =	stream.linear.gather [hbm4b:s2+s1], $0x20, $0x38;
	[tilespmem:$0x10400] =	vst v63  }
0xe9: {  	s24 =	simm.s32 $0xA40;
	s25 =	sadd.s32 s3, s0  }
0xea: {  	[tilespmem:s24], [sflag:$0x1] =	stream.strided.gather [hbm4b:s25+s10], $0x0, s11, s10, $0x38;
	[tilespmem:$0x10400] =	vst v63  }
0xeb: {  	_ = 	snop  }
0xec: {  	[tilespmem:s24], [sflag:$0x1] =	stream.linear.gather [hbm4b:s25+s1], $0x20, $0x38;
	[tilespmem:$0x10400] =	vst v63  }
0xed: {  	s28 =	simm.s32 $0xA60;
	s26 =	spop (v2sf);
	s0 =	sadd.s32 s4, s0  }
0xee: {  	(v2sf) =	vpush v1, $0xE;
	[tilespmem:s28], [sflag:$0x1] =	stream.strided.gather [hbm4b:s0+s10], $0x0, s11, s10, $0x38;
	[tilespmem:$0x10400] =	vst v63  }
0xef: {  	s2 =	sand.u32 $0x1FFFFFF0, s26  }
0xf0: {  	[tilespmem:s28], [sflag:$0x1] =	stream.linear.gather [hbm4b:s0+s1], $0x20, $0x38;
	[tilespmem:$0x10400] =	vst v63  }
0xf1: {  	s30 =	simm.s32 $0xA80;
	s31 =	sadd.s32 s3, s2  }
0xf2: {  	[tilespmem:s30], [sflag:$0x1] =	stream.strided.gather [hbm4b:s31+s10], $0x0, s11, s10, $0x38;
	[tilespmem:$0x10400] =	vst v63  }
0xf3: {  	_ = 	snop  }
0xf4: {  	[tilespmem:s30], [sflag:$0x1] =	stream.linear.gather [hbm4b:s31+s1], $0x20, $0x38;
	[tilespmem:$0x10400] =	vst v63  }
0xf5: {  	s7 =	simm.s32 $0xAA0;
	s6 =	spop (v2sf);
	s2 =	sadd.s32 s4, s2  }
0xf6: {  	(v2sf) =	vpush v0, $0xE;
	[tilespmem:s7], [sflag:$0x1] =	stream.strided.gather [hbm4b:s2+s10], $0x0, s11, s10, $0x38;
	[tilespmem:$0x10400] =	vst v63  }
0xf7: {  	s0 =	sand.u32 $0x1FFFFFF0, s6  }
0xf8: {  	[tilespmem:s7], [sflag:$0x1] =	stream.linear.gather [hbm4b:s2+s1], $0x20, $0x38;
	[tilespmem:$0x10400] =	vst v63  }
0xf9: {  	s9 =	simm.s32 $0xAC0;
	s12 =	sadd.s32 s3, s0  }
0xfa: {  	[tilespmem:s9], [sflag:$0x1] =	stream.strided.gather [hbm4b:s12+s10], $0x0, s11, s10, $0x38;
	[tilespmem:$0x10400] =	vst v63  }
0xfb: {  	_ = 	snop  }
0xfc: {  	[tilespmem:s9], [sflag:$0x1] =	stream.linear.gather [hbm4b:s12+s1], $0x20, $0x38;
	[tilespmem:$0x10400] =	vst v63  }
0xfd: {  	s14 =	simm.s32 $0xAE0;
	s13 =	spop (v2sf);
	s0 =	sadd.s32 s4, s0  }
0xfe: {  	(v2sf) =	vpush v1, $0xF;
	[tilespmem:s14], [sflag:$0x1] =	stream.strided.gather [hbm4b:s0+s10], $0x0, s11, s10, $0x38;
	[tilespmem:$0x10400] =	vst v63  }
0xff: {  	s2 =	sand.u32 $0x1FFFFFF0, s13  }
0x100: {  	[tilespmem:s14], [sflag:$0x1] =	stream.linear.gather [hbm4b:s0+s1], $0x20, $0x38;
	[tilespmem:$0x10400] =	vst v63  }
0x101: {  	s15 =	simm.s32 $0xB00;
	s16 =	sadd.s32 s3, s2  }
0x102: {  	[tilespmem:s15], [sflag:$0x1] =	stream.strided.gather [hbm4b:s16+s10], $0x0, s11, s10, $0x38;
	[tilespmem:$0x10400] =	vst v63  }
0x103: {  	_ = 	snop  }
0x104: {  	[tilespmem:s15], [sflag:$0x1] =	stream.linear.gather [hbm4b:s16+s1], $0x20, $0x38;
	[tilespmem:$0x10400] =	vst v63  }
0x105: {  	s18 =	simm.s32 $0xB20;
	s17 =	spop (v2sf);
	s2 =	sadd.s32 s4, s2  }
0x106: {  	(v2sf) =	vpush v0, $0xF;
	[tilespmem:s18], [sflag:$0x1] =	stream.strided.gather [hbm4b:s2+s10], $0x0, s11, s10, $0x38;
	[tilespmem:$0x10400] =	vst v63  }
0x107: {  	s0 =	sand.u32 $0x1FFFFFF0, s17  }
0x108: {  	[tilespmem:s18], [sflag:$0x1] =	stream.linear.gather [hbm4b:s2+s1], $0x20, $0x38;
	[tilespmem:$0x10400] =	vst v63  }
0x109: {  	s19 =	simm.s32 $0xB40;
	s20 =	sadd.s32 s3, s0  }
0x10a: {  	[tilespmem:s19], [sflag:$0x1] =	stream.strided.gather [hbm4b:s20+s10], $0x0, s11, s10, $0x38;
	[tilespmem:$0x10400] =	vst v63  }
0x10b: {  	_ = 	snop  }
0x10c: {  	[tilespmem:s19], [sflag:$0x1] =	stream.linear.gather [hbm4b:s20+s1], $0x20, $0x38;
	[tilespmem:$0x10400] =	vst v63  }
0x10d: {  	s22 =	simm.s32 $0xB60;
	s21 =	spop (v2sf);
	s0 =	sadd.s32 s4, s0  }
0x10e: {  	[tilespmem:s22], [sflag:$0x1] =	stream.strided.gather [hbm4b:s0+s10], $0x0, s11, s10, $0x38;
	[tilespmem:$0x10400] =	vst v63  }
0x10f: {  	s2 =	sand.u32 $0x1FFFFFF0, s21  }
0x110: {  	[tilespmem:s22], [sflag:$0x1] =	stream.linear.gather [hbm4b:s0+s1], $0x20, $0x38;
	[tilespmem:$0x10400] =	vst v63  }
0x111: {  	s23 =	simm.s32 $0xB80;
	s24 =	sadd.s32 s3, s2  }
0x112: {  	[tilespmem:s23], [sflag:$0x1] =	stream.strided.gather [hbm4b:s24+s10], $0x0, s11, s10, $0x38;
	[tilespmem:$0x10400] =	vst v63  }
0x113: {  	_ = 	snop  }
0x114: {  	[tilespmem:s23], [sflag:$0x1] =	stream.linear.gather [hbm4b:s24+s1], $0x20, $0x38;
	[tilespmem:$0x10400] =	vst v63  }
0x115: {  	s26 =	simm.s32 $0xBA0;
	s25 =	spop (v2sf);
	s2 =	sadd.s32 s4, s2  }
0x116: {  	[tilespmem:s26], [sflag:$0x1] =	stream.strided.gather [hbm4b:s2+s10], $0x0, s11, s10, $0x38;
	[tilespmem:$0x10400] =	vst v63  }
0x117: {  	s28 =	sand.u32 $0x1FFFFFF0, s25  }
0x118: {  	[tilespmem:s26], [sflag:$0x1] =	stream.linear.gather [hbm4b:s2+s1], $0x20, $0x38;
	[tilespmem:$0x10400] =	vst v63  }
0x119: {  	s30 =	simm.s32 $0xBC0;
	s31 =	sadd.s32 s3, s28  }
0x11a: {  	[tilespmem:s30], [sflag:$0x1] =	stream.strided.gather [hbm4b:s31+s10], $0x0, s11, s10, $0x38;
	[tilespmem:$0x10400] =	vst v63  }
0x11b: {  	s29 =	simm.s32 $0x2000  }
0x11c: {  	[tilespmem:s30], [sflag:$0x1] =	stream.linear.gather [hbm4b:s31+s1], $0x20, $0x38;
	[tilespmem:$0x10400] =	vst v63  }
0x11d: {  	s5 =	simm.s32 $0x0;
	s0 =	simm.s32 $0xBE0;
	s2 =	sadd.s32 s4, s28  }
0x11e: {  	[tilespmem:s0], [sflag:$0x1] =	stream.strided.gather [hbm4b:s2+s10], $0x0, s11, s10, $0x38;
	[tilespmem:$0x10400] =	vst v63  }
.LBB2_2:
0x11f: {  	s5 =	sadd.s32 $0x10, s5  }
0x120: {  	[tilespmem:s0], [sflag:$0x1] =	stream.linear.gather [hbm4b:s2+s1], $0x20, $0x38;
	[tilespmem:$0x10400] =	vst v63  }
0x121: {  	v0 =	vld [tilespmem:s5+$0x0];
	_ =	sdelay $0x4  }
0x122: {  	s8 =	sadd.s32 $0x10, s8;
	v0 =	vshll.u32 v0, $0x4  }
0x123: {  	v1 =	vld [tilespmem:s8+$0x0];
	(v2sf) =	vpush v0, $0x0;
	_ =	sdelay $0x1  }
0x124: {  	(v2sf) =	vpush v0, $0x1;
	_ =	sdelay $0x1  }
0x125: {  	(v2sf) =	vpush v0, $0x2  }
0x126: {  	v1 =	vshll.u32 v1, $0x4  }
0x127: {  	(v2sf) =	vpush v1, $0x0;
	_ =	sdelay $0x3  }
0x128: {  	(v2sf) =	vpush v1, $0x1;
	_ =	sdelay $0x1  }
0x129: {  	(v2sf) =	vpush v1, $0x2;
	_ =	sdelay $0x2  }
0x12a: {  	s13 =	smov.u32 s29;
	s14 =	spop (v2sf)  }
0x12b: {  	s17 =	sshra.s32 s13, $0x2;
	(v2sf) =	vpush v0, $0x3;
	s15 =	sand.u32 $0x1FFFFFF0, s14  }
0x12c: {  	s18 =	sadd.s32 $0x400, s17;
	s16 =	spop (v2sf);
	s6 =	sadd.s32 s3, s15  }
0x12d: {  	(v2sf) =	vpush v1, $0x3;
	[tilespmem:s18], [sflag:$0x1] =	stream.strided.gather [hbm4b:s6+s10], $0x0, s11, s10, $0x38;
	[tilespmem:$0x10400] =	vst v63  }
0x12e: {  	s19 =	spop (v2sf)  }
0x12f: {  	(v2sf) =	vpush v0, $0x4;
	[tilespmem:s18], [sflag:$0x1] =	stream.linear.gather [hbm4b:s6+s1], $0x20, $0x38;
	[tilespmem:$0x10400] =	vst v63  }
0x130: {  	s20 =	sadd.s32 $0x420, s17;
	s0 =	sadd.s32 s4, s15;
	s21 =	spop (v2sf)  }
0x131: {  	[tilespmem:s20], [sflag:$0x1] =	stream.strided.gather [hbm4b:s0+s10], $0x0, s11, s10, $0x38;
	[tilespmem:$0x10400] =	vst v63  }
0x132: {  	s2 =	sand.u32 $0x1FFFFFF0, s21  }
0x133: {  	(v2sf) =	vpush v1, $0x4;
	[tilespmem:s20], [sflag:$0x1] =	stream.linear.gather [hbm4b:s0+s1], $0x20, $0x38;
	[tilespmem:$0x10400] =	vst v63  }
0x134: {  	s22 =	sadd.s32 $0x440, s17;
	s23 =	spop (v2sf);
	s24 =	sadd.s32 s3, s2  }
0x135: {  	[tilespmem:s22], [sflag:$0x1] =	stream.strided.gather [hbm4b:s24+s10], $0x0, s11, s10, $0x38;
	[tilespmem:$0x10400] =	vst v63  }
0x136: {  	s9 =	spop (v2sf)  }
0x137: {  	(v2sf) =	vpush v0, $0x5;
	[tilespmem:s22], [sflag:$0x1] =	stream.linear.gather [hbm4b:s24+s1], $0x20, $0x38;
	[tilespmem:$0x10400] =	vst v63  }
0x138: {  	s12 =	sadd.s32 $0x460, s17;
	s13 =	sadd.s32 s4, s2  }
0x139: {  	[tilespmem:s12], [sflag:$0x1] =	stream.strided.gather [hbm4b:s13+s10], $0x0, s11, s10, $0x38;
	[tilespmem:$0x10400] =	vst v63  }
0x13a: {  	s7 =	sand.u32 $0x1FFFFFF0, s16;
	s25 =	spop (v2sf)  }
0x13b: {  	(v2sf) =	vpush v1, $0x5;
	[tilespmem:s12], [sflag:$0x1] =	stream.linear.gather [hbm4b:s13+s1], $0x20, $0x38;
	[tilespmem:$0x10400] =	vst v63  }
0x13c: {  	s26 =	sadd.s32 $0x480, s17;
	s28 =	sadd.s32 s3, s7;
	s18 =	spop (v2sf)  }
0x13d: {  	[tilespmem:s26], [sflag:$0x1] =	stream.strided.gather [hbm4b:s28+s10], $0x0, s11, s10, $0x38;
	[tilespmem:$0x10400] =	vst v63  }
0x13e: {  	s30 =	spop (v2sf)  }
0x13f: {  	(v2sf) =	vpush v0, $0x6;
	[tilespmem:s26], [sflag:$0x1] =	stream.linear.gather [hbm4b:s28+s1], $0x20, $0x38;
	[tilespmem:$0x10400] =	vst v63  }
0x140: {  	s31 =	sadd.s32 $0x4A0, s17;
	s7 =	sadd.s32 s4, s7  }
0x141: {  	[tilespmem:s31], [sflag:$0x1] =	stream.strided.gather [hbm4b:s7+s10], $0x0, s11, s10, $0x38;
	[tilespmem:$0x10400] =	vst v63  }
0x142: {  	s6 =	sand.u32 $0x1FFFFFF0, s23;
	s14 =	spop (v2sf)  }
0x143: {  	(v2sf) =	vpush v1, $0x6;
	[tilespmem:s31], [sflag:$0x1] =	stream.linear.gather [hbm4b:s7+s1], $0x20, $0x38;
	[tilespmem:$0x10400] =	vst v63  }
0x144: {  	s15 =	sadd.s32 $0x4C0, s17;
	s16 =	sadd.s32 s3, s6  }
0x145: {  	(v2sf) =	vpush v0, $0x7;
	[tilespmem:s15], [sflag:$0x1] =	stream.strided.gather [hbm4b:s16+s10], $0x0, s11, s10, $0x38;
	[tilespmem:$0x10400] =	vst v63  }
0x146: {  	s21 =	spop (v2sf)  }
0x147: {  	(v2sf) =	vpush v1, $0x7;
	[tilespmem:s15], [sflag:$0x1] =	stream.linear.gather [hbm4b:s16+s1], $0x20, $0x38;
	[tilespmem:$0x10400] =	vst v63  }
0x148: {  	s6 =	sadd.s32 s4, s6;
	s22 =	sadd.s32 $0x4E0, s17  }
0x149: {  	[tilespmem:s22], [sflag:$0x1] =	stream.strided.gather [hbm4b:s6+s10], $0x0, s11, s10, $0x38;
	[tilespmem:$0x10400] =	vst v63  }
0x14a: {  	[dreg:$0x6] =	wrdreg s5;
	s5 =	sand.u32 $0x1FFFFFF0, s19;
	s23 =	spop (v2sf)  }
0x14b: {  	(v2sf) =	vpush v0, $0x8;
	[tilespmem:s22], [sflag:$0x1] =	stream.linear.gather [hbm4b:s6+s1], $0x20, $0x38;
	[tilespmem:$0x10400] =	vst v63  }
0x14c: {  	s24 =	sadd.s32 $0x500, s17;
	s13 =	sand.u32 $0x1FFFFFF0, s21;
	s21 =	sadd.s32 s3, s5  }
0x14d: {  	(v2sf) =	vpush v1, $0x8;
	[tilespmem:s24], [sflag:$0x1] =	stream.strided.gather [hbm4b:s21+s10], $0x0, s11, s10, $0x38;
	[tilespmem:$0x10400] =	vst v63  }
0x14e: {  	s0 =	sand.u32 $0x1FFFFFF0, s25;
	s25 =	spop (v2sf)  }
0x14f: {  	(v2sf) =	vpush v0, $0x9;
	[tilespmem:s24], [sflag:$0x1] =	stream.linear.gather [hbm4b:s21+s1], $0x20, $0x38;
	[tilespmem:$0x10400] =	vst v63  }
0x150: {  	s5 =	sadd.s32 s4, s5;
	s22 =	sadd.s32 $0x520, s17  }
0x151: {  	(v2sf) =	vpush v1, $0x9;
	[tilespmem:s22], [sflag:$0x1] =	stream.strided.gather [hbm4b:s5+s10], $0x0, s11, s10, $0x38;
	[tilespmem:$0x10400] =	vst v63  }
0x152: {  	s2 =	sand.u32 $0x1FFFFFF0, s9;
	s19 =	sand.u32 $0x1FFFFFF0, s30;
	s26 =	spop (v2sf)  }
0x153: {  	(v2sf) =	vpush v0, $0xA;
	[tilespmem:s22], [sflag:$0x1] =	stream.linear.gather [hbm4b:s5+s1], $0x20, $0x38;
	[tilespmem:$0x10400] =	vst v63  }
0x154: {  	s30 =	sadd.s32 s3, s2;
	s28 =	sadd.s32 $0x540, s17;
	s31 =	spop (v2sf)  }
0x155: {  	(v2sf) =	vpush v1, $0xA;
	[tilespmem:s28], [sflag:$0x1] =	stream.strided.gather [hbm4b:s30+s10], $0x0, s11, s10, $0x38;
	[tilespmem:$0x10400] =	vst v63  }
0x156: {  	[dreg:$0x5] =	wrdreg s8;
	s20 =	sand.u32 $0x1FFFFFF0, s18;
	s12 =	spop (v2sf)  }
0x157: {  	(v2sf) =	vpush v0, $0xB;
	[tilespmem:s28], [sflag:$0x1] =	stream.linear.gather [hbm4b:s30+s1], $0x20, $0x38;
	[tilespmem:$0x10400] =	vst v63  }
0x158: {  	s2 =	sadd.s32 s4, s2;
	s18 =	sand.u32 $0x1FFFFFF0, s14;
	s14 =	sadd.s32 $0x560, s17  }
0x159: {  	(v2sf) =	vpush v1, $0xB;
	[tilespmem:s14], [sflag:$0x1] =	stream.strided.gather [hbm4b:s2+s10], $0x0, s11, s10, $0x38;
	[tilespmem:$0x10400] =	vst v63  }
0x15a: {  	s16 =	sadd.s32 $0x580, s17;
	s9 =	sand.u32 $0x1FFFFFF0, s23;
	s15 =	spop (v2sf)  }
0x15b: {  	[tilespmem:s14], [sflag:$0x1] =	stream.linear.gather [hbm4b:s2+s1], $0x20, $0x38;
	[tilespmem:$0x10400] =	vst v63  }
0x15c: {  	s23 =	sadd.s32 s3, s0;
	s8 =	sand.u32 $0x1FFFFFF0, s25;
	s24 =	spop (v2sf)  }
0x15d: {  	[tilespmem:s16], [sflag:$0x1] =	stream.strided.gather [hbm4b:s23+s10], $0x0, s11, s10, $0x38;
	[tilespmem:$0x10400] =	vst v63  }
0x15e: {  	s25 =	sadd.s32 s4, s0;
	[dreg:$0x8] =	wrdreg s26;
	s28 =	spop (v2sf)  }
0x15f: {  	[tilespmem:s16], [sflag:$0x1] =	stream.linear.gather [hbm4b:s23+s1], $0x20, $0x38;
	[tilespmem:$0x10400] =	vst v63  }
0x160: {  	[dreg:$0x7] =	wrdreg s31;
	s30 =	sadd.s32 $0x5A0, s17;
	s26 =	spop (v2sf)  }
0x161: {  	[tilespmem:s30], [sflag:$0x1] =	stream.strided.gather [hbm4b:s25+s10], $0x0, s11, s10, $0x38;
	[tilespmem:$0x10400] =	vst v63  }
0x162: {  	s5 =	sand.u32 $0x1FFFFFF0, s12;
	s12 =	sadd.s32 $0x5C0, s17;
	s7 =	spop (v2sf)  }
0x163: {  	(v2sf) =	vpush v0, $0xC;
	[tilespmem:s30], [sflag:$0x1] =	stream.linear.gather [hbm4b:s25+s1], $0x20, $0x38;
	[tilespmem:$0x10400] =	vst v63  }
0x164: {  	s6 =	sand.u32 $0x1FFFFFF0, s15;
	s15 =	sadd.s32 s3, s20;
	s16 =	spop (v2sf)  }
0x165: {  	(v2sf) =	vpush v1, $0xC;
	[tilespmem:s12], [sflag:$0x1] =	stream.strided.gather [hbm4b:s15+s10], $0x0, s11, s10, $0x38;
	[tilespmem:$0x10400] =	vst v63  }
0x166: {  	s20 =	sadd.s32 s4, s20;
	s31 =	sand.u32 $0x1FFFFFF0, s26;
	s26 =	spop (v2sf)  }
0x167: {  	[tilespmem:s12], [sflag:$0x1] =	stream.linear.gather [hbm4b:s15+s1], $0x20, $0x38;
	[tilespmem:$0x10400] =	vst v63  }
0x168: {  	s0 =	sand.u32 $0x1FFFFFF0, s28;
	s28 =	sadd.s32 $0x5E0, s17;
	s14 =	spop (v2sf)  }
0x169: {  	(v2sf) =	vpush v0, $0xD;
	[tilespmem:s28], [sflag:$0x1] =	stream.strided.gather [hbm4b:s20+s10], $0x0, s11, s10, $0x38;
	[tilespmem:$0x10400] =	vst v63  }
0x16a: {  	s30 =	sand.u32 $0x1FFFFFF0, s7;
	s7 =	sand.u32 $0x1FFFFFF0, s16;
	s16 =	sadd.s32 $0x600, s17  }
0x16b: {  	(v2sf) =	vpush v1, $0xD;
	[tilespmem:s28], [sflag:$0x1] =	stream.linear.gather [hbm4b:s20+s1], $0x20, $0x38;
	[tilespmem:$0x10400] =	vst v63  }
0x16c: {  	s12 =	sand.u32 $0x1FFFFFF0, s26;
	s26 =	sand.u32 $0x1FFFFFF0, s14;
	s14 =	sadd.s32 s3, s19  }
0x16d: {  	[tilespmem:s16], [sflag:$0x1] =	stream.strided.gather [hbm4b:s14+s10], $0x0, s11, s10, $0x38;
	[tilespmem:$0x10400] =	vst v63  }
0x16e: {  	_ = 	snop  }
0x16f: {  	[tilespmem:s16], [sflag:$0x1] =	stream.linear.gather [hbm4b:s14+s1], $0x20, $0x38;
	[tilespmem:$0x10400] =	vst v63  }
0x170: {  	s21 =	sadd.s32 $0x620, s17;
	s19 =	sadd.s32 s4, s19  }
0x171: {  	[tilespmem:s21], [sflag:$0x1] =	stream.strided.gather [hbm4b:s19+s10], $0x0, s11, s10, $0x38;
	[tilespmem:$0x10400] =	vst v63  }
0x172: {  	s2 =	sand.u32 $0x1FFFFFF0, s24;
	s15 =	spop (v2sf)  }
0x173: {  	[tilespmem:s21], [sflag:$0x1] =	stream.linear.gather [hbm4b:s19+s1], $0x20, $0x38;
	[tilespmem:$0x10400] =	vst v63  }
0x174: {  	s24 =	spop (v2sf);
	s28 =	sadd.s32 $0x640, s17;
	s16 =	sadd.s32 s3, s18  }
0x175: {  	[tilespmem:s28], [sflag:$0x1] =	stream.strided.gather [hbm4b:s16+s10], $0x0, s11, s10, $0x38;
	[tilespmem:$0x10400] =	vst v63  }
0x176: {  	s23 =	sand.u32 $0x1FFFFFF0, s24  }
0x177: {  	[tilespmem:s28], [sflag:$0x1] =	stream.linear.gather [hbm4b:s16+s1], $0x20, $0x38;
	[tilespmem:$0x10400] =	vst v63  }
0x178: {  	s24 =	spop (v2sf);
	s18 =	sadd.s32 s4, s18;
	s19 =	sadd.s32 $0x660, s17  }
0x179: {  	[tilespmem:s19], [sflag:$0x1] =	stream.strided.gather [hbm4b:s18+s10], $0x0, s11, s10, $0x38;
	[tilespmem:$0x10400] =	vst v63  }
0x17a: {  	s25 =	sand.u32 $0x1FFFFFF0, s15;
	s15 =	spop (v2sf)  }
0x17b: {  	[tilespmem:s19], [sflag:$0x1] =	stream.linear.gather [hbm4b:s18+s1], $0x20, $0x38;
	[tilespmem:$0x10400] =	vst v63  }
0x17c: {  	s22 =	sand.u32 $0x1FFFFFF0, s15;
	s15 =	sadd.s32 $0x680, s17;
	s28 =	sadd.s32 s3, s13  }
0x17d: {  	[tilespmem:s15], [sflag:$0x1] =	stream.strided.gather [hbm4b:s28+s10], $0x0, s11, s10, $0x38;
	[tilespmem:$0x10400] =	vst v63  }
0x17e: {  	_ = 	snop  }
0x17f: {  	[tilespmem:s15], [sflag:$0x1] =	stream.linear.gather [hbm4b:s28+s1], $0x20, $0x38;
	[tilespmem:$0x10400] =	vst v63  }
0x180: {  	s13 =	sadd.s32 s4, s13;
	s18 =	sadd.s32 $0x6A0, s17  }
0x181: {  	[tilespmem:s18], [sflag:$0x1] =	stream.strided.gather [hbm4b:s13+s10], $0x0, s11, s10, $0x38;
	[tilespmem:$0x10400] =	vst v63  }
0x182: {  	_ = 	snop  }
0x183: {  	[tilespmem:s18], [sflag:$0x1] =	stream.linear.gather [hbm4b:s13+s1], $0x20, $0x38;
	[tilespmem:$0x10400] =	vst v63  }
0x184: {  	s19 =	sadd.s32 $0x6C0, s17;
	s28 =	sadd.s32 s3, s9  }
0x185: {  	[tilespmem:s19], [sflag:$0x1] =	stream.strided.gather [hbm4b:s28+s10], $0x0, s11, s10, $0x38;
	[tilespmem:$0x10400] =	vst v63  }
0x186: {  	_ = 	snop  }
0x187: {  	[tilespmem:s19], [sflag:$0x1] =	stream.linear.gather [hbm4b:s28+s1], $0x20, $0x38;
	[tilespmem:$0x10400] =	vst v63  }
0x188: {  	s9 =	sadd.s32 s4, s9;
	s18 =	sadd.s32 $0x6E0, s17  }
0x189: {  	[tilespmem:s18], [sflag:$0x1] =	stream.strided.gather [hbm4b:s9+s10], $0x0, s11, s10, $0x38;
	[tilespmem:$0x10400] =	vst v63  }
0x18a: {  	_ = 	snop  }
0x18b: {  	[tilespmem:s18], [sflag:$0x1] =	stream.linear.gather [hbm4b:s9+s1], $0x20, $0x38;
	[tilespmem:$0x10400] =	vst v63  }
0x18c: {  	s19 =	sadd.s32 $0x700, s17;
	s28 =	sadd.s32 s3, s8  }
0x18d: {  	[tilespmem:s19], [sflag:$0x1] =	stream.strided.gather [hbm4b:s28+s10], $0x0, s11, s10, $0x38;
	[tilespmem:$0x10400] =	vst v63  }
0x18e: {  	_ = 	snop  }
0x18f: {  	[tilespmem:s19], [sflag:$0x1] =	stream.linear.gather [hbm4b:s28+s1], $0x20, $0x38;
	[tilespmem:$0x10400] =	vst v63  }
0x190: {  	s8 =	sadd.s32 s4, s8;
	s9 =	sadd.s32 $0x720, s17;
	s18 =	rddreg [dreg:$0x8]  }
0x191: {  	[tilespmem:s9], [sflag:$0x1] =	stream.strided.gather [hbm4b:s8+s10], $0x0, s11, s10, $0x38;
	[tilespmem:$0x10400] =	vst v63  }
0x192: {  	s13 =	sand.u32 $0x1FFFFFF0, s18  }
0x193: {  	[tilespmem:s9], [sflag:$0x1] =	stream.linear.gather [hbm4b:s8+s1], $0x20, $0x38;
	[tilespmem:$0x10400] =	vst v63  }
0x194: {  	s19 =	sadd.s32 $0x740, s17;
	s28 =	sadd.s32 s3, s13  }
0x195: {  	[tilespmem:s19], [sflag:$0x1] =	stream.strided.gather [hbm4b:s28+s10], $0x0, s11, s10, $0x38;
	[tilespmem:$0x10400] =	vst v63  }
0x196: {  	_ = 	snop  }
0x197: {  	[tilespmem:s19], [sflag:$0x1] =	stream.linear.gather [hbm4b:s28+s1], $0x20, $0x38;
	[tilespmem:$0x10400] =	vst v63  }
0x198: {  	s18 =	rddreg [dreg:$0x7];
	s8 =	sadd.s32 $0x760, s17;
	s9 =	sadd.s32 s4, s13  }
0x199: {  	[tilespmem:s8], [sflag:$0x1] =	stream.strided.gather [hbm4b:s9+s10], $0x0, s11, s10, $0x38;
	[tilespmem:$0x10400] =	vst v63  }
0x19a: {  	s13 =	sand.u32 $0x1FFFFFF0, s18  }
0x19b: {  	[tilespmem:s8], [sflag:$0x1] =	stream.linear.gather [hbm4b:s9+s1], $0x20, $0x38;
	[tilespmem:$0x10400] =	vst v63  }
0x19c: {  	s19 =	sadd.s32 $0x780, s17;
	s28 =	sadd.s32 s3, s13  }
0x19d: {  	[tilespmem:s19], [sflag:$0x1] =	stream.strided.gather [hbm4b:s28+s10], $0x0, s11, s10, $0x38;
	[tilespmem:$0x10400] =	vst v63  }
0x19e: {  	_ = 	snop  }
0x19f: {  	[tilespmem:s19], [sflag:$0x1] =	stream.linear.gather [hbm4b:s28+s1], $0x20, $0x38;
	[tilespmem:$0x10400] =	vst v63  }
0x1a0: {  	s13 =	sadd.s32 s4, s13;
	s9 =	sadd.s32 $0x7A0, s17  }
0x1a1: {  	[tilespmem:s9], [sflag:$0x1] =	stream.strided.gather [hbm4b:s13+s10], $0x0, s11, s10, $0x38;
	[tilespmem:$0x10400] =	vst v63  }
0x1a2: {  	_ = 	snop  }
0x1a3: {  	[tilespmem:s9], [sflag:$0x1] =	stream.linear.gather [hbm4b:s13+s1], $0x20, $0x38;
	[tilespmem:$0x10400] =	vst v63  }
0x1a4: {  	s19 =	sadd.s32 $0x7C0, s17;
	s28 =	sadd.s32 s3, s5  }
0x1a5: {  	[tilespmem:s19], [sflag:$0x1] =	stream.strided.gather [hbm4b:s28+s10], $0x0, s11, s10, $0x38;
	[tilespmem:$0x10400] =	vst v63  }
0x1a6: {  	_ = 	snop  }
0x1a7: {  	[tilespmem:s19], [sflag:$0x1] =	stream.linear.gather [hbm4b:s28+s1], $0x20, $0x38;
	[tilespmem:$0x10400] =	vst v63  }
0x1a8: {  	s5 =	sadd.s32 s4, s5;
	s9 =	sadd.s32 $0x7E0, s17  }
0x1a9: {  	[tilespmem:s9], [sflag:$0x1] =	stream.strided.gather [hbm4b:s5+s10], $0x0, s11, s10, $0x38;
	[tilespmem:$0x10400] =	vst v63  }
0x1aa: {  	_ = 	snop  }
0x1ab: {  	[tilespmem:s9], [sflag:$0x1] =	stream.linear.gather [hbm4b:s5+s1], $0x20, $0x38;
	[tilespmem:$0x10400] =	vst v63  }
0x1ac: {  	s15 =	sadd.s32 s3, s6;
	s13 =	sadd.s32 $0x800, s17  }
0x1ad: {  	[tilespmem:s13], [sflag:$0x1] =	stream.strided.gather [hbm4b:s15+s10], $0x0, s11, s10, $0x38;
	[tilespmem:$0x10400] =	vst v63  }
0x1ae: {  	_ = 	snop  }
0x1af: {  	[tilespmem:s13], [sflag:$0x1] =	stream.linear.gather [hbm4b:s15+s1], $0x20, $0x38;
	[tilespmem:$0x10400] =	vst v63  }
0x1b0: {  	s6 =	sadd.s32 s4, s6;
	s18 =	sadd.s32 $0x820, s17  }
0x1b1: {  	[tilespmem:s18], [sflag:$0x1] =	stream.strided.gather [hbm4b:s6+s10], $0x0, s11, s10, $0x38;
	[tilespmem:$0x10400] =	vst v63  }
0x1b2: {  	_ = 	snop  }
0x1b3: {  	[tilespmem:s18], [sflag:$0x1] =	stream.linear.gather [hbm4b:s6+s1], $0x20, $0x38;
	[tilespmem:$0x10400] =	vst v63  }
0x1b4: {  	s19 =	sadd.s32 $0x840, s17;
	s28 =	sadd.s32 s3, s2  }
0x1b5: {  	[tilespmem:s19], [sflag:$0x1] =	stream.strided.gather [hbm4b:s28+s10], $0x0, s11, s10, $0x38;
	[tilespmem:$0x10400] =	vst v63  }
0x1b6: {  	_ = 	snop  }
0x1b7: {  	[tilespmem:s19], [sflag:$0x1] =	stream.linear.gather [hbm4b:s28+s1], $0x20, $0x38;
	[tilespmem:$0x10400] =	vst v63  }
0x1b8: {  	s2 =	sadd.s32 s4, s2;
	s6 =	sadd.s32 $0x860, s17  }
0x1b9: {  	[tilespmem:s6], [sflag:$0x1] =	stream.strided.gather [hbm4b:s2+s10], $0x0, s11, s10, $0x38;
	[tilespmem:$0x10400] =	vst v63  }
0x1ba: {  	_ = 	snop  }
0x1bb: {  	[tilespmem:s6], [sflag:$0x1] =	stream.linear.gather [hbm4b:s2+s1], $0x20, $0x38;
	[tilespmem:$0x10400] =	vst v63  }
0x1bc: {  	s9 =	sadd.s32 $0x880, s17;
	s13 =	sadd.s32 s3, s0  }
0x1bd: {  	[tilespmem:s9], [sflag:$0x1] =	stream.strided.gather [hbm4b:s13+s10], $0x0, s11, s10, $0x38;
	[tilespmem:$0x10400] =	vst v63  }
0x1be: {  	_ = 	snop  }
0x1bf: {  	[tilespmem:s9], [sflag:$0x1] =	stream.linear.gather [hbm4b:s13+s1], $0x20, $0x38;
	[tilespmem:$0x10400] =	vst v63  }
0x1c0: {  	s15 =	sadd.s32 $0x8A0, s17;
	s0 =	sadd.s32 s4, s0  }
0x1c1: {  	[tilespmem:s15], [sflag:$0x1] =	stream.strided.gather [hbm4b:s0+s10], $0x0, s11, s10, $0x38;
	[tilespmem:$0x10400] =	vst v63  }
0x1c2: {  	_ = 	snop  }
0x1c3: {  	[tilespmem:s15], [sflag:$0x1] =	stream.linear.gather [hbm4b:s0+s1], $0x20, $0x38;
	[tilespmem:$0x10400] =	vst v63  }
0x1c4: {  	s18 =	sadd.s32 $0x8C0, s17;
	s19 =	sadd.s32 s3, s31  }
0x1c5: {  	[tilespmem:s18], [sflag:$0x1] =	stream.strided.gather [hbm4b:s19+s10], $0x0, s11, s10, $0x38;
	[tilespmem:$0x10400] =	vst v63  }
0x1c6: {  	_ = 	snop  }
0x1c7: {  	[tilespmem:s18], [sflag:$0x1] =	stream.linear.gather [hbm4b:s19+s1], $0x20, $0x38;
	[tilespmem:$0x10400] =	vst v63  }
0x1c8: {  	s28 =	sadd.s32 $0x8E0, s17;
	s31 =	sadd.s32 s4, s31  }
0x1c9: {  	[tilespmem:s28], [sflag:$0x1] =	stream.strided.gather [hbm4b:s31+s10], $0x0, s11, s10, $0x38;
	[tilespmem:$0x10400] =	vst v63  }
0x1ca: {  	_ = 	snop  }
0x1cb: {  	[tilespmem:s28], [sflag:$0x1] =	stream.linear.gather [hbm4b:s31+s1], $0x20, $0x38;
	[tilespmem:$0x10400] =	vst v63  }
0x1cc: {  	s9 =	sadd.s32 $0x900, s17;
	s13 =	sadd.s32 s3, s30  }
0x1cd: {  	[tilespmem:s9], [sflag:$0x1] =	stream.strided.gather [hbm4b:s13+s10], $0x0, s11, s10, $0x38;
	[tilespmem:$0x10400] =	vst v63  }
0x1ce: {  	_ = 	snop  }
0x1cf: {  	[tilespmem:s9], [sflag:$0x1] =	stream.linear.gather [hbm4b:s13+s1], $0x20, $0x38;
	[tilespmem:$0x10400] =	vst v63  }
0x1d0: {  	s15 =	sadd.s32 $0x920, s17;
	s18 =	sadd.s32 s4, s30  }
0x1d1: {  	[tilespmem:s15], [sflag:$0x1] =	stream.strided.gather [hbm4b:s18+s10], $0x0, s11, s10, $0x38;
	[tilespmem:$0x10400] =	vst v63  }
0x1d2: {  	_ = 	snop  }
0x1d3: {  	[tilespmem:s15], [sflag:$0x1] =	stream.linear.gather [hbm4b:s18+s1], $0x20, $0x38;
	[tilespmem:$0x10400] =	vst v63  }
0x1d4: {  	s19 =	sadd.s32 $0x940, s17;
	s28 =	sadd.s32 s3, s7  }
0x1d5: {  	[tilespmem:s19], [sflag:$0x1] =	stream.strided.gather [hbm4b:s28+s10], $0x0, s11, s10, $0x38;
	[tilespmem:$0x10400] =	vst v63  }
0x1d6: {  	_ = 	snop  }
0x1d7: {  	[tilespmem:s19], [sflag:$0x1] =	stream.linear.gather [hbm4b:s28+s1], $0x20, $0x38;
	[tilespmem:$0x10400] =	vst v63  }
0x1d8: {  	s30 =	sadd.s32 $0x960, s17;
	s31 =	sadd.s32 s4, s7  }
0x1d9: {  	[tilespmem:s30], [sflag:$0x1] =	stream.strided.gather [hbm4b:s31+s10], $0x0, s11, s10, $0x38;
	[tilespmem:$0x10400] =	vst v63  }
0x1da: {  	_ = 	snop  }
0x1db: {  	[tilespmem:s30], [sflag:$0x1] =	stream.linear.gather [hbm4b:s31+s1], $0x20, $0x38;
	[tilespmem:$0x10400] =	vst v63  }
0x1dc: {  	s6 =	sadd.s32 $0x980, s17;
	s7 =	sadd.s32 s3, s12  }
0x1dd: {  	[tilespmem:s6], [sflag:$0x1] =	stream.strided.gather [hbm4b:s7+s10], $0x0, s11, s10, $0x38;
	[tilespmem:$0x10400] =	vst v63  }
0x1de: {  	_ = 	snop  }
0x1df: {  	[tilespmem:s6], [sflag:$0x1] =	stream.linear.gather [hbm4b:s7+s1], $0x20, $0x38;
	[tilespmem:$0x10400] =	vst v63  }
0x1e0: {  	s9 =	sadd.s32 $0x9A0, s17;
	s13 =	sadd.s32 s4, s12  }
0x1e1: {  	[tilespmem:s9], [sflag:$0x1] =	stream.strided.gather [hbm4b:s13+s10], $0x0, s11, s10, $0x38;
	[tilespmem:$0x10400] =	vst v63  }
0x1e2: {  	_ = 	snop  }
0x1e3: {  	[tilespmem:s9], [sflag:$0x1] =	stream.linear.gather [hbm4b:s13+s1], $0x20, $0x38;
	[tilespmem:$0x10400] =	vst v63  }
0x1e4: {  	s15 =	sadd.s32 $0x9C0, s17;
	s18 =	sadd.s32 s3, s26  }
0x1e5: {  	[tilespmem:s15], [sflag:$0x1] =	stream.strided.gather [hbm4b:s18+s10], $0x0, s11, s10, $0x38;
	[tilespmem:$0x10400] =	vst v63  }
0x1e6: {  	_ = 	snop  }
0x1e7: {  	[tilespmem:s15], [sflag:$0x1] =	stream.linear.gather [hbm4b:s18+s1], $0x20, $0x38;
	[tilespmem:$0x10400] =	vst v63  }
0x1e8: {  	s19 =	sadd.s32 $0x9E0, s17;
	s28 =	sadd.s32 s4, s26  }
0x1e9: {  	[tilespmem:s19], [sflag:$0x1] =	stream.strided.gather [hbm4b:s28+s10], $0x0, s11, s10, $0x38;
	[tilespmem:$0x10400] =	vst v63  }
0x1ea: {  	_ = 	snop  }
0x1eb: {  	[tilespmem:s19], [sflag:$0x1] =	stream.linear.gather [hbm4b:s28+s1], $0x20, $0x38;
	[tilespmem:$0x10400] =	vst v63  }
0x1ec: {  	s30 =	sadd.s32 $0xA00, s17;
	s31 =	sadd.s32 s3, s25  }
0x1ed: {  	[tilespmem:s30], [sflag:$0x1] =	stream.strided.gather [hbm4b:s31+s10], $0x0, s11, s10, $0x38;
	[tilespmem:$0x10400] =	vst v63  }
0x1ee: {  	_ = 	snop  }
0x1ef: {  	[tilespmem:s30], [sflag:$0x1] =	stream.linear.gather [hbm4b:s31+s1], $0x20, $0x38;
	[tilespmem:$0x10400] =	vst v63  }
0x1f0: {  	s2 =	sadd.s32 $0xA20, s17;
	s7 =	sadd.s32 s4, s25  }
0x1f1: {  	[tilespmem:s2], [sflag:$0x1] =	stream.strided.gather [hbm4b:s7+s10], $0x0, s11, s10, $0x38;
	[tilespmem:$0x10400] =	vst v63  }
0x1f2: {  	_ = 	snop  }
0x1f3: {  	[tilespmem:s2], [sflag:$0x1] =	stream.linear.gather [hbm4b:s7+s1], $0x20, $0x38;
	[tilespmem:$0x10400] =	vst v63  }
0x1f4: {  	s12 =	sadd.s32 s3, s23;
	s9 =	sadd.s32 $0xA40, s17  }
0x1f5: {  	[tilespmem:s9], [sflag:$0x1] =	stream.strided.gather [hbm4b:s12+s10], $0x0, s11, s10, $0x38;
	[tilespmem:$0x10400] =	vst v63  }
0x1f6: {  	_ = 	snop  }
0x1f7: {  	[tilespmem:s9], [sflag:$0x1] =	stream.linear.gather [hbm4b:s12+s1], $0x20, $0x38;
	[tilespmem:$0x10400] =	vst v63  }
0x1f8: {  	s13 =	sadd.s32 $0xA60, s17;
	s15 =	sadd.s32 s4, s23  }
0x1f9: {  	(v2sf) =	vpush v0, $0xE;
	[tilespmem:s13], [sflag:$0x1] =	stream.strided.gather [hbm4b:s15+s10], $0x0, s11, s10, $0x38;
	[tilespmem:$0x10400] =	vst v63  }
0x1fa: {  	s18 =	sand.u32 $0x1FFFFFF0, s24  }
0x1fb: {  	[tilespmem:s13], [sflag:$0x1] =	stream.linear.gather [hbm4b:s15+s1], $0x20, $0x38;
	[tilespmem:$0x10400] =	vst v63  }
0x1fc: {  	s23 =	sadd.s32 s3, s18;
	s19 =	sadd.s32 $0xA80, s17  }
0x1fd: {  	[tilespmem:s19], [sflag:$0x1] =	stream.strided.gather [hbm4b:s23+s10], $0x0, s11, s10, $0x38;
	[tilespmem:$0x10400] =	vst v63  }
0x1fe: {  	_ = 	snop  }
0x1ff: {  	[tilespmem:s19], [sflag:$0x1] =	stream.linear.gather [hbm4b:s23+s1], $0x20, $0x38;
	[tilespmem:$0x10400] =	vst v63  }
0x200: {  	s24 =	sadd.s32 $0xAA0, s17;
	s25 =	sadd.s32 s4, s18  }
0x201: {  	(v2sf) =	vpush v1, $0xE;
	[tilespmem:s24], [sflag:$0x1] =	stream.strided.gather [hbm4b:s25+s10], $0x0, s11, s10, $0x38;
	[tilespmem:$0x10400] =	vst v63  }
0x202: {  	_ = 	snop  }
0x203: {  	[tilespmem:s24], [sflag:$0x1] =	stream.linear.gather [hbm4b:s25+s1], $0x20, $0x38;
	[tilespmem:$0x10400] =	vst v63  }
0x204: {  	s26 =	sadd.s32 $0xAC0, s17;
	s28 =	sadd.s32 s3, s22  }
0x205: {  	[tilespmem:s26], [sflag:$0x1] =	stream.strided.gather [hbm4b:s28+s10], $0x0, s11, s10, $0x38;
	[tilespmem:$0x10400] =	vst v63  }
0x206: {  	_ = 	snop  }
0x207: {  	[tilespmem:s26], [sflag:$0x1] =	stream.linear.gather [hbm4b:s28+s1], $0x20, $0x38;
	[tilespmem:$0x10400] =	vst v63  }
0x208: {  	s21 =	spop (v2sf);
	s30 =	sadd.s32 $0xAE0, s17;
	s31 =	sadd.s32 s4, s22  }
0x209: {  	(v2sf) =	vpush v0, $0xF;
	[tilespmem:s30], [sflag:$0x1] =	stream.strided.gather [hbm4b:s31+s10], $0x0, s11, s10, $0x38;
	[tilespmem:$0x10400] =	vst v63  }
0x20a: {  	s6 =	sand.u32 $0x1FFFFFF0, s21  }
0x20b: {  	[tilespmem:s30], [sflag:$0x1] =	stream.linear.gather [hbm4b:s31+s1], $0x20, $0x38;
	[tilespmem:$0x10400] =	vst v63  }
0x20c: {  	s7 =	sadd.s32 $0xB00, s17;
	s9 =	sadd.s32 s3, s6  }
0x20d: {  	[tilespmem:s7], [sflag:$0x1] =	stream.strided.gather [hbm4b:s9+s10], $0x0, s11, s10, $0x38;
	[tilespmem:$0x10400] =	vst v63  }
0x20e: {  	_ = 	snop  }
0x20f: {  	[tilespmem:s7], [sflag:$0x1] =	stream.linear.gather [hbm4b:s9+s1], $0x20, $0x38;
	[tilespmem:$0x10400] =	vst v63  }
0x210: {  	s20 =	spop (v2sf);
	s12 =	sadd.s32 $0xB20, s17;
	s13 =	sadd.s32 s4, s6  }
0x211: {  	(v2sf) =	vpush v1, $0xF;
	[tilespmem:s12], [sflag:$0x1] =	stream.strided.gather [hbm4b:s13+s10], $0x0, s11, s10, $0x38;
	[tilespmem:$0x10400] =	vst v63  }
0x212: {  	s15 =	sand.u32 $0x1FFFFFF0, s20  }
0x213: {  	[tilespmem:s12], [sflag:$0x1] =	stream.linear.gather [hbm4b:s13+s1], $0x20, $0x38;
	[tilespmem:$0x10400] =	vst v63  }
0x214: {  	s18 =	sadd.s32 $0xB40, s17;
	s19 =	sadd.s32 s3, s15  }
0x215: {  	[tilespmem:s18], [sflag:$0x1] =	stream.strided.gather [hbm4b:s19+s10], $0x0, s11, s10, $0x38;
	[tilespmem:$0x10400] =	vst v63  }
0x216: {  	_ = 	snop  }
0x217: {  	[tilespmem:s18], [sflag:$0x1] =	stream.linear.gather [hbm4b:s19+s1], $0x20, $0x38;
	[tilespmem:$0x10400] =	vst v63  }
0x218: {  	s14 =	spop (v2sf);
	s20 =	sadd.s32 $0xB60, s17;
	s21 =	sadd.s32 s4, s15  }
0x219: {  	[tilespmem:s20], [sflag:$0x1] =	stream.strided.gather [hbm4b:s21+s10], $0x0, s11, s10, $0x38;
	[tilespmem:$0x10400] =	vst v63  }
0x21a: {  	s22 =	sand.u32 $0x1FFFFFF0, s14  }
0x21b: {  	[tilespmem:s20], [sflag:$0x1] =	stream.linear.gather [hbm4b:s21+s1], $0x20, $0x38;
	[tilespmem:$0x10400] =	vst v63  }
0x21c: {  	s23 =	sadd.s32 $0xB80, s17;
	s24 =	sadd.s32 s3, s22  }
0x21d: {  	[tilespmem:s23], [sflag:$0x1] =	stream.strided.gather [hbm4b:s24+s10], $0x0, s11, s10, $0x38;
	[tilespmem:$0x10400] =	vst v63  }
0x21e: {  	_ = 	snop  }
0x21f: {  	[tilespmem:s23], [sflag:$0x1] =	stream.linear.gather [hbm4b:s24+s1], $0x20, $0x38;
	[tilespmem:$0x10400] =	vst v63  }
0x220: {  	s16 =	spop (v2sf);
	s25 =	sadd.s32 $0xBA0, s17;
	s26 =	sadd.s32 s4, s22  }
0x221: {  	[tilespmem:s25], [sflag:$0x1] =	stream.strided.gather [hbm4b:s26+s10], $0x0, s11, s10, $0x38;
	[tilespmem:$0x10400] =	vst v63  }
0x222: {  	s28 =	sand.u32 $0x1FFFFFF0, s16  }
0x223: {  	[tilespmem:s25], [sflag:$0x1] =	stream.linear.gather [hbm4b:s26+s1], $0x20, $0x38;
	[tilespmem:$0x10400] =	vst v63  }
0x224: {  	p0 =	sne.s32 s29, $0x3E000;
	s30 =	sadd.s32 $0xBC0, s17;
	s31 =	sadd.s32 s3, s28  }
0x225: {  	[tilespmem:s30], [sflag:$0x1] =	stream.strided.gather [hbm4b:s31+s10], $0x0, s11, s10, $0x38;
	[tilespmem:$0x10400] =	vst v63  }
.Ltmp0:
0x226: {  	_ = 	snop;
	(pc) =	sbr.rel @p0 .LBB2_2-.Ltmp0, $4  }
0x227: {  	s29 =	sadd.s32 $0x2000, s29;
	s8 =	rddreg [dreg:$0x5]  }
0x228: {  	[tilespmem:s30], [sflag:$0x1] =	stream.linear.gather [hbm4b:s31+s1], $0x20, $0x38;
	[tilespmem:$0x10400] =	vst v63  }
0x229: {  	s5 =	rddreg [dreg:$0x6];
	s0 =	sadd.s32 $0xBE0, s17;
	s2 =	sadd.s32 s4, s28  }
0x22a: {  	[tilespmem:s0], [sflag:$0x1] =	stream.strided.gather [hbm4b:s2+s10], $0x0, s11, s10, $0x38;
	[tilespmem:$0x10400] =	vst v63  }
0x22b: {  	[tilespmem:s0], [sflag:$0x1] =	stream.linear.gather [hbm4b:s2+s1], $0x20, $0x38;
	[tilespmem:$0x10400] =	vst v63  }
0x22c: {  	s29 =	simm.s32 $0x1  }
0x22d: {  	_ =	swait.ge [sflag:s29], $0x10000  }
0x22e: {  	[sflag:s29] =	ssyncset.done $0x0  }
0x22f: {  	s2 =	simm.s32 $0x2;
	s30 =	rddreg [dreg:$0xb];
	[sflag:s29] =	ssyncadd.s32 $0xFFFF0000  }
0x230: {  	[hbm4b:s30+s1] =	stream.linear.scatter [tilespmem:s11], [sflag:$0x2], $0x10000, $0x38;
	[tilespmem:$0x10400] =	vst v63  }
0x231: {  	_ =	swait.ge [sflag:s2], $0x10000  }
0x232: {  	s5 =	rddreg [dreg:$0xd]  }
0x233: {  	s31 =	rddreg [dreg:$0xc];
	s5 =	sadd.s32 $0x1, s5  }
0x234: {  	p0 =	sne.s32 s5, s31  }
.Ltmp1:
0x235: {  	_ = 	snop;
	(pc) =	sbr.rel @p0 .LBB2_1-.Ltmp1, $3  }
0x236: {  	_ =	sdelay $0x1  }
0x237: {  	[sflag:s2] =	ssyncset.done $0x0  }
0x238: {  	[sflag:s2] =	ssyncadd.s32 $0xFFFF0000  }
0x239: {  	_ =	sfence.sel $0x180000  }
0x23a: {  	[bflag:$0x0] =	sbarrier.arrive $0xFFFF  }
0x23b: {  	_ =	strace $0x90000047  }
0x23c: {  	s0 =	stileid.u32;
	[bflag:$0x2] =	sbarrier.arrive $0xFFFF  }
0x23d: {  	p0 =	sne.s32 s0, $0x0;
	s0 =	rddreg [dreg:$0x4]  }
0x23e: {  	s0 =	sadd.s32 @!p0 $0x100000, s0  }
0x23f: {  	[sflag:s0] =	ssyncadd.tile.s32 @!p0 $0x1;
	_ =	shalt  }
.Lfunc_end2:
_tile_overlayer_lowered:
.L_overlay_start_2:
0x240: {  	(tag) =	ssettag $0x2  }
0x241: {  	s0 =	rddreg [dreg:$0x0];
	s2 =	stileid.u32  }
0x242: {  	s1 =	rddreg [dreg:$0x1];
	p0 =	sne.s32 s2, $0x0  }
0x243: {  	s3 =	rddreg [dreg:$0x2];
	[bflag:$0x3] =	sbarrier.arrive $0xFFFF;
	s2 =	simm.s32 @!p0 $0x1C02  }
0x244: {  	[timem:s3], [sflag:s2] =	dma.local @!p0 [hbm:s0], s1  }
0x245: {  	s0 =	simm.s32 @!p0 $0x2  }
0x246: {  	_ =	swait.ge @!p0 [sflag:s0], s1  }
0x247: {  	s1 =	ssub.s32 @!p0 $0x0, s1;
	[sflag:s0] =	ssyncset.done @!p0 $0x0  }
0x248: {  	[sflag:s0] =	ssyncadd.s32 @!p0 s1  }
0x249: {  	[bflag:$0x3] =	sbarrier.arrive $0xFFFF  }
0x24a: {  	_ =	shalt  }

</sc_bundles>
